<compile_context>
chip_gen: v7x
topology: tpu7x:2x2x1
jax: 0.10.2.dev20260603
libtpu: 0.0.44.dev20260713+nightly
codegen_flags: <defaults>
</compile_context>

<pallas_src>
import jax
import jax.numpy as jnp
from jax import lax
from jax.experimental import pallas as pl
from jax.experimental.pallas import tpu as pltpu
from jax.experimental.pallas import tpu_sc as plsc

B = 64
N = 20000

SC_TILES = 84
N_SC = SC_TILES * 128

NUM_WORKERS = 32
OCTET = 8
QUARTER = N_SC // 4
CHUNK_N = 896
NUM_CHUNKS = QUARTER // CHUNK_N

TC_BB = 64
TC_BN = 1536
TC_JOFF = N_SC // TC_BN
TC_NBLK = -(-(N - N_SC) // TC_BN)


def _sc_body(c_hbm, t_hbm, p_hbm, out_hbm,
             c0, c1, t0, t1, p0, p1, acc_v,
             sc0, sc1, st0, st1, sp0, sp1):
    nc = 2
    wid = lax.axis_index("s") * nc + lax.axis_index("c")
    o = wid // 4
    q = wid % 4
    b0 = pl.multiple_of(o * OCTET, 8)
    nbase = q * QUARTER
    zero = jnp.zeros((16,), jnp.float32)

    def start(k, cv, tv, pv, cs, ts, ps):
        n0 = pl.multiple_of(nbase + k * CHUNK_N, 128)
        pltpu.make_async_copy(
            c_hbm.at[0, pl.ds(b0, OCTET), pl.ds(n0, CHUNK_N)], cv, cs).start()
        pltpu.make_async_copy(
            t_hbm.at[pl.ds(b0, OCTET), :, pl.ds(n0, CHUNK_N)], tv, ts).start()
        pltpu.make_async_copy(
            p_hbm.at[pl.ds(b0, OCTET), :, pl.ds(n0, CHUNK_N)], pv, ps).start()

    def wait(k, cv, tv, pv, cs, ts, ps):
        n0 = pl.multiple_of(nbase + k * CHUNK_N, 128)
        pltpu.make_async_copy(
            c_hbm.at[0, pl.ds(b0, OCTET), pl.ds(n0, CHUNK_N)], cv, cs).wait()
        pltpu.make_async_copy(
            t_hbm.at[pl.ds(b0, OCTET), :, pl.ds(n0, CHUNK_N)], tv, ts).wait()
        pltpu.make_async_copy(
            p_hbm.at[pl.ds(b0, OCTET), :, pl.ds(n0, CHUNK_N)], pv, ps).wait()

    def compute(cv, tv, pv, carry):
        def group_body(g, gcarry):
            gsq, gwa = gcarry
            col = pl.ds(g * 16, 16)
            for bi in range(OCTET):
                c16 = cv[bi, col]
                w = jnp.where(c16 != 0, jnp.float32(1), jnp.float32(0))
                gwa = gwa + w
                d = pv[bi, 0, col] - tv[bi, 0, col]
                s = d * d
                for comp in range(1, 4):
                    d = pv[bi, comp, col] - tv[bi, comp, col]
                    s = s + d * d
                gsq = gsq + s * w
            return gsq, gwa

        return lax.fori_loop(0, CHUNK_N // 16, group_body, carry)

    start(0, c0, t0, p0, sc0, st0, sp0)

    def pair_body(i, carry):
        ka = 2 * i
        wait(ka, c0, t0, p0, sc0, st0, sp0)
        start(ka + 1, c1, t1, p1, sc1, st1, sp1)
        carry = compute(c0, t0, p0, carry)
        wait(ka + 1, c1, t1, p1, sc1, st1, sp1)
        start(ka + 2, c0, t0, p0, sc0, st0, sp0)
        return compute(c1, t1, p1, carry)

    carry = lax.fori_loop(0, NUM_CHUNKS // 2, pair_body, (zero, zero))
    wait(NUM_CHUNKS - 1, c0, t0, p0, sc0, st0, sp0)
    sq, wa = compute(c0, t0, p0, carry)

    acc_v[pl.ds(0, 16)] = sq
    acc_v[pl.ds(16, 16)] = wa
    pltpu.sync_copy(acc_v, out_hbm.at[wid])


def _sc_call(c2d, t3d, p3d):
    c3d = c2d.reshape(1, B, N)
    mesh = plsc.VectorSubcoreMesh(core_axis_name="c", subcore_axis_name="s")
    return pl.kernel(
        _sc_body,
        mesh=mesh,
        out_type=jax.ShapeDtypeStruct((NUM_WORKERS, 32), jnp.float32),
        scratch_types=[
            pltpu.VMEM((OCTET, CHUNK_N), jnp.int32),
            pltpu.VMEM((OCTET, CHUNK_N), jnp.int32),
            pltpu.VMEM((OCTET, 4, CHUNK_N), jnp.float32),
            pltpu.VMEM((OCTET, 4, CHUNK_N), jnp.float32),
            pltpu.VMEM((OCTET, 4, CHUNK_N), jnp.float32),
            pltpu.VMEM((OCTET, 4, CHUNK_N), jnp.float32),
            pltpu.VMEM((32,), jnp.float32),
            pltpu.SemaphoreType.DMA,
            pltpu.SemaphoreType.DMA,
            pltpu.SemaphoreType.DMA,
            pltpu.SemaphoreType.DMA,
            pltpu.SemaphoreType.DMA,
            pltpu.SemaphoreType.DMA,
        ],
    )(c3d, t3d, p3d)


def _tc_body(c_ref, t_ref, p_ref, num_ref, den_ref, accn, accd):
    j = pl.program_id(0)

    @pl.when(j == 0)
    def _():
        accn[...] = jnp.zeros((TC_BB, TC_BN), jnp.float32)
        accd[...] = jnp.zeros((TC_BB, TC_BN), jnp.float32)

    col = lax.broadcasted_iota(jnp.int32, (TC_BB, TC_BN), 1)
    valid = ((j + TC_JOFF) * TC_BN + col) < N
    w = jnp.where(valid & (c_ref[...] != 0), jnp.float32(1), jnp.float32(0))
    d = p_ref[...] - t_ref[...]
    s = jnp.sum(d * d, axis=1)
    accn[...] += jnp.where(w != 0, s, jnp.float32(0))
    accd[...] += w

    @pl.when(j == TC_NBLK - 1)
    def _():
        num_ref[0, 0] = jnp.sum(accn[...])
        den_ref[0, 0] = jnp.sum(accd[...])


def _tc_call(c2d, t3d, p3d):
    return pl.pallas_call(
        _tc_body,
        grid=(TC_NBLK,),
        in_specs=[
            pl.BlockSpec((TC_BB, TC_BN), lambda j: (0, j + TC_JOFF)),
            pl.BlockSpec((TC_BB, 4, TC_BN), lambda j: (0, 0, j + TC_JOFF)),
            pl.BlockSpec((TC_BB, 4, TC_BN), lambda j: (0, 0, j + TC_JOFF)),
        ],
        out_specs=[
            pl.BlockSpec(memory_space=pltpu.SMEM),
            pl.BlockSpec(memory_space=pltpu.SMEM),
        ],
        out_shape=[
            jax.ShapeDtypeStruct((1, 1), jnp.float32),
            jax.ShapeDtypeStruct((1, 1), jnp.float32),
        ],
        scratch_shapes=[
            pltpu.VMEM((TC_BB, TC_BN), jnp.float32),
            pltpu.VMEM((TC_BB, TC_BN), jnp.float32),
        ],
    )(c2d, t3d, p3d)


@jax.jit
def _bbox_mse(c2d, t3d, p3d):
    partials = _sc_call(c2d, t3d, p3d)
    tc_num, tc_den = _tc_call(c2d, t3d, p3d)
    num = jnp.sum(partials[:, :16]) + tc_num[0, 0]
    den = (jnp.sum(partials[:, 16:]) + tc_den[0, 0]) * 4.0
    return num / den


def kernel(target_bbox, target_class, predicted_bbox):
    t3d = jnp.transpose(target_bbox, (0, 2, 1))
    p3d = jnp.transpose(predicted_bbox, (0, 2, 1))
    c2d = target_class.astype(jnp.int32)
    return _bbox_mse(c2d, t3d, p3d)

# --- scband reference (transcript-rebuilt; emitter-appended) ---
"""Pipeline reference for scband-bounding-box-mseloss-9242769621102 (READ-ONLY COPY).

The authoritative reference and input builder live on the scoring server;
editing this copy changes nothing except your own understanding.
"""

import jax, jax.numpy as jnp
import numpy as np

def setup_inputs(seed: int = 0) -> dict:
    key = jax.random.key(seed)
    k1, k2, k3 = jax.random.split(key, 3)
    target_bbox = jax.random.normal(k1, (64, 20000, 4), dtype=jnp.float32)
    target_class = jax.random.randint(k2, (64, 20000), 0, 2, dtype=jnp.int64)
    predicted_bbox = jax.random.normal(k3, (64, 20000, 4), dtype=jnp.float32)
    return {"target_bbox": target_bbox, "target_class": target_class, "predicted_bbox": predicted_bbox}

def reference(target_bbox, target_class, predicted_bbox):
    # class_safe=True: MSE over boxes whose target_class mask is truthy.
    # PyTorch: nn.MSELoss()(pred[mask], tgt[mask]) = sum((pred-tgt)^2 over selected elems) / (num_selected_rows * 4)
    # Implemented with mask weighting to stay shape-static; numerically identical.
    w = (target_class != 0).astype(jnp.float32)
    diff2 = (predicted_bbox - target_bbox) ** 2
    num = jnp.sum(diff2 * w[..., None])
    den = jnp.sum(w) * jnp.asarray(target_bbox.shape[-1], dtype=jnp.float32)
    return num / den

if __name__ == "__main__":
    import jax
    _d = setup_inputs()
    print(jax.jit(kernel)(*tuple(_d.values())))

</pallas_src>

<mosaic_0001>
#map = affine_map<(d0, d1) -> (0, 0, 0)>
#map1 = affine_map<(d0, d1) -> (0, 0)>
module attributes {stable_mosaic.version = 14 : i64} {
  func.func @_sc_body(%arg0: i32, %arg1: i32, %arg2: memref<1x64x20000xi32, #tpu.memory_space<hbm>>, %arg3: memref<64x4x20000xf32, #tpu.memory_space<hbm>>, %arg4: memref<64x4x20000xf32, #tpu.memory_space<hbm>>, %arg5: memref<32x32xf32, #tpu.memory_space<hbm>>, %arg6: memref<8x896xi32, #tpu.memory_space<vmem>>, %arg7: memref<8x896xi32, #tpu.memory_space<vmem>>, %arg8: memref<8x4x896xf32, #tpu.memory_space<vmem>>, %arg9: memref<8x4x896xf32, #tpu.memory_space<vmem>>, %arg10: memref<8x4x896xf32, #tpu.memory_space<vmem>>, %arg11: memref<8x4x896xf32, #tpu.memory_space<vmem>>, %arg12: memref<32xf32, #tpu.memory_space<vmem>>, %arg13: memref<!tpu.dma_semaphore, #tpu.memory_space<semaphore_mem>>, %arg14: memref<!tpu.dma_semaphore, #tpu.memory_space<semaphore_mem>>, %arg15: memref<!tpu.dma_semaphore, #tpu.memory_space<semaphore_mem>>, %arg16: memref<!tpu.dma_semaphore, #tpu.memory_space<semaphore_mem>>, %arg17: memref<!tpu.dma_semaphore, #tpu.memory_space<semaphore_mem>>, %arg18: memref<!tpu.dma_semaphore, #tpu.memory_space<semaphore_mem>>) attributes {dimension_semantics = [#tpu.dimension_semantics<core_parallel>, #tpu.dimension_semantics<subcore_parallel>], iteration_bounds = array<i64: 2, 16>, scalar_prefetch = 0 : i64, scratch_operands = 13 : i64, tpu.core_type = #tpu.core_type<sc_vector_subcore>, window_params = [{transform_indices = #map}, {transform_indices = #map}, {transform_indices = #map}, {transform_indices = #map1}]} {
    %mul3A = arith.constant 2 : i32
    %mul3A_0 = arith.muli %arg1, %mul3A : i32
    %add3A = arith.addi %mul3A_0, %arg0 : i32
    %jit3A = arith.constant 4 : i32
    %div3A = arith.divsi %add3A, %jit3A : i32
    %sign3A = arith.constant 0 : i32
    %sign3A_1 = arith.cmpi sgt, %add3A, %sign3A : i32
    %sign3A_2 = arith.extui %sign3A_1 : i1 to i32
    %sign3A_3 = arith.constant 0 : i32
    %sign3A_4 = arith.cmpi slt, %add3A, %sign3A_3 : i32
    %sign3A_5 = arith.extui %sign3A_4 : i1 to i32
    %sign3A_6 = arith.subi %sign3A_2, %sign3A_5 : i32
    %sign3A_7 = arith.constant 0 : i32
    %sign3A_8 = arith.cmpi sgt, %jit3A, %sign3A_7 : i32
    %sign3A_9 = arith.extui %sign3A_8 : i1 to i32
    %sign3A_10 = arith.constant 0 : i32
    %sign3A_11 = arith.cmpi slt, %jit3A, %sign3A_10 : i32
    %sign3A_12 = arith.extui %sign3A_11 : i1 to i32
    %sign3A_13 = arith.subi %sign3A_9, %sign3A_12 : i32
    %ne3A = arith.cmpi ne, %sign3A_6, %sign3A_13 : i32
    %rem3A = arith.remsi %add3A, %jit3A : i32
    %ne3A_14 = arith.constant 0 : i32
    %ne3A_15 = arith.cmpi ne, %rem3A, %ne3A_14 : i32
    %and3A = arith.andi %ne3A, %ne3A_15 : i1
    %sub3A = arith.constant 1 : i32
    %sub3A_16 = arith.subi %div3A, %sub3A : i32
    %select_n3A = arith.select %and3A, %sub3A_16, %div3A : i32
    %jit3A_17 = arith.constant 4 : i32
    %eq3A = arith.constant 0 : i32
    %eq3A_18 = arith.cmpi eq, %jit3A_17, %eq3A : i32
    %jit3A_19 = arith.constant 1 : i32
    %select_n3A_20 = arith.select %eq3A_18, %jit3A_19, %jit3A_17 : i32
    %rem3A_21 = arith.remsi %add3A, %select_n3A_20 : i32
    %ne3A_22 = arith.constant 0 : i32
    %ne3A_23 = arith.cmpi ne, %rem3A_21, %ne3A_22 : i32
    %lt3A = arith.constant 0 : i32
    %lt3A_24 = arith.cmpi slt, %rem3A_21, %lt3A : i32
    %lt3A_25 = arith.constant 0 : i32
    %lt3A_26 = arith.cmpi slt, %select_n3A_20, %lt3A_25 : i32
    %ne3A_27 = arith.xori %lt3A_24, %lt3A_26 : i1
    %and3A_28 = arith.andi %ne3A_27, %ne3A_23 : i1
    %add3A_29 = arith.addi %rem3A_21, %select_n3A_20 : i32
    %select_n3A_30 = arith.select %and3A_28, %add3A_29, %rem3A_21 : i32
    %mul3A_31 = arith.constant 8 : i32
    %mul3A_32 = arith.muli %select_n3A, %mul3A_31 : i32
    %multiple_of3A = tpu.assume_multiple %mul3A_32, 8 : i32
    %mul3A_33 = arith.constant 2688 : i32
    %mul3A_34 = arith.muli %select_n3A_30, %mul3A_33 : i32
    %broadcast_in_dim3A = arith.constant 0.000000e+00 : f32
    %broadcast_in_dim3A_35 = vector.broadcast %broadcast_in_dim3A : f32 to vector<16xf32>
    %add3A_36 = arith.constant 0 : i32
    %add3A_37 = arith.addi %mul3A_34, %add3A_36 : i32
    %multiple_of3A_38 = tpu.assume_multiple %add3A_37, 128 : i32
    %dma_start3A = arith.constant 0 : i32
    %dma_start3A_39 = tpu.memref_slice %arg2[%dma_start3A, %multiple_of3A, %multiple_of3A_38] : memref<1x64x20000xi32, #tpu.memory_space<hbm>> -> memref<1x8x896xi32, #tpu.memory_space<hbm>>
    %dma_start3A_40 = tpu.memref_squeeze %dma_start3A_39 : memref<1x8x896xi32, #tpu.memory_space<hbm>> -> memref<8x896xi32, #tpu.memory_space<hbm>>
    %dma_start3A_41 = tpu.memref_slice %arg2[%dma_start3A, %multiple_of3A, %multiple_of3A_38] : memref<1x64x20000xi32, #tpu.memory_space<hbm>> -> memref<1x8x896xi32, #tpu.memory_space<hbm>>
    %dma_start3A_42 = tpu.memref_squeeze %dma_start3A_41 : memref<1x8x896xi32, #tpu.memory_space<hbm>> -> memref<8x896xi32, #tpu.memory_space<hbm>>
    tpu.enqueue_dma source(%dma_start3A_42 : memref<8x896xi32, #tpu.memory_space<hbm>>) target(%arg6 : memref<8x896xi32, #tpu.memory_space<vmem>>) target_semaphore(%arg13 : memref<!tpu.dma_semaphore, #tpu.memory_space<semaphore_mem>>)
    %dma_start3A_43 = arith.constant 0 : i32
    %dma_start3A_44 = tpu.memref_slice %arg3[%multiple_of3A, %dma_start3A_43, %multiple_of3A_38] : memref<64x4x20000xf32, #tpu.memory_space<hbm>> -> memref<8x4x896xf32, #tpu.memory_space<hbm>>
    %dma_start3A_45 = arith.constant 0 : i32
    %dma_start3A_46 = tpu.memref_slice %arg3[%multiple_of3A, %dma_start3A_45, %multiple_of3A_38] : memref<64x4x20000xf32, #tpu.memory_space<hbm>> -> memref<8x4x896xf32, #tpu.memory_space<hbm>>
    tpu.enqueue_dma source(%dma_start3A_46 : memref<8x4x896xf32, #tpu.memory_space<hbm>>) target(%arg8 : memref<8x4x896xf32, #tpu.memory_space<vmem>>) target_semaphore(%arg15 : memref<!tpu.dma_semaphore, #tpu.memory_space<semaphore_mem>>)
    %dma_start3A_47 = arith.constant 0 : i32
    %dma_start3A_48 = tpu.memref_slice %arg4[%multiple_of3A, %dma_start3A_47, %multiple_of3A_38] : memref<64x4x20000xf32, #tpu.memory_space<hbm>> -> memref<8x4x896xf32, #tpu.memory_space<hbm>>
    %dma_start3A_49 = arith.constant 0 : i32
    %dma_start3A_50 = tpu.memref_slice %arg4[%multiple_of3A, %dma_start3A_49, %multiple_of3A_38] : memref<64x4x20000xf32, #tpu.memory_space<hbm>> -> memref<8x4x896xf32, #tpu.memory_space<hbm>>
    tpu.enqueue_dma source(%dma_start3A_50 : memref<8x4x896xf32, #tpu.memory_space<hbm>>) target(%arg10 : memref<8x4x896xf32, #tpu.memory_space<vmem>>) target_semaphore(%arg17 : memref<!tpu.dma_semaphore, #tpu.memory_space<semaphore_mem>>)
    %scan3A = arith.constant 0 : i32
    %mul3A_51 = arith.constant 2 : i32
    %mul3A_52 = arith.muli %mul3A_51, %scan3A : i32
    %mul3A_53 = arith.constant 896 : i32
    %mul3A_54 = arith.muli %mul3A_52, %mul3A_53 : i32
    %add3A_55 = arith.addi %mul3A_34, %mul3A_54 : i32
    %multiple_of3A_56 = tpu.assume_multiple %add3A_55, 128 : i32
    %dma_wait3A = arith.constant 0 : i32
    %dma_wait3A_57 = tpu.memref_slice %arg2[%dma_wait3A, %multiple_of3A, %multiple_of3A_56] : memref<1x64x20000xi32, #tpu.memory_space<hbm>> -> memref<1x8x896xi32, #tpu.memory_space<hbm>>
    %dma_wait3A_58 = tpu.memref_squeeze %dma_wait3A_57 : memref<1x8x896xi32, #tpu.memory_space<hbm>> -> memref<8x896xi32, #tpu.memory_space<hbm>>
    %dma_wait3A_59 = tpu.memref_slice %arg2[%dma_wait3A, %multiple_of3A, %multiple_of3A_56] : memref<1x64x20000xi32, #tpu.memory_space<hbm>> -> memref<1x8x896xi32, #tpu.memory_space<hbm>>
    %dma_wait3A_60 = tpu.memref_squeeze %dma_wait3A_59 : memref<1x8x896xi32, #tpu.memory_space<hbm>> -> memref<8x896xi32, #tpu.memory_space<hbm>>
    tpu.wait_dma2 semaphore(%arg13 : memref<!tpu.dma_semaphore, #tpu.memory_space<semaphore_mem>>) src(%dma_wait3A_60 : memref<8x896xi32, #tpu.memory_space<hbm>>) dst(%arg6 : memref<8x896xi32, #tpu.memory_space<vmem>>)
    %dma_wait3A_61 = arith.constant 0 : i32
    %dma_wait3A_62 = tpu.memref_slice %arg3[%multiple_of3A, %dma_wait3A_61, %multiple_of3A_56] : memref<64x4x20000xf32, #tpu.memory_space<hbm>> -> memref<8x4x896xf32, #tpu.memory_space<hbm>>
    %dma_wait3A_63 = arith.constant 0 : i32
    %dma_wait3A_64 = tpu.memref_slice %arg3[%multiple_of3A, %dma_wait3A_63, %multiple_of3A_56] : memref<64x4x20000xf32, #tpu.memory_space<hbm>> -> memref<8x4x896xf32, #tpu.memory_space<hbm>>
    tpu.wait_dma2 semaphore(%arg15 : memref<!tpu.dma_semaphore, #tpu.memory_space<semaphore_mem>>) src(%dma_wait3A_64 : memref<8x4x896xf32, #tpu.memory_space<hbm>>) dst(%arg8 : memref<8x4x896xf32, #tpu.memory_space<vmem>>)
    %dma_wait3A_65 = arith.constant 0 : i32
    %dma_wait3A_66 = tpu.memref_slice %arg4[%multiple_of3A, %dma_wait3A_65, %multiple_of3A_56] : memref<64x4x20000xf32, #tpu.memory_space<hbm>> -> memref<8x4x896xf32, #tpu.memory_space<hbm>>
    %dma_wait3A_67 = arith.constant 0 : i32
    %dma_wait3A_68 = tpu.memref_slice %arg4[%multiple_of3A, %dma_wait3A_67, %multiple_of3A_56] : memref<64x4x20000xf32, #tpu.memory_space<hbm>> -> memref<8x4x896xf32, #tpu.memory_space<hbm>>
    tpu.wait_dma2 semaphore(%arg17 : memref<!tpu.dma_semaphore, #tpu.memory_space<semaphore_mem>>) src(%dma_wait3A_68 : memref<8x4x896xf32, #tpu.memory_space<hbm>>) dst(%arg10 : memref<8x4x896xf32, #tpu.memory_space<vmem>>)
    %add3A_69 = arith.constant 1 : i32
    %add3A_70 = arith.addi %mul3A_52, %add3A_69 : i32
    %mul3A_71 = arith.constant 896 : i32
    %mul3A_72 = arith.muli %add3A_70, %mul3A_71 : i32
    %add3A_73 = arith.addi %mul3A_34, %mul3A_72 : i32
    %multiple_of3A_74 = tpu.assume_multiple %add3A_73, 128 : i32
    %dma_start3A_75 = arith.constant 0 : i32
    %dma_start3A_76 = tpu.memref_slice %arg2[%dma_start3A_75, %multiple_of3A, %multiple_of3A_74] : memref<1x64x20000xi32, #tpu.memory_space<hbm>> -> memref<1x8x896xi32, #tpu.memory_space<hbm>>
    %dma_start3A_77 = tpu.memref_squeeze %dma_start3A_76 : memref<1x8x896xi32, #tpu.memory_space<hbm>> -> memref<8x896xi32, #tpu.memory_space<hbm>>
    %dma_start3A_78 = tpu.memref_slice %arg2[%dma_start3A_75, %multiple_of3A, %multiple_of3A_74] : memref<1x64x20000xi32, #tpu.memory_space<hbm>> -> memref<1x8x896xi32, #tpu.memory_space<hbm>>
    %dma_start3A_79 = tpu.memref_squeeze %dma_start3A_78 : memref<1x8x896xi32, #tpu.memory_space<hbm>> -> memref<8x896xi32, #tpu.memory_space<hbm>>
    tpu.enqueue_dma source(%dma_start3A_79 : memref<8x896xi32, #tpu.memory_space<hbm>>) target(%arg7 : memref<8x896xi32, #tpu.memory_space<vmem>>) target_semaphore(%arg14 : memref<!tpu.dma_semaphore, #tpu.memory_space<semaphore_mem>>)
    %dma_start3A_80 = arith.constant 0 : i32
    %dma_start3A_81 = tpu.memref_slice %arg3[%multiple_of3A, %dma_start3A_80, %multiple_of3A_74] : memref<64x4x20000xf32, #tpu.memory_space<hbm>> -> memref<8x4x896xf32, #tpu.memory_space<hbm>>
    %dma_start3A_82 = arith.constant 0 : i32
    %dma_start3A_83 = tpu.memref_slice %arg3[%multiple_of3A, %dma_start3A_82, %multiple_of3A_74] : memref<64x4x20000xf32, #tpu.memory_space<hbm>> -> memref<8x4x896xf32, #tpu.memory_space<hbm>>
    tpu.enqueue_dma source(%dma_start3A_83 : memref<8x4x896xf32, #tpu.memory_space<hbm>>) target(%arg9 : memref<8x4x896xf32, #tpu.memory_space<vmem>>) target_semaphore(%arg16 : memref<!tpu.dma_semaphore, #tpu.memory_space<semaphore_mem>>)
    %dma_start3A_84 = arith.constant 0 : i32
    %dma_start3A_85 = tpu.memref_slice %arg4[%multiple_of3A, %dma_start3A_84, %multiple_of3A_74] : memref<64x4x20000xf32, #tpu.memory_space<hbm>> -> memref<8x4x896xf32, #tpu.memory_space<hbm>>
    %dma_start3A_86 = arith.constant 0 : i32
    %dma_start3A_87 = tpu.memref_slice %arg4[%multiple_of3A, %dma_start3A_86, %multiple_of3A_74] : memref<64x4x20000xf32, #tpu.memory_space<hbm>> -> memref<8x4x896xf32, #tpu.memory_space<hbm>>
    tpu.enqueue_dma source(%dma_start3A_87 : memref<8x4x896xf32, #tpu.memory_space<hbm>>) target(%arg11 : memref<8x4x896xf32, #tpu.memory_space<vmem>>) target_semaphore(%arg18 : memref<!tpu.dma_semaphore, #tpu.memory_space<semaphore_mem>>)
    %scan3A_88 = arith.constant 0 : i32
    %scan3A_89 = arith.constant 56 : i32
    %scan3A_90 = arith.addi %scan3A_88, %scan3A_89 : i32
    %scan3A_91 = arith.constant 1 : i32
    %scan3A_92:2 = scf.for %scan3A_168 = %scan3A_88 to %scan3A_90 step %scan3A_91 iter_args(%scan3A_169 = %broadcast_in_dim3A_35, %scan3A_170 = %broadcast_in_dim3A_35) -> (vector<16xf32>, vector<16xf32>)  : i32 {
      %mul3A_171 = arith.constant 16 : i32
      %mul3A_172 = arith.muli %scan3A_168, %mul3A_171 : i32
      %get3A = arith.constant 0 : i32
      %get3A_173 = arith.index_cast %get3A : i32 to index
      %get3A_174 = arith.index_cast %mul3A_172 : i32 to index
      %get3A_175 = tpu.vector_load %arg6[%get3A_173, %get3A_174] {strides = array<i32>} : memref<8x896xi32, #tpu.memory_space<vmem>>, vector<1x16xi32>,
      %get3A_176 = vector.shape_cast %get3A_175 : vector<1x16xi32> to vector<16xi32>
      %ne3A_177 = arith.constant 0 : i32
      %ne3A_178 = vector.broadcast %ne3A_177 : i32 to vector<16xi32>
      %ne3A_179 = arith.cmpi ne, %get3A_176, %ne3A_178 : vector<16xi32>
      %jit3A_180 = arith.constant 1.000000e+00 : f32
      %jit3A_181 = arith.constant 0.000000e+00 : f32
      %broadcast_in_dim3A_182 = vector.broadcast %jit3A_180 : f32 to vector<16xf32>
      %broadcast_in_dim3A_183 = vector.broadcast %jit3A_181 : f32 to vector<16xf32>
      %select_n3A_184 = arith.select %ne3A_179, %broadcast_in_dim3A_182, %broadcast_in_dim3A_183 : vector<16xi1>, vector<16xf32>
      %add3A_185 = arith.addf %scan3A_170, %select_n3A_184 : vector<16xf32>
      %get3A_186 = arith.constant 0 : i32
      %get3A_187 = arith.constant 0 : i32
      %get3A_188 = arith.index_cast %get3A_186 : i32 to index
      %get3A_189 = arith.index_cast %get3A_187 : i32 to index
      %get3A_190 = arith.index_cast %mul3A_172 : i32 to index
      %get3A_191 = tpu.vector_load %arg10[%get3A_188, %get3A_189, %get3A_190] {strides = array<i32>} : memref<8x4x896xf32, #tpu.memory_space<vmem>>, vector<1x1x16xf32>,
      %get3A_192 = vector.shape_cast %get3A_191 : vector<1x1x16xf32> to vector<16xf32>
      %get3A_193 = arith.constant 0 : i32
      %get3A_194 = arith.constant 0 : i32
      %get3A_195 = arith.index_cast %get3A_193 : i32 to index
      %get3A_196 = arith.index_cast %get3A_194 : i32 to index
      %get3A_197 = arith.index_cast %mul3A_172 : i32 to index
      %get3A_198 = tpu.vector_load %arg8[%get3A_195, %get3A_196, %get3A_197] {strides = array<i32>} : memref<8x4x896xf32, #tpu.memory_space<vmem>>, vector<1x1x16xf32>,
      %get3A_199 = vector.shape_cast %get3A_198 : vector<1x1x16xf32> to vector<16xf32>
      %sub3A_200 = arith.subf %get3A_192, %get3A_199 : vector<16xf32>
      %mul3A_201 = arith.mulf %sub3A_200, %sub3A_200 : vector<16xf32>
      %get3A_202 = arith.constant 0 : i32
      %get3A_203 = arith.constant 1 : i32
      %get3A_204 = arith.index_cast %get3A_202 : i32 to index
      %get3A_205 = arith.index_cast %get3A_203 : i32 to index
      %get3A_206 = arith.index_cast %mul3A_172 : i32 to index
      %get3A_207 = tpu.vector_load %arg10[%get3A_204, %get3A_205, %get3A_206] {strides = array<i32>} : memref<8x4x896xf32, #tpu.memory_space<vmem>>, vector<1x1x16xf32>,
      %get3A_208 = vector.shape_cast %get3A_207 : vector<1x1x16xf32> to vector<16xf32>
      %get3A_209 = arith.constant 0 : i32
      %get3A_210 = arith.constant 1 : i32
      %get3A_211 = arith.index_cast %get3A_209 : i32 to index
      %get3A_212 = arith.index_cast %get3A_210 : i32 to index
      %get3A_213 = arith.index_cast %mul3A_172 : i32 to index
      %get3A_214 = tpu.vector_load %arg8[%get3A_211, %get3A_212, %get3A_213] {strides = array<i32>} : memref<8x4x896xf32, #tpu.memory_space<vmem>>, vector<1x1x16xf32>,
      %get3A_215 = vector.shape_cast %get3A_214 : vector<1x1x16xf32> to vector<16xf32>
      %sub3A_216 = arith.subf %get3A_208, %get3A_215 : vector<16xf32>
      %mul3A_217 = arith.mulf %sub3A_216, %sub3A_216 : vector<16xf32>
      %add3A_218 = arith.addf %mul3A_201, %mul3A_217 : vector<16xf32>
      %get3A_219 = arith.constant 0 : i32
      %get3A_220 = arith.constant 2 : i32
      %get3A_221 = arith.index_cast %get3A_219 : i32 to index
      %get3A_222 = arith.index_cast %get3A_220 : i32 to index
      %get3A_223 = arith.index_cast %mul3A_172 : i32 to index
      %get3A_224 = tpu.vector_load %arg10[%get3A_221, %get3A_222, %get3A_223] {strides = array<i32>} : memref<8x4x896xf32, #tpu.memory_space<vmem>>, vector<1x1x16xf32>,
      %get3A_225 = vector.shape_cast %get3A_224 : vector<1x1x16xf32> to vector<16xf32>
      %get3A_226 = arith.constant 0 : i32
      %get3A_227 = arith.constant 2 : i32
      %get3A_228 = arith.index_cast %get3A_226 : i32 to index
      %get3A_229 = arith.index_cast %get3A_227 : i32 to index
      %get3A_230 = arith.index_cast %mul3A_172 : i32 to index
      %get3A_231 = tpu.vector_load %arg8[%get3A_228, %get3A_229, %get3A_230] {strides = array<i32>} : memref<8x4x896xf32, #tpu.memory_space<vmem>>, vector<1x1x16xf32>,
      %get3A_232 = vector.shape_cast %get3A_231 : vector<1x1x16xf32> to vector<16xf32>
      %sub3A_233 = arith.subf %get3A_225, %get3A_232 : vector<16xf32>
      %mul3A_234 = arith.mulf %sub3A_233, %sub3A_233 : vector<16xf32>
      %add3A_235 = arith.addf %add3A_218, %mul3A_234 : vector<16xf32>
      %get3A_236 = arith.constant 0 : i32
      %get3A_237 = arith.constant 3 : i32
      %get3A_238 = arith.index_cast %get3A_236 : i32 to index
      %get3A_239 = arith.index_cast %get3A_237 : i32 to index
      %get3A_240 = arith.index_cast %mul3A_172 : i32 to index
      %get3A_241 = tpu.vector_load %arg10[%get3A_238, %get3A_239, %get3A_240] {strides = array<i32>} : memref<8x4x896xf32, #tpu.memory_space<vmem>>, vector<1x1x16xf32>,
      %get3A_242 = vector.shape_cast %get3A_241 : vector<1x1x16xf32> to vector<16xf32>
      %get3A_243 = arith.constant 0 : i32
      %get3A_244 = arith.constant 3 : i32
      %get3A_245 = arith.index_cast %get3A_243 : i32 to index
      %get3A_246 = arith.index_cast %get3A_244 : i32 to index
      %get3A_247 = arith.index_cast %mul3A_172 : i32 to index
      %get3A_248 = tpu.vector_load %arg8[%get3A_245, %get3A_246, %get3A_247] {strides = array<i32>} : memref<8x4x896xf32, #tpu.memory_space<vmem>>, vector<1x1x16xf32>,
      %get3A_249 = vector.shape_cast %get3A_248 : vector<1x1x16xf32> to vector<16xf32>
      %sub3A_250 = arith.subf %get3A_242, %get3A_249 : vector<16xf32>
      %mul3A_251 = arith.mulf %sub3A_250, %sub3A_250 : vector<16xf32>
      %add3A_252 = arith.addf %add3A_235, %mul3A_251 : vector<16xf32>
      %mul3A_253 = arith.mulf %add3A_252, %select_n3A_184 : vector<16xf32>
      %add3A_254 = arith.addf %scan3A_169, %mul3A_253 : vector<16xf32>
      %get3A_255 = arith.constant 1 : i32
      %get3A_256 = arith.index_cast %get3A_255 : i32 to index
      %get3A_257 = arith.index_cast %mul3A_172 : i32 to index
      %get3A_258 = tpu.vector_load %arg6[%get3A_256, %get3A_257] {strides = array<i32>} : memref<8x896xi32, #tpu.memory_space<vmem>>, vector<1x16xi32>,
      %get3A_259 = vector.shape_cast %get3A_258 : vector<1x16xi32> to vector<16xi32>
      %ne3A_260 = arith.constant 0 : i32
      %ne3A_261 = vector.broadcast %ne3A_260 : i32 to vector<16xi32>
      %ne3A_262 = arith.cmpi ne, %get3A_259, %ne3A_261 : vector<16xi32>
      %jit3A_263 = arith.constant 1.000000e+00 : f32
      %jit3A_264 = arith.constant 0.000000e+00 : f32
      %broadcast_in_dim3A_265 = vector.broadcast %jit3A_263 : f32 to vector<16xf32>
      %broadcast_in_dim3A_266 = vector.broadcast %jit3A_264 : f32 to vector<16xf32>
      %select_n3A_267 = arith.select %ne3A_262, %broadcast_in_dim3A_265, %broadcast_in_dim3A_266 : vector<16xi1>, vector<16xf32>
      %add3A_268 = arith.addf %add3A_185, %select_n3A_267 : vector<16xf32>
      %get3A_269 = arith.constant 1 : i32
      %get3A_270 = arith.constant 0 : i32
      %get3A_271 = arith.index_cast %get3A_269 : i32 to index
      %get3A_272 = arith.index_cast %get3A_270 : i32 to index
      %get3A_273 = arith.index_cast %mul3A_172 : i32 to index
      %get3A_274 = tpu.vector_load %arg10[%get3A_271, %get3A_272, %get3A_273] {strides = array<i32>} : memref<8x4x896xf32, #tpu.memory_space<vmem>>, vector<1x1x16xf32>,
      %get3A_275 = vector.shape_cast %get3A_274 : vector<1x1x16xf32> to vector<16xf32>
      %get3A_276 = arith.constant 1 : i32
      %get3A_277 = arith.constant 0 : i32
      %get3A_278 = arith.index_cast %get3A_276 : i32 to index
      %get3A_279 = arith.index_cast %get3A_277 : i32 to index
      %get3A_280 = arith.index_cast %mul3A_172 : i32 to index
      %get3A_281 = tpu.vector_load %arg8[%get3A_278, %get3A_279, %get3A_280] {strides = array<i32>} : memref<8x4x896xf32, #tpu.memory_space<vmem>>, vector<1x1x16xf32>,
      %get3A_282 = vector.shape_cast %get3A_281 : vector<1x1x16xf32> to vector<16xf32>
      %sub3A_283 = arith.subf %get3A_275, %get3A_282 : vector<16xf32>
      %mul3A_284 = arith.mulf %sub3A_283, %sub3A_283 : vector<16xf32>
      %get3A_285 = arith.constant 1 : i32
      %get3A_286 = arith.constant 1 : i32
      %get3A_287 = arith.index_cast %get3A_285 : i32 to index
      %get3A_288 = arith.index_cast %get3A_286 : i32 to index
      %get3A_289 = arith.index_cast %mul3A_172 : i32 to index
      %get3A_290 = tpu.vector_load %arg10[%get3A_287, %get3A_288, %get3A_289] {strides = array<i32>} : memref<8x4x896xf32, #tpu.memory_space<vmem>>, vector<1x1x16xf32>,
      %get3A_291 = vector.shape_cast %get3A_290 : vector<1x1x16xf32> to vector<16xf32>
      %get3A_292 = arith.constant 1 : i32
      %get3A_293 = arith.constant 1 : i32
      %get3A_294 = arith.index_cast %get3A_292 : i32 to index
      %get3A_295 = arith.index_cast %get3A_293 : i32 to index
      %get3A_296 = arith.index_cast %mul3A_172 : i32 to index
      %get3A_297 = tpu.vector_load %arg8[%get3A_294, %get3A_295, %get3A_296] {strides = array<i32>} : memref<8x4x896xf32, #tpu.memory_space<vmem>>, vector<1x1x16xf32>,
      %get3A_298 = vector.shape_cast %get3A_297 : vector<1x1x16xf32> to vector<16xf32>
      %sub3A_299 = arith.subf %get3A_291, %get3A_298 : vector<16xf32>
      %mul3A_300 = arith.mulf %sub3A_299, %sub3A_299 : vector<16xf32>
      %add3A_301 = arith.addf %mul3A_284, %mul3A_300 : vector<16xf32>
      %get3A_302 = arith.constant 1 : i32
      %get3A_303 = arith.constant 2 : i32
      %get3A_304 = arith.index_cast %get3A_302 : i32 to index
      %get3A_305 = arith.index_cast %get3A_303 : i32 to index
      %get3A_306 = arith.index_cast %mul3A_172 : i32 to index
      %get3A_307 = tpu.vector_load %arg10[%get3A_304, %get3A_305, %get3A_306] {strides = array<i32>} : memref<8x4x896xf32, #tpu.memory_space<vmem>>, vector<1x1x16xf32>,
      %get3A_308 = vector.shape_cast %get3A_307 : vector<1x1x16xf32> to vector<16xf32>
      %get3A_309 = arith.constant 1 : i32
      %get3A_310 = arith.constant 2 : i32
      %get3A_311 = arith.index_cast %get3A_309 : i32 to index
      %get3A_312 = arith.index_cast %get3A_310 : i32 to index
      %get3A_313 = arith.index_cast %mul3A_172 : i32 to index
      %get3A_314 = tpu.vector_load %arg8[%get3A_311, %get3A_312, %get3A_313] {strides = array<i32>} : memref<8x4x896xf32, #tpu.memory_space<vmem>>, vector<1x1x16xf32>,
      %get3A_315 = vector.shape_cast %get3A_314 : vector<1x1x16xf32> to vector<16xf32>
      %sub3A_316 = arith.subf %get3A_308, %get3A_315 : vector<16xf32>
      %mul3A_317 = arith.mulf %sub3A_316, %sub3A_316 : vector<16xf32>
      %add3A_318 = arith.addf %add3A_301, %mul3A_317 : vector<16xf32>
      %get3A_319 = arith.constant 1 : i32
      %get3A_320 = arith.constant 3 : i32
      %get3A_321 = arith.index_cast %get3A_319 : i32 to index
      %get3A_322 = arith.index_cast %get3A_320 : i32 to index
      %get3A_323 = arith.index_cast %mul3A_172 : i32 to index
      %get3A_324 = tpu.vector_load %arg10[%get3A_321, %get3A_322, %get3A_323] {strides = array<i32>} : memref<8x4x896xf32, #tpu.memory_space<vmem>>, vector<1x1x16xf32>,
      %get3A_325 = vector.shape_cast %get3A_324 : vector<1x1x16xf32> to vector<16xf32>
      %get3A_326 = arith.constant 1 : i32
      %get3A_327 = arith.constant 3 : i32
      %get3A_328 = arith.index_cast %get3A_326 : i32 to index
      %get3A_329 = arith.index_cast %get3A_327 : i32 to index
      %get3A_330 = arith.index_cast %mul3A_172 : i32 to index
      %get3A_331 = tpu.vector_load %arg8[%get3A_328, %get3A_329, %get3A_330] {strides = array<i32>} : memref<8x4x896xf32, #tpu.memory_space<vmem>>, vector<1x1x16xf32>,
      %get3A_332 = vector.shape_cast %get3A_331 : vector<1x1x16xf32> to vector<16xf32>
      %sub3A_333 = arith.subf %get3A_325, %get3A_332 : vector<16xf32>
      %mul3A_334 = arith.mulf %sub3A_333, %sub3A_333 : vector<16xf32>
      %add3A_335 = arith.addf %add3A_318, %mul3A_334 : vector<16xf32>
      %mul3A_336 = arith.mulf %add3A_335, %select_n3A_267 : vector<16xf32>
      %add3A_337 = arith.addf %add3A_254, %mul3A_336 : vector<16xf32>
      %get3A_338 = arith.constant 2 : i32
      %get3A_339 = arith.index_cast %get3A_338 : i32 to index
      %get3A_340 = arith.index_cast %mul3A_172 : i32 to index
      %get3A_341 = tpu.vector_load %arg6[%get3A_339, %get3A_340] {strides = array<i32>} : memref<8x896xi32, #tpu.memory_space<vmem>>, vector<1x16xi32>,
      %get3A_342 = vector.shape_cast %get3A_341 : vector<1x16xi32> to vector<16xi32>
      %ne3A_343 = arith.constant 0 : i32
      %ne3A_344 = vector.broadcast %ne3A_343 : i32 to vector<16xi32>
      %ne3A_345 = arith.cmpi ne, %get3A_342, %ne3A_344 : vector<16xi32>
      %jit3A_346 = arith.constant 1.000000e+00 : f32
      %jit3A_347 = arith.constant 0.000000e+00 : f32
      %broadcast_in_dim3A_348 = vector.broadcast %jit3A_346 : f32 to vector<16xf32>
      %broadcast_in_dim3A_349 = vector.broadcast %jit3A_347 : f32 to vector<16xf32>
      %select_n3A_350 = arith.select %ne3A_345, %broadcast_in_dim3A_348, %broadcast_in_dim3A_349 : vector<16xi1>, vector<16xf32>
      %add3A_351 = arith.addf %add3A_268, %select_n3A_350 : vector<16xf32>
      %get3A_352 = arith.constant 2 : i32
      %get3A_353 = arith.constant 0 : i32
      %get3A_354 = arith.index_cast %get3A_352 : i32 to index
      %get3A_355 = arith.index_cast %get3A_353 : i32 to index
      %get3A_356 = arith.index_cast %mul3A_172 : i32 to index
      %get3A_357 = tpu.vector_load %arg10[%get3A_354, %get3A_355, %get3A_356] {strides = array<i32>} : memref<8x4x896xf32, #tpu.memory_space<vmem>>, vector<1x1x16xf32>,
      %get3A_358 = vector.shape_cast %get3A_357 : vector<1x1x16xf32> to vector<16xf32>
      %get3A_359 = arith.constant 2 : i32
      %get3A_360 = arith.constant 0 : i32
      %get3A_361 = arith.index_cast %get3A_359 : i32 to index
      %get3A_362 = arith.index_cast %get3A_360 : i32 to index
      %get3A_363 = arith.index_cast %mul3A_172 : i32 to index
      %get3A_364 = tpu.vector_load %arg8[%get3A_361, %get3A_362, %get3A_363] {strides = array<i32>} : memref<8x4x896xf32, #tpu.memory_space<vmem>>, vector<1x1x16xf32>,
      %get3A_365 = vector.shape_cast %get3A_364 : vector<1x1x16xf32> to vector<16xf32>
      %sub3A_366 = arith.subf %get3A_358, %get3A_365 : vector<16xf32>
      %mul3A_367 = arith.mulf %sub3A_366, %sub3A_366 : vector<16xf32>
      %get3A_368 = arith.constant 2 : i32
      %get3A_369 = arith.constant 1 : i32
      %get3A_370 = arith.index_cast %get3A_368 : i32 to index
      %get3A_371 = arith.index_cast %get3A_369 : i32 to index
      %get3A_372 = arith.index_cast %mul3A_172 : i32 to index
      %get3A_373 = tpu.vector_load %arg10[%get3A_370, %get3A_371, %get3A_372] {strides = array<i32>} : memref<8x4x896xf32, #tpu.memory_space<vmem>>, vector<1x1x16xf32>,
      %get3A_374 = vector.shape_cast %get3A_373 : vector<1x1x16xf32> to vector<16xf32>
      %get3A_375 = arith.constant 2 : i32
      %get3A_376 = arith.constant 1 : i32
      %get3A_377 = arith.index_cast %get3A_375 : i32 to index
      %get3A_378 = arith.index_cast %get3A_376 : i32 to index
      %get3A_379 = arith.index_cast %mul3A_172 : i32 to index
      %get3A_380 = tpu.vector_load %arg8[%get3A_377, %get3A_378, %get3A_379] {strides = array<i32>} : memref<8x4x896xf32, #tpu.memory_space<vmem>>, vector<1x1x16xf32>,
      %get3A_381 = vector.shape_cast %get3A_380 : vector<1x1x16xf32> to vector<16xf32>
      %sub3A_382 = arith.subf %get3A_374, %get3A_381 : vector<16xf32>
      %mul3A_383 = arith.mulf %sub3A_382, %sub3A_382 : vector<16xf32>
      %add3A_384 = arith.addf %mul3A_367, %mul3A_383 : vector<16xf32>
      %get3A_385 = arith.constant 2 : i32
      %get3A_386 = arith.constant 2 : i32
      %get3A_387 = arith.index_cast %get3A_385 : i32 to index
      %get3A_388 = arith.index_cast %get3A_386 : i32 to index
      %get3A_389 = arith.index_cast %mul3A_172 : i32 to index
      %get3A_390 = tpu.vector_load %arg10[%get3A_387, %get3A_388, %get3A_389] {strides = array<i32>} : memref<8x4x896xf32, #tpu.memory_space<vmem>>, vector<1x1x16xf32>,
      %get3A_391 = vector.shape_cast %get3A_390 : vector<1x1x16xf32> to vector<16xf32>
      %get3A_392 = arith.constant 2 : i32
      %get3A_393 = arith.constant 2 : i32
      %get3A_394 = arith.index_cast %get3A_392 : i32 to index
      %get3A_395 = arith.index_cast %get3A_393 : i32 to index
      %get3A_396 = arith.index_cast %mul3A_172 : i32 to index
      %get3A_397 = tpu.vector_load %arg8[%get3A_394, %get3A_395, %get3A_396] {strides = array<i32>} : memref<8x4x896xf32, #tpu.memory_space<vmem>>, vector<1x1x16xf32>,
      %get3A_398 = vector.shape_cast %get3A_397 : vector<1x1x16xf32> to vector<16xf32>
      %sub3A_399 = arith.subf %get3A_391, %get3A_398 : vector<16xf32>
      %mul3A_400 = arith.mulf %sub3A_399, %sub3A_399 : vector<16xf32>
      %add3A_401 = arith.addf %add3A_384, %mul3A_400 : vector<16xf32>
      %get3A_402 = arith.constant 2 : i32
      %get3A_403 = arith.constant 3 : i32
      %get3A_404 = arith.index_cast %get3A_402 : i32 to index
      %get3A_405 = arith.index_cast %get3A_403 : i32 to index
      %get3A_406 = arith.index_cast %mul3A_172 : i32 to index
      %get3A_407 = tpu.vector_load %arg10[%get3A_404, %get3A_405, %get3A_406] {strides = array<i32>} : memref<8x4x896xf32, #tpu.memory_space<vmem>>, vector<1x1x16xf32>,
      %get3A_408 = vector.shape_cast %get3A_407 : vector<1x1x16xf32> to vector<16xf32>
      %get3A_409 = arith.constant 2 : i32
      %get3A_410 = arith.constant 3 : i32
      %get3A_411 = arith.index_cast %get3A_409 : i32 to index
      %get3A_412 = arith.index_cast %get3A_410 : i32 to index
      %get3A_413 = arith.index_cast %mul3A_172 : i32 to index
      %get3A_414 = tpu.vector_load %arg8[%get3A_411, %get3A_412, %get3A_413] {strides = array<i32>} : memref<8x4x896xf32, #tpu.memory_space<vmem>>, vector<1x1x16xf32>,
      %get3A_415 = vector.shape_cast %get3A_414 : vector<1x1x16xf32> to vector<16xf32>
      %sub3A_416 = arith.subf %get3A_408, %get3A_415 : vector<16xf32>
      %mul3A_417 = arith.mulf %sub3A_416, %sub3A_416 : vector<16xf32>
      %add3A_418 = arith.addf %add3A_401, %mul3A_417 : vector<16xf32>
      %mul3A_419 = arith.mulf %add3A_418, %select_n3A_350 : vector<16xf32>
      %add3A_420 = arith.addf %add3A_337, %mul3A_419 : vector<16xf32>
      %get3A_421 = arith.constant 3 : i32
      %get3A_422 = arith.index_cast %get3A_421 : i32 to index
      %get3A_423 = arith.index_cast %mul3A_172 : i32 to index
      %get3A_424 = tpu.vector_load %arg6[%get3A_422, %get3A_423] {strides = array<i32>} : memref<8x896xi32, #tpu.memory_space<vmem>>, vector<1x16xi32>,
      %get3A_425 = vector.shape_cast %get3A_424 : vector<1x16xi32> to vector<16xi32>
      %ne3A_426 = arith.constant 0 : i32
      %ne3A_427 = vector.broadcast %ne3A_426 : i32 to vector<16xi32>
      %ne3A_428 = arith.cmpi ne, %get3A_425, %ne3A_427 : vector<16xi32>
      %jit3A_429 = arith.constant 1.000000e+00 : f32
      %jit3A_430 = arith.constant 0.000000e+00 : f32
      %broadcast_in_dim3A_431 = vector.broadcast %jit3A_429 : f32 to vector<16xf32>
      %broadcast_in_dim3A_432 = vector.broadcast %jit3A_430 : f32 to vector<16xf32>
      %select_n3A_433 = arith.select %ne3A_428, %broadcast_in_dim3A_431, %broadcast_in_dim3A_432 : vector<16xi1>, vector<16xf32>
      %add3A_434 = arith.addf %add3A_351, %select_n3A_433 : vector<16xf32>
      %get3A_435 = arith.constant 3 : i32
      %get3A_436 = arith.constant 0 : i32
      %get3A_437 = arith.index_cast %get3A_435 : i32 to index
      %get3A_438 = arith.index_cast %get3A_436 : i32 to index
      %get3A_439 = arith.index_cast %mul3A_172 : i32 to index
      %get3A_440 = tpu.vector_load %arg10[%get3A_437, %get3A_438, %get3A_439] {strides = array<i32>} : memref<8x4x896xf32, #tpu.memory_space<vmem>>, vector<1x1x16xf32>,
      %get3A_441 = vector.shape_cast %get3A_440 : vector<1x1x16xf32> to vector<16xf32>
      %get3A_442 = arith.constant 3 : i32
      %get3A_443 = arith.constant 0 : i32
      %get3A_444 = arith.index_cast %get3A_442 : i32 to index
      %get3A_445 = arith.index_cast %get3A_443 : i32 to index
      %get3A_446 = arith.index_cast %mul3A_172 : i32 to index
      %get3A_447 = tpu.vector_load %arg8[%get3A_444, %get3A_445, %get3A_446] {strides = array<i32>} : memref<8x4x896xf32, #tpu.memory_space<vmem>>, vector<1x1x16xf32>,
      %get3A_448 = vector.shape_cast %get3A_447 : vector<1x1x16xf32> to vector<16xf32>
      %sub3A_449 = arith.subf %get3A_441, %get3A_448 : vector<16xf32>
      %mul3A_450 = arith.mulf %sub3A_449, %sub3A_449 : vector<16xf32>
      %get3A_451 = arith.constant 3 : i32
      %get3A_452 = arith.constant 1 : i32
      %get3A_453 = arith.index_cast %get3A_451 : i32 to index
      %get3A_454 = arith.index_cast %get3A_452 : i32 to index
      %get3A_455 = arith.index_cast %mul3A_172 : i32 to index
      %get3A_456 = tpu.vector_load %arg10[%get3A_453, %get3A_454, %get3A_455] {strides = array<i32>} : memref<8x4x896xf32, #tpu.memory_space<vmem>>, vector<1x1x16xf32>,
      %get3A_457 = vector.shape_cast %get3A_456 : vector<1x1x16xf32> to vector<16xf32>
      %get3A_458 = arith.constant 3 : i32
      %get3A_459 = arith.constant 1 : i32
      %get3A_460 = arith.index_cast %get3A_458 : i32 to index
      %get3A_461 = arith.index_cast %get3A_459 : i32 to index
      %get3A_462 = arith.index_cast %mul3A_172 : i32 to index
      %get3A_463 = tpu.vector_load %arg8[%get3A_460, %get3A_461, %get3A_462] {strides = array<i32>} : memref<8x4x896xf32, #tpu.memory_space<vmem>>, vector<1x1x16xf32>,
      %get3A_464 = vector.shape_cast %get3A_463 : vector<1x1x16xf32> to vector<16xf32>
      %sub3A_465 = arith.subf %get3A_457, %get3A_464 : vector<16xf32>
      %mul3A_466 = arith.mulf %sub3A_465, %sub3A_465 : vector<16xf32>
      %add3A_467 = arith.addf %mul3A_450, %mul3A_466 : vector<16xf32>
      %get3A_468 = arith.constant 3 : i32
      %get3A_469 = arith.constant 2 : i32
      %get3A_470 = arith.index_cast %get3A_468 : i32 to index
      %get3A_471 = arith.index_cast %get3A_469 : i32 to index
      %get3A_472 = arith.index_cast %mul3A_172 : i32 to index
      %get3A_473 = tpu.vector_load %arg10[%get3A_470, %get3A_471, %get3A_472] {strides = array<i32>} : memref<8x4x896xf32, #tpu.memory_space<vmem>>, vector<1x1x16xf32>,
      %get3A_474 = vector.shape_cast %get3A_473 : vector<1x1x16xf32> to vector<16xf32>
      %get3A_475 = arith.constant 3 : i32
      %get3A_476 = arith.constant 2 : i32
      %get3A_477 = arith.index_cast %get3A_475 : i32 to index
      %get3A_478 = arith.index_cast %get3A_476 : i32 to index
      %get3A_479 = arith.index_cast %mul3A_172 : i32 to index
      %get3A_480 = tpu.vector_load %arg8[%get3A_477, %get3A_478, %get3A_479] {strides = array<i32>} : memref<8x4x896xf32, #tpu.memory_space<vmem>>, vector<1x1x16xf32>,
      %get3A_481 = vector.shape_cast %get3A_480 : vector<1x1x16xf32> to vector<16xf32>
      %sub3A_482 = arith.subf %get3A_474, %get3A_481 : vector<16xf32>
      %mul3A_483 = arith.mulf %sub3A_482, %sub3A_482 : vector<16xf32>
      %add3A_484 = arith.addf %add3A_467, %mul3A_483 : vector<16xf32>
      %get3A_485 = arith.constant 3 : i32
      %get3A_486 = arith.constant 3 : i32
      %get3A_487 = arith.index_cast %get3A_485 : i32 to index
      %get3A_488 = arith.index_cast %get3A_486 : i32 to index
      %get3A_489 = arith.index_cast %mul3A_172 : i32 to index
      %get3A_490 = tpu.vector_load %arg10[%get3A_487, %get3A_488, %get3A_489] {strides = array<i32>} : memref<8x4x896xf32, #tpu.memory_space<vmem>>, vector<1x1x16xf32>,
      %get3A_491 = vector.shape_cast %get3A_490 : vector<1x1x16xf32> to vector<16xf32>
      %get3A_492 = arith.constant 3 : i32
      %get3A_493 = arith.constant 3 : i32
      %get3A_494 = arith.index_cast %get3A_492 : i32 to index
      %get3A_495 = arith.index_cast %get3A_493 : i32 to index
      %get3A_496 = arith.index_cast %mul3A_172 : i32 to index
      %get3A_497 = tpu.vector_load %arg8[%get3A_494, %get3A_495, %get3A_496] {strides = array<i32>} : memref<8x4x896xf32, #tpu.memory_space<vmem>>, vector<1x1x16xf32>,
      %get3A_498 = vector.shape_cast %get3A_497 : vector<1x1x16xf32> to vector<16xf32>
      %sub3A_499 = arith.subf %get3A_491, %get3A_498 : vector<16xf32>
      %mul3A_500 = arith.mulf %sub3A_499, %sub3A_499 : vector<16xf32>
      %add3A_501 = arith.addf %add3A_484, %mul3A_500 : vector<16xf32>
      %mul3A_502 = arith.mulf %add3A_501, %select_n3A_433 : vector<16xf32>
      %add3A_503 = arith.addf %add3A_420, %mul3A_502 : vector<16xf32>
      %get3A_504 = arith.constant 4 : i32
      %get3A_505 = arith.index_cast %get3A_504 : i32 to index
      %get3A_506 = arith.index_cast %mul3A_172 : i32 to index
      %get3A_507 = tpu.vector_load %arg6[%get3A_505, %get3A_506] {strides = array<i32>} : memref<8x896xi32, #tpu.memory_space<vmem>>, vector<1x16xi32>,
      %get3A_508 = vector.shape_cast %get3A_507 : vector<1x16xi32> to vector<16xi32>
      %ne3A_509 = arith.constant 0 : i32
      %ne3A_510 = vector.broadcast %ne3A_509 : i32 to vector<16xi32>
      %ne3A_511 = arith.cmpi ne, %get3A_508, %ne3A_510 : vector<16xi32>
      %jit3A_512 = arith.constant 1.000000e+00 : f32
      %jit3A_513 = arith.constant 0.000000e+00 : f32
      %broadcast_in_dim3A_514 = vector.broadcast %jit3A_512 : f32 to vector<16xf32>
      %broadcast_in_dim3A_515 = vector.broadcast %jit3A_513 : f32 to vector<16xf32>
      %select_n3A_516 = arith.select %ne3A_511, %broadcast_in_dim3A_514, %broadcast_in_dim3A_515 : vector<16xi1>, vector<16xf32>
      %add3A_517 = arith.addf %add3A_434, %select_n3A_516 : vector<16xf32>
      %get3A_518 = arith.constant 4 : i32
      %get3A_519 = arith.constant 0 : i32
      %get3A_520 = arith.index_cast %get3A_518 : i32 to index
      %get3A_521 = arith.index_cast %get3A_519 : i32 to index
      %get3A_522 = arith.index_cast %mul3A_172 : i32 to index
      %get3A_523 = tpu.vector_load %arg10[%get3A_520, %get3A_521, %get3A_522] {strides = array<i32>} : memref<8x4x896xf32, #tpu.memory_space<vmem>>, vector<1x1x16xf32>,
      %get3A_524 = vector.shape_cast %get3A_523 : vector<1x1x16xf32> to vector<16xf32>
      %get3A_525 = arith.constant 4 : i32
      %get3A_526 = arith.constant 0 : i32
      %get3A_527 = arith.index_cast %get3A_525 : i32 to index
      %get3A_528 = arith.index_cast %get3A_526 : i32 to index
      %get3A_529 = arith.index_cast %mul3A_172 : i32 to index
      %get3A_530 = tpu.vector_load %arg8[%get3A_527, %get3A_528, %get3A_529] {strides = array<i32>} : memref<8x4x896xf32, #tpu.memory_space<vmem>>, vector<1x1x16xf32>,
      %get3A_531 = vector.shape_cast %get3A_530 : vector<1x1x16xf32> to vector<16xf32>
      %sub3A_532 = arith.subf %get3A_524, %get3A_531 : vector<16xf32>
      %mul3A_533 = arith.mulf %sub3A_532, %sub3A_532 : vector<16xf32>
      %get3A_534 = arith.constant 4 : i32
      %get3A_535 = arith.constant 1 : i32
      %get3A_536 = arith.index_cast %get3A_534 : i32 to index
      %get3A_537 = arith.index_cast %get3A_535 : i32 to index
      %get3A_538 = arith.index_cast %mul3A_172 : i32 to index
      %get3A_539 = tpu.vector_load %arg10[%get3A_536, %get3A_537, %get3A_538] {strides = array<i32>} : memref<8x4x896xf32, #tpu.memory_space<vmem>>, vector<1x1x16xf32>,
      %get3A_540 = vector.shape_cast %get3A_539 : vector<1x1x16xf32> to vector<16xf32>
      %get3A_541 = arith.constant 4 : i32
      %get3A_542 = arith.constant 1 : i32
      %get3A_543 = arith.index_cast %get3A_541 : i32 to index
      %get3A_544 = arith.index_cast %get3A_542 : i32 to index
      %get3A_545 = arith.index_cast %mul3A_172 : i32 to index
      %get3A_546 = tpu.vector_load %arg8[%get3A_543, %get3A_544, %get3A_545] {strides = array<i32>} : memref<8x4x896xf32, #tpu.memory_space<vmem>>, vector<1x1x16xf32>,
      %get3A_547 = vector.shape_cast %get3A_546 : vector<1x1x16xf32> to vector<16xf32>
      %sub3A_548 = arith.subf %get3A_540, %get3A_547 : vector<16xf32>
      %mul3A_549 = arith.mulf %sub3A_548, %sub3A_548 : vector<16xf32>
      %add3A_550 = arith.addf %mul3A_533, %mul3A_549 : vector<16xf32>
      %get3A_551 = arith.constant 4 : i32
      %get3A_552 = arith.constant 2 : i32
      %get3A_553 = arith.index_cast %get3A_551 : i32 to index
      %get3A_554 = arith.index_cast %get3A_552 : i32 to index
      %get3A_555 = arith.index_cast %mul3A_172 : i32 to index
      %get3A_556 = tpu.vector_load %arg10[%get3A_553, %get3A_554, %get3A_555] {strides = array<i32>} : memref<8x4x896xf32, #tpu.memory_space<vmem>>, vector<1x1x16xf32>,
      %get3A_557 = vector.shape_cast %get3A_556 : vector<1x1x16xf32> to vector<16xf32>
      %get3A_558 = arith.constant 4 : i32
      %get3A_559 = arith.constant 2 : i32
      %get3A_560 = arith.index_cast %get3A_558 : i32 to index
      %get3A_561 = arith.index_cast %get3A_559 : i32 to index
      %get3A_562 = arith.index_cast %mul3A_172 : i32 to index
      %get3A_563 = tpu.vector_load %arg8[%get3A_560, %get3A_561, %get3A_562] {strides = array<i32>} : memref<8x4x896xf32, #tpu.memory_space<vmem>>, vector<1x1x16xf32>,
      %get3A_564 = vector.shape_cast %get3A_563 : vector<1x1x16xf32> to vector<16xf32>
      %sub3A_565 = arith.subf %get3A_557, %get3A_564 : vector<16xf32>
      %mul3A_566 = arith.mulf %sub3A_565, %sub3A_565 : vector<16xf32>
      %add3A_567 = arith.addf %add3A_550, %mul3A_566 : vector<16xf32>
      %get3A_568 = arith.constant 4 : i32
      %get3A_569 = arith.constant 3 : i32
      %get3A_570 = arith.index_cast %get3A_568 : i32 to index
      %get3A_571 = arith.index_cast %get3A_569 : i32 to index
      %get3A_572 = arith.index_cast %mul3A_172 : i32 to index
      %get3A_573 = tpu.vector_load %arg10[%get3A_570, %get3A_571, %get3A_572] {strides = array<i32>} : memref<8x4x896xf32, #tpu.memory_space<vmem>>, vector<1x1x16xf32>,
      %get3A_574 = vector.shape_cast %get3A_573 : vector<1x1x16xf32> to vector<16xf32>
      %get3A_575 = arith.constant 4 : i32
      %get3A_576 = arith.constant 3 : i32
      %get3A_577 = arith.index_cast %get3A_575 : i32 to index
      %get3A_578 = arith.index_cast %get3A_576 : i32 to index
      %get3A_579 = arith.index_cast %mul3A_172 : i32 to index
      %get3A_580 = tpu.vector_load %arg8[%get3A_577, %get3A_578, %get3A_579] {strides = array<i32>} : memref<8x4x896xf32, #tpu.memory_space<vmem>>, vector<1x1x16xf32>,
      %get3A_581 = vector.shape_cast %get3A_580 : vector<1x1x16xf32> to vector<16xf32>
      %sub3A_582 = arith.subf %get3A_574, %get3A_581 : vector<16xf32>
      %mul3A_583 = arith.mulf %sub3A_582, %sub3A_582 : vector<16xf32>
      %add3A_584 = arith.addf %add3A_567, %mul3A_583 : vector<16xf32>
      %mul3A_585 = arith.mulf %add3A_584, %select_n3A_516 : vector<16xf32>
      %add3A_586 = arith.addf %add3A_503, %mul3A_585 : vector<16xf32>
      %get3A_587 = arith.constant 5 : i32
      %get3A_588 = arith.index_cast %get3A_587 : i32 to index
      %get3A_589 = arith.index_cast %mul3A_172 : i32 to index
      %get3A_590 = tpu.vector_load %arg6[%get3A_588, %get3A_589] {strides = array<i32>} : memref<8x896xi32, #tpu.memory_space<vmem>>, vector<1x16xi32>,
      %get3A_591 = vector.shape_cast %get3A_590 : vector<1x16xi32> to vector<16xi32>
      %ne3A_592 = arith.constant 0 : i32
      %ne3A_593 = vector.broadcast %ne3A_592 : i32 to vector<16xi32>
      %ne3A_594 = arith.cmpi ne, %get3A_591, %ne3A_593 : vector<16xi32>
      %jit3A_595 = arith.constant 1.000000e+00 : f32
      %jit3A_596 = arith.constant 0.000000e+00 : f32
      %broadcast_in_dim3A_597 = vector.broadcast %jit3A_595 : f32 to vector<16xf32>
      %broadcast_in_dim3A_598 = vector.broadcast %jit3A_596 : f32 to vector<16xf32>
      %select_n3A_599 = arith.select %ne3A_594, %broadcast_in_dim3A_597, %broadcast_in_dim3A_598 : vector<16xi1>, vector<16xf32>
      %add3A_600 = arith.addf %add3A_517, %select_n3A_599 : vector<16xf32>
      %get3A_601 = arith.constant 5 : i32
      %get3A_602 = arith.constant 0 : i32
      %get3A_603 = arith.index_cast %get3A_601 : i32 to index
      %get3A_604 = arith.index_cast %get3A_602 : i32 to index
      %get3A_605 = arith.index_cast %mul3A_172 : i32 to index
      %get3A_606 = tpu.vector_load %arg10[%get3A_603, %get3A_604, %get3A_605] {strides = array<i32>} : memref<8x4x896xf32, #tpu.memory_space<vmem>>, vector<1x1x16xf32>,
      %get3A_607 = vector.shape_cast %get3A_606 : vector<1x1x16xf32> to vector<16xf32>
      %get3A_608 = arith.constant 5 : i32
      %get3A_609 = arith.constant 0 : i32
      %get3A_610 = arith.index_cast %get3A_608 : i32 to index
      %get3A_611 = arith.index_cast %get3A_609 : i32 to index
      %get3A_612 = arith.index_cast %mul3A_172 : i32 to index
      %get3A_613 = tpu.vector_load %arg8[%get3A_610, %get3A_611, %get3A_612] {strides = array<i32>} : memref<8x4x896xf32, #tpu.memory_space<vmem>>, vector<1x1x16xf32>,
      %get3A_614 = vector.shape_cast %get3A_613 : vector<1x1x16xf32> to vector<16xf32>
      %sub3A_615 = arith.subf %get3A_607, %get3A_614 : vector<16xf32>
      %mul3A_616 = arith.mulf %sub3A_615, %sub3A_615 : vector<16xf32>
      %get3A_617 = arith.constant 5 : i32
      %get3A_618 = arith.constant 1 : i32
      %get3A_619 = arith.index_cast %get3A_617 : i32 to index
      %get3A_620 = arith.index_cast %get3A_618 : i32 to index
      %get3A_621 = arith.index_cast %mul3A_172 : i32 to index
      %get3A_622 = tpu.vector_load %arg10[%get3A_619, %get3A_620, %get3A_621] {strides = array<i32>} : memref<8x4x896xf32, #tpu.memory_space<vmem>>, vector<1x1x16xf32>,
      %get3A_623 = vector.shape_cast %get3A_622 : vector<1x1x16xf32> to vector<16xf32>
      %get3A_624 = arith.constant 5 : i32
      %get3A_625 = arith.constant 1 : i32
      %get3A_626 = arith.index_cast %get3A_624 : i32 to index
      %get3A_627 = arith.index_cast %get3A_625 : i32 to index
      %get3A_628 = arith.index_cast %mul3A_172 : i32 to index
      %get3A_629 = tpu.vector_load %arg8[%get3A_626, %get3A_627, %get3A_628] {strides = array<i32>} : memref<8x4x896xf32, #tpu.memory_space<vmem>>, vector<1x1x16xf32>,
      %get3A_630 = vector.shape_cast %get3A_629 : vector<1x1x16xf32> to vector<16xf32>
      %sub3A_631 = arith.subf %get3A_623, %get3A_630 : vector<16xf32>
      %mul3A_632 = arith.mulf %sub3A_631, %sub3A_631 : vector<16xf32>
      %add3A_633 = arith.addf %mul3A_616, %mul3A_632 : vector<16xf32>
      %get3A_634 = arith.constant 5 : i32
      %get3A_635 = arith.constant 2 : i32
      %get3A_636 = arith.index_cast %get3A_634 : i32 to index
      %get3A_637 = arith.index_cast %get3A_635 : i32 to index
      %get3A_638 = arith.index_cast %mul3A_172 : i32 to index
      %get3A_639 = tpu.vector_load %arg10[%get3A_636, %get3A_637, %get3A_638] {strides = array<i32>} : memref<8x4x896xf32, #tpu.memory_space<vmem>>, vector<1x1x16xf32>,
      %get3A_640 = vector.shape_cast %get3A_639 : vector<1x1x16xf32> to vector<16xf32>
      %get3A_641 = arith.constant 5 : i32
      %get3A_642 = arith.constant 2 : i32
      %get3A_643 = arith.index_cast %get3A_641 : i32 to index
      %get3A_644 = arith.index_cast %get3A_642 : i32 to index
      %get3A_645 = arith.index_cast %mul3A_172 : i32 to index
      %get3A_646 = tpu.vector_load %arg8[%get3A_643, %get3A_644, %get3A_645] {strides = array<i32>} : memref<8x4x896xf32, #tpu.memory_space<vmem>>, vector<1x1x16xf32>,
      %get3A_647 = vector.shape_cast %get3A_646 : vector<1x1x16xf32> to vector<16xf32>
      %sub3A_648 = arith.subf %get3A_640, %get3A_647 : vector<16xf32>
      %mul3A_649 = arith.mulf %sub3A_648, %sub3A_648 : vector<16xf32>
      %add3A_650 = arith.addf %add3A_633, %mul3A_649 : vector<16xf32>
      %get3A_651 = arith.constant 5 : i32
      %get3A_652 = arith.constant 3 : i32
      %get3A_653 = arith.index_cast %get3A_651 : i32 to index
      %get3A_654 = arith.index_cast %get3A_652 : i32 to index
      %get3A_655 = arith.index_cast %mul3A_172 : i32 to index
      %get3A_656 = tpu.vector_load %arg10[%get3A_653, %get3A_654, %get3A_655] {strides = array<i32>} : memref<8x4x896xf32, #tpu.memory_space<vmem>>, vector<1x1x16xf32>,
      %get3A_657 = vector.shape_cast %get3A_656 : vector<1x1x16xf32> to vector<16xf32>
      %get3A_658 = arith.constant 5 : i32
      %get3A_659 = arith.constant 3 : i32
      %get3A_660 = arith.index_cast %get3A_658 : i32 to index
      %get3A_661 = arith.index_cast %get3A_659 : i32 to index
      %get3A_662 = arith.index_cast %mul3A_172 : i32 to index
      %get3A_663 = tpu.vector_load %arg8[%get3A_660, %get3A_661, %get3A_662] {strides = array<i32>} : memref<8x4x896xf32, #tpu.memory_space<vmem>>, vector<1x1x16xf32>,
      %get3A_664 = vector.shape_cast %get3A_663 : vector<1x1x16xf32> to vector<16xf32>
      %sub3A_665 = arith.subf %get3A_657, %get3A_664 : vector<16xf32>
      %mul3A_666 = arith.mulf %sub3A_665, %sub3A_665 : vector<16xf32>
      %add3A_667 = arith.addf %add3A_650, %mul3A_666 : vector<16xf32>
      %mul3A_668 = arith.mulf %add3A_667, %select_n3A_599 : vector<16xf32>
      %add3A_669 = arith.addf %add3A_586, %mul3A_668 : vector<16xf32>
      %get3A_670 = arith.constant 6 : i32
      %get3A_671 = arith.index_cast %get3A_670 : i32 to index
      %get3A_672 = arith.index_cast %mul3A_172 : i32 to index
      %get3A_673 = tpu.vector_load %arg6[%get3A_671, %get3A_672] {strides = array<i32>} : memref<8x896xi32, #tpu.memory_space<vmem>>, vector<1x16xi32>,
      %get3A_674 = vector.shape_cast %get3A_673 : vector<1x16xi32> to vector<16xi32>
      %ne3A_675 = arith.constant 0 : i32
      %ne3A_676 = vector.broadcast %ne3A_675 : i32 to vector<16xi32>
      %ne3A_677 = arith.cmpi ne, %get3A_674, %ne3A_676 : vector<16xi32>
      %jit3A_678 = arith.constant 1.000000e+00 : f32
      %jit3A_679 = arith.constant 0.000000e+00 : f32
      %broadcast_in_dim3A_680 = vector.broadcast %jit3A_678 : f32 to vector<16xf32>
      %broadcast_in_dim3A_681 = vector.broadcast %jit3A_679 : f32 to vector<16xf32>
      %select_n3A_682 = arith.select %ne3A_677, %broadcast_in_dim3A_680, %broadcast_in_dim3A_681 : vector<16xi1>, vector<16xf32>
      %add3A_683 = arith.addf %add3A_600, %select_n3A_682 : vector<16xf32>
      %get3A_684 = arith.constant 6 : i32
      %get3A_685 = arith.constant 0 : i32
      %get3A_686 = arith.index_cast %get3A_684 : i32 to index
      %get3A_687 = arith.index_cast %get3A_685 : i32 to index
      %get3A_688 = arith.index_cast %mul3A_172 : i32 to index
      %get3A_689 = tpu.vector_load %arg10[%get3A_686, %get3A_687, %get3A_688] {strides = array<i32>} : memref<8x4x896xf32, #tpu.memory_space<vmem>>, vector<1x1x16xf32>,
      %get3A_690 = vector.shape_cast %get3A_689 : vector<1x1x16xf32> to vector<16xf32>
      %get3A_691 = arith.constant 6 : i32
      %get3A_692 = arith.constant 0 : i32
      %get3A_693 = arith.index_cast %get3A_691 : i32 to index
      %get3A_694 = arith.index_cast %get3A_692 : i32 to index
      %get3A_695 = arith.index_cast %mul3A_172 : i32 to index
      %get3A_696 = tpu.vector_load %arg8[%get3A_693, %get3A_694, %get3A_695] {strides = array<i32>} : memref<8x4x896xf32, #tpu.memory_space<vmem>>, vector<1x1x16xf32>,
      %get3A_697 = vector.shape_cast %get3A_696 : vector<1x1x16xf32> to vector<16xf32>
      %sub3A_698 = arith.subf %get3A_690, %get3A_697 : vector<16xf32>
      %mul3A_699 = arith.mulf %sub3A_698, %sub3A_698 : vector<16xf32>
      %get3A_700 = arith.constant 6 : i32
      %get3A_701 = arith.constant 1 : i32
      %get3A_702 = arith.index_cast %get3A_700 : i32 to index
      %get3A_703 = arith.index_cast %get3A_701 : i32 to index
      %get3A_704 = arith.index_cast %mul3A_172 : i32 to index
      %get3A_705 = tpu.vector_load %arg10[%get3A_702, %get3A_703, %get3A_704] {strides = array<i32>} : memref<8x4x896xf32, #tpu.memory_space<vmem>>, vector<1x1x16xf32>,
      %get3A_706 = vector.shape_cast %get3A_705 : vector<1x1x16xf32> to vector<16xf32>
      %get3A_707 = arith.constant 6 : i32
      %get3A_708 = arith.constant 1 : i32
      %get3A_709 = arith.index_cast %get3A_707 : i32 to index
      %get3A_710 = arith.index_cast %get3A_708 : i32 to index
      %get3A_711 = arith.index_cast %mul3A_172 : i32 to index
      %get3A_712 = tpu.vector_load %arg8[%get3A_709, %get3A_710, %get3A_711] {strides = array<i32>} : memref<8x4x896xf32, #tpu.memory_space<vmem>>, vector<1x1x16xf32>,
      %get3A_713 = vector.shape_cast %get3A_712 : vector<1x1x16xf32> to vector<16xf32>
      %sub3A_714 = arith.subf %get3A_706, %get3A_713 : vector<16xf32>
      %mul3A_715 = arith.mulf %sub3A_714, %sub3A_714 : vector<16xf32>
      %add3A_716 = arith.addf %mul3A_699, %mul3A_715 : vector<16xf32>
      %get3A_717 = arith.constant 6 : i32
      %get3A_718 = arith.constant 2 : i32
      %get3A_719 = arith.index_cast %get3A_717 : i32 to index
      %get3A_720 = arith.index_cast %get3A_718 : i32 to index
      %get3A_721 = arith.index_cast %mul3A_172 : i32 to index
      %get3A_722 = tpu.vector_load %arg10[%get3A_719, %get3A_720, %get3A_721] {strides = array<i32>} : memref<8x4x896xf32, #tpu.memory_space<vmem>>, vector<1x1x16xf32>,
      %get3A_723 = vector.shape_cast %get3A_722 : vector<1x1x16xf32> to vector<16xf32>
      %get3A_724 = arith.constant 6 : i32
      %get3A_725 = arith.constant 2 : i32
      %get3A_726 = arith.index_cast %get3A_724 : i32 to index
      %get3A_727 = arith.index_cast %get3A_725 : i32 to index
      %get3A_728 = arith.index_cast %mul3A_172 : i32 to index
      %get3A_729 = tpu.vector_load %arg8[%get3A_726, %get3A_727, %get3A_728] {strides = array<i32>} : memref<8x4x896xf32, #tpu.memory_space<vmem>>, vector<1x1x16xf32>,
      %get3A_730 = vector.shape_cast %get3A_729 : vector<1x1x16xf32> to vector<16xf32>
      %sub3A_731 = arith.subf %get3A_723, %get3A_730 : vector<16xf32>
      %mul3A_732 = arith.mulf %sub3A_731, %sub3A_731 : vector<16xf32>
      %add3A_733 = arith.addf %add3A_716, %mul3A_732 : vector<16xf32>
      %get3A_734 = arith.constant 6 : i32
      %get3A_735 = arith.constant 3 : i32
      %get3A_736 = arith.index_cast %get3A_734 : i32 to index
      %get3A_737 = arith.index_cast %get3A_735 : i32 to index
      %get3A_738 = arith.index_cast %mul3A_172 : i32 to index
      %get3A_739 = tpu.vector_load %arg10[%get3A_736, %get3A_737, %get3A_738] {strides = array<i32>} : memref<8x4x896xf32, #tpu.memory_space<vmem>>, vector<1x1x16xf32>,
      %get3A_740 = vector.shape_cast %get3A_739 : vector<1x1x16xf32> to vector<16xf32>
      %get3A_741 = arith.constant 6 : i32
      %get3A_742 = arith.constant 3 : i32
      %get3A_743 = arith.index_cast %get3A_741 : i32 to index
      %get3A_744 = arith.index_cast %get3A_742 : i32 to index
      %get3A_745 = arith.index_cast %mul3A_172 : i32 to index
      %get3A_746 = tpu.vector_load %arg8[%get3A_743, %get3A_744, %get3A_745] {strides = array<i32>} : memref<8x4x896xf32, #tpu.memory_space<vmem>>, vector<1x1x16xf32>,
      %get3A_747 = vector.shape_cast %get3A_746 : vector<1x1x16xf32> to vector<16xf32>
      %sub3A_748 = arith.subf %get3A_740, %get3A_747 : vector<16xf32>
      %mul3A_749 = arith.mulf %sub3A_748, %sub3A_748 : vector<16xf32>
      %add3A_750 = arith.addf %add3A_733, %mul3A_749 : vector<16xf32>
      %mul3A_751 = arith.mulf %add3A_750, %select_n3A_682 : vector<16xf32>
      %add3A_752 = arith.addf %add3A_669, %mul3A_751 : vector<16xf32>
      %get3A_753 = arith.constant 7 : i32
      %get3A_754 = arith.index_cast %get3A_753 : i32 to index
      %get3A_755 = arith.index_cast %mul3A_172 : i32 to index
      %get3A_756 = tpu.vector_load %arg6[%get3A_754, %get3A_755] {strides = array<i32>} : memref<8x896xi32, #tpu.memory_space<vmem>>, vector<1x16xi32>,
      %get3A_757 = vector.shape_cast %get3A_756 : vector<1x16xi32> to vector<16xi32>
      %ne3A_758 = arith.constant 0 : i32
      %ne3A_759 = vector.broadcast %ne3A_758 : i32 to vector<16xi32>
      %ne3A_760 = arith.cmpi ne, %get3A_757, %ne3A_759 : vector<16xi32>
      %jit3A_761 = arith.constant 1.000000e+00 : f32
      %jit3A_762 = arith.constant 0.000000e+00 : f32
      %broadcast_in_dim3A_763 = vector.broadcast %jit3A_761 : f32 to vector<16xf32>
      %broadcast_in_dim3A_764 = vector.broadcast %jit3A_762 : f32 to vector<16xf32>
      %select_n3A_765 = arith.select %ne3A_760, %broadcast_in_dim3A_763, %broadcast_in_dim3A_764 : vector<16xi1>, vector<16xf32>
      %add3A_766 = arith.addf %add3A_683, %select_n3A_765 : vector<16xf32>
      %get3A_767 = arith.constant 7 : i32
      %get3A_768 = arith.constant 0 : i32
      %get3A_769 = arith.index_cast %get3A_767 : i32 to index
      %get3A_770 = arith.index_cast %get3A_768 : i32 to index
      %get3A_771 = arith.index_cast %mul3A_172 : i32 to index
      %get3A_772 = tpu.vector_load %arg10[%get3A_769, %get3A_770, %get3A_771] {strides = array<i32>} : memref<8x4x896xf32, #tpu.memory_space<vmem>>, vector<1x1x16xf32>,
      %get3A_773 = vector.shape_cast %get3A_772 : vector<1x1x16xf32> to vector<16xf32>
      %get3A_774 = arith.constant 7 : i32
      %get3A_775 = arith.constant 0 : i32
      %get3A_776 = arith.index_cast %get3A_774 : i32 to index
      %get3A_777 = arith.index_cast %get3A_775 : i32 to index
      %get3A_778 = arith.index_cast %mul3A_172 : i32 to index
      %get3A_779 = tpu.vector_load %arg8[%get3A_776, %get3A_777, %get3A_778] {strides = array<i32>} : memref<8x4x896xf32, #tpu.memory_space<vmem>>, vector<1x1x16xf32>,
      %get3A_780 = vector.shape_cast %get3A_779 : vector<1x1x16xf32> to vector<16xf32>
      %sub3A_781 = arith.subf %get3A_773, %get3A_780 : vector<16xf32>
      %mul3A_782 = arith.mulf %sub3A_781, %sub3A_781 : vector<16xf32>
      %get3A_783 = arith.constant 7 : i32
      %get3A_784 = arith.constant 1 : i32
      %get3A_785 = arith.index_cast %get3A_783 : i32 to index
      %get3A_786 = arith.index_cast %get3A_784 : i32 to index
      %get3A_787 = arith.index_cast %mul3A_172 : i32 to index
      %get3A_788 = tpu.vector_load %arg10[%get3A_785, %get3A_786, %get3A_787] {strides = array<i32>} : memref<8x4x896xf32, #tpu.memory_space<vmem>>, vector<1x1x16xf32>,
      %get3A_789 = vector.shape_cast %get3A_788 : vector<1x1x16xf32> to vector<16xf32>
      %get3A_790 = arith.constant 7 : i32
      %get3A_791 = arith.constant 1 : i32
      %get3A_792 = arith.index_cast %get3A_790 : i32 to index
      %get3A_793 = arith.index_cast %get3A_791 : i32 to index
      %get3A_794 = arith.index_cast %mul3A_172 : i32 to index
      %get3A_795 = tpu.vector_load %arg8[%get3A_792, %get3A_793, %get3A_794] {strides = array<i32>} : memref<8x4x896xf32, #tpu.memory_space<vmem>>, vector<1x1x16xf32>,
      %get3A_796 = vector.shape_cast %get3A_795 : vector<1x1x16xf32> to vector<16xf32>
      %sub3A_797 = arith.subf %get3A_789, %get3A_796 : vector<16xf32>
      %mul3A_798 = arith.mulf %sub3A_797, %sub3A_797 : vector<16xf32>
      %add3A_799 = arith.addf %mul3A_782, %mul3A_798 : vector<16xf32>
      %get3A_800 = arith.constant 7 : i32
      %get3A_801 = arith.constant 2 : i32
      %get3A_802 = arith.index_cast %get3A_800 : i32 to index
      %get3A_803 = arith.index_cast %get3A_801 : i32 to index
      %get3A_804 = arith.index_cast %mul3A_172 : i32 to index
      %get3A_805 = tpu.vector_load %arg10[%get3A_802, %get3A_803, %get3A_804] {strides = array<i32>} : memref<8x4x896xf32, #tpu.memory_space<vmem>>, vector<1x1x16xf32>,
      %get3A_806 = vector.shape_cast %get3A_805 : vector<1x1x16xf32> to vector<16xf32>
      %get3A_807 = arith.constant 7 : i32
      %get3A_808 = arith.constant 2 : i32
      %get3A_809 = arith.index_cast %get3A_807 : i32 to index
      %get3A_810 = arith.index_cast %get3A_808 : i32 to index
      %get3A_811 = arith.index_cast %mul3A_172 : i32 to index
      %get3A_812 = tpu.vector_load %arg8[%get3A_809, %get3A_810, %get3A_811] {strides = array<i32>} : memref<8x4x896xf32, #tpu.memory_space<vmem>>, vector<1x1x16xf32>,
      %get3A_813 = vector.shape_cast %get3A_812 : vector<1x1x16xf32> to vector<16xf32>
      %sub3A_814 = arith.subf %get3A_806, %get3A_813 : vector<16xf32>
      %mul3A_815 = arith.mulf %sub3A_814, %sub3A_814 : vector<16xf32>
      %add3A_816 = arith.addf %add3A_799, %mul3A_815 : vector<16xf32>
      %get3A_817 = arith.constant 7 : i32
      %get3A_818 = arith.constant 3 : i32
      %get3A_819 = arith.index_cast %get3A_817 : i32 to index
      %get3A_820 = arith.index_cast %get3A_818 : i32 to index
      %get3A_821 = arith.index_cast %mul3A_172 : i32 to index
      %get3A_822 = tpu.vector_load %arg10[%get3A_819, %get3A_820, %get3A_821] {strides = array<i32>} : memref<8x4x896xf32, #tpu.memory_space<vmem>>, vector<1x1x16xf32>,
      %get3A_823 = vector.shape_cast %get3A_822 : vector<1x1x16xf32> to vector<16xf32>
      %get3A_824 = arith.constant 7 : i32
      %get3A_825 = arith.constant 3 : i32
      %get3A_826 = arith.index_cast %get3A_824 : i32 to index
      %get3A_827 = arith.index_cast %get3A_825 : i32 to index
      %get3A_828 = arith.index_cast %mul3A_172 : i32 to index
      %get3A_829 = tpu.vector_load %arg8[%get3A_826, %get3A_827, %get3A_828] {strides = array<i32>} : memref<8x4x896xf32, #tpu.memory_space<vmem>>, vector<1x1x16xf32>,
      %get3A_830 = vector.shape_cast %get3A_829 : vector<1x1x16xf32> to vector<16xf32>
      %sub3A_831 = arith.subf %get3A_823, %get3A_830 : vector<16xf32>
      %mul3A_832 = arith.mulf %sub3A_831, %sub3A_831 : vector<16xf32>
      %add3A_833 = arith.addf %add3A_816, %mul3A_832 : vector<16xf32>
      %mul3A_834 = arith.mulf %add3A_833, %select_n3A_765 : vector<16xf32>
      %add3A_835 = arith.addf %add3A_752, %mul3A_834 : vector<16xf32>
      scf.yield %add3A_835, %add3A_766 : vector<16xf32>, vector<16xf32>
    }
    %scan3A_93 = arith.constant 56 : i32
    %add3A_94 = arith.constant 1 : i32
    %add3A_95 = arith.addi %mul3A_52, %add3A_94 : i32
    %mul3A_96 = arith.constant 896 : i32
    %mul3A_97 = arith.muli %add3A_95, %mul3A_96 : i32
    %add3A_98 = arith.addi %mul3A_34, %mul3A_97 : i32
    %multiple_of3A_99 = tpu.assume_multiple %add3A_98, 128 : i32
    %dma_wait3A_100 = arith.constant 0 : i32
    %dma_wait3A_101 = tpu.memref_slice %arg2[%dma_wait3A_100, %multiple_of3A, %multiple_of3A_99] : memref<1x64x20000xi32, #tpu.memory_space<hbm>> -> memref<1x8x896xi32, #tpu.memory_space<hbm>>
    %dma_wait3A_102 = tpu.memref_squeeze %dma_wait3A_101 : memref<1x8x896xi32, #tpu.memory_space<hbm>> -> memref<8x896xi32, #tpu.memory_space<hbm>>
    %dma_wait3A_103 = tpu.memref_slice %arg2[%dma_wait3A_100, %multiple_of3A, %multiple_of3A_99] : memref<1x64x20000xi32, #tpu.memory_space<hbm>> -> memref<1x8x896xi32, #tpu.memory_space<hbm>>
    %dma_wait3A_104 = tpu.memref_squeeze %dma_wait3A_103 : memref<1x8x896xi32, #tpu.memory_space<hbm>> -> memref<8x896xi32, #tpu.memory_space<hbm>>
    tpu.wait_dma2 semaphore(%arg14 : memref<!tpu.dma_semaphore, #tpu.memory_space<semaphore_mem>>) src(%dma_wait3A_104 : memref<8x896xi32, #tpu.memory_space<hbm>>) dst(%arg7 : memref<8x896xi32, #tpu.memory_space<vmem>>)
    %dma_wait3A_105 = arith.constant 0 : i32
    %dma_wait3A_106 = tpu.memref_slice %arg3[%multiple_of3A, %dma_wait3A_105, %multiple_of3A_99] : memref<64x4x20000xf32, #tpu.memory_space<hbm>> -> memref<8x4x896xf32, #tpu.memory_space<hbm>>
    %dma_wait3A_107 = arith.constant 0 : i32
    %dma_wait3A_108 = tpu.memref_slice %arg3[%multiple_of3A, %dma_wait3A_107, %multiple_of3A_99] : memref<64x4x20000xf32, #tpu.memory_space<hbm>> -> memref<8x4x896xf32, #tpu.memory_space<hbm>>
    tpu.wait_dma2 semaphore(%arg16 : memref<!tpu.dma_semaphore, #tpu.memory_space<semaphore_mem>>) src(%dma_wait3A_108 : memref<8x4x896xf32, #tpu.memory_space<hbm>>) dst(%arg9 : memref<8x4x896xf32, #tpu.memory_space<vmem>>)
    %dma_wait3A_109 = arith.constant 0 : i32
    %dma_wait3A_110 = tpu.memref_slice %arg4[%multiple_of3A, %dma_wait3A_109, %multiple_of3A_99] : memref<64x4x20000xf32, #tpu.memory_space<hbm>> -> memref<8x4x896xf32, #tpu.memory_space<hbm>>
    %dma_wait3A_111 = arith.constant 0 : i32
    %dma_wait3A_112 = tpu.memref_slice %arg4[%multiple_of3A, %dma_wait3A_111, %multiple_of3A_99] : memref<64x4x20000xf32, #tpu.memory_space<hbm>> -> memref<8x4x896xf32, #tpu.memory_space<hbm>>
    tpu.wait_dma2 semaphore(%arg18 : memref<!tpu.dma_semaphore, #tpu.memory_space<semaphore_mem>>) src(%dma_wait3A_112 : memref<8x4x896xf32, #tpu.memory_space<hbm>>) dst(%arg11 : memref<8x4x896xf32, #tpu.memory_space<vmem>>)
    %add3A_113 = arith.constant 2 : i32
    %add3A_114 = arith.addi %mul3A_52, %add3A_113 : i32
    %mul3A_115 = arith.constant 896 : i32
    %mul3A_116 = arith.muli %add3A_114, %mul3A_115 : i32
    %add3A_117 = arith.addi %mul3A_34, %mul3A_116 : i32
    %multiple_of3A_118 = tpu.assume_multiple %add3A_117, 128 : i32
    %dma_start3A_119 = arith.constant 0 : i32
    %dma_start3A_120 = tpu.memref_slice %arg2[%dma_start3A_119, %multiple_of3A, %multiple_of3A_118] : memref<1x64x20000xi32, #tpu.memory_space<hbm>> -> memref<1x8x896xi32, #tpu.memory_space<hbm>>
    %dma_start3A_121 = tpu.memref_squeeze %dma_start3A_120 : memref<1x8x896xi32, #tpu.memory_space<hbm>> -> memref<8x896xi32, #tpu.memory_space<hbm>>
    %dma_start3A_122 = tpu.memref_slice %arg2[%dma_start3A_119, %multiple_of3A, %multiple_of3A_118] : memref<1x64x20000xi32, #tpu.memory_space<hbm>> -> memref<1x8x896xi32, #tpu.memory_space<hbm>>
    %dma_start3A_123 = tpu.memref_squeeze %dma_start3A_122 : memref<1x8x896xi32, #tpu.memory_space<hbm>> -> memref<8x896xi32, #tpu.memory_space<hbm>>
    tpu.enqueue_dma source(%dma_start3A_123 : memref<8x896xi32, #tpu.memory_space<hbm>>) target(%arg6 : memref<8x896xi32, #tpu.memory_space<vmem>>) target_semaphore(%arg13 : memref<!tpu.dma_semaphore, #tpu.memory_space<semaphore_mem>>)
    %dma_start3A_124 = arith.constant 0 : i32
    %dma_start3A_125 = tpu.memref_slice %arg3[%multiple_of3A, %dma_start3A_124, %multiple_of3A_118] : memref<64x4x20000xf32, #tpu.memory_space<hbm>> -> memref<8x4x896xf32, #tpu.memory_space<hbm>>
    %dma_start3A_126 = arith.constant 0 : i32
    %dma_start3A_127 = tpu.memref_slice %arg3[%multiple_of3A, %dma_start3A_126, %multiple_of3A_118] : memref<64x4x20000xf32, #tpu.memory_space<hbm>> -> memref<8x4x896xf32, #tpu.memory_space<hbm>>
    tpu.enqueue_dma source(%dma_start3A_127 : memref<8x4x896xf32, #tpu.memory_space<hbm>>) target(%arg8 : memref<8x4x896xf32, #tpu.memory_space<vmem>>) target_semaphore(%arg15 : memref<!tpu.dma_semaphore, #tpu.memory_space<semaphore_mem>>)
    %dma_start3A_128 = arith.constant 0 : i32
    %dma_start3A_129 = tpu.memref_slice %arg4[%multiple_of3A, %dma_start3A_128, %multiple_of3A_118] : memref<64x4x20000xf32, #tpu.memory_space<hbm>> -> memref<8x4x896xf32, #tpu.memory_space<hbm>>
    %dma_start3A_130 = arith.constant 0 : i32
    %dma_start3A_131 = tpu.memref_slice %arg4[%multiple_of3A, %dma_start3A_130, %multiple_of3A_118] : memref<64x4x20000xf32, #tpu.memory_space<hbm>> -> memref<8x4x896xf32, #tpu.memory_space<hbm>>
    tpu.enqueue_dma source(%dma_start3A_131 : memref<8x4x896xf32, #tpu.memory_space<hbm>>) target(%arg10 : memref<8x4x896xf32, #tpu.memory_space<vmem>>) target_semaphore(%arg17 : memref<!tpu.dma_semaphore, #tpu.memory_space<semaphore_mem>>)
    %scan3A_132 = arith.constant 0 : i32
    %scan3A_133 = arith.constant 56 : i32
    %scan3A_134 = arith.addi %scan3A_132, %scan3A_133 : i32
    %scan3A_135 = arith.constant 1 : i32
    %scan3A_136:2 = scf.for %scan3A_168 = %scan3A_132 to %scan3A_134 step %scan3A_135 iter_args(%scan3A_169 = %scan3A_92#0, %scan3A_170 = %scan3A_92#1) -> (vector<16xf32>, vector<16xf32>)  : i32 {
      %mul3A_171 = arith.constant 16 : i32
      %mul3A_172 = arith.muli %scan3A_168, %mul3A_171 : i32
      %get3A = arith.constant 0 : i32
      %get3A_173 = arith.index_cast %get3A : i32 to index
      %get3A_174 = arith.index_cast %mul3A_172 : i32 to index
      %get3A_175 = tpu.vector_load %arg7[%get3A_173, %get3A_174] {strides = array<i32>} : memref<8x896xi32, #tpu.memory_space<vmem>>, vector<1x16xi32>,
      %get3A_176 = vector.shape_cast %get3A_175 : vector<1x16xi32> to vector<16xi32>
      %ne3A_177 = arith.constant 0 : i32
      %ne3A_178 = vector.broadcast %ne3A_177 : i32 to vector<16xi32>
      %ne3A_179 = arith.cmpi ne, %get3A_176, %ne3A_178 : vector<16xi32>
      %jit3A_180 = arith.constant 1.000000e+00 : f32
      %jit3A_181 = arith.constant 0.000000e+00 : f32
      %broadcast_in_dim3A_182 = vector.broadcast %jit3A_180 : f32 to vector<16xf32>
      %broadcast_in_dim3A_183 = vector.broadcast %jit3A_181 : f32 to vector<16xf32>
      %select_n3A_184 = arith.select %ne3A_179, %broadcast_in_dim3A_182, %broadcast_in_dim3A_183 : vector<16xi1>, vector<16xf32>
      %add3A_185 = arith.addf %scan3A_170, %select_n3A_184 : vector<16xf32>
      %get3A_186 = arith.constant 0 : i32
      %get3A_187 = arith.constant 0 : i32
      %get3A_188 = arith.index_cast %get3A_186 : i32 to index
      %get3A_189 = arith.index_cast %get3A_187 : i32 to index
      %get3A_190 = arith.index_cast %mul3A_172 : i32 to index
      %get3A_191 = tpu.vector_load %arg11[%get3A_188, %get3A_189, %get3A_190] {strides = array<i32>} : memref<8x4x896xf32, #tpu.memory_space<vmem>>, vector<1x1x16xf32>,
      %get3A_192 = vector.shape_cast %get3A_191 : vector<1x1x16xf32> to vector<16xf32>
      %get3A_193 = arith.constant 0 : i32
      %get3A_194 = arith.constant 0 : i32
      %get3A_195 = arith.index_cast %get3A_193 : i32 to index
      %get3A_196 = arith.index_cast %get3A_194 : i32 to index
      %get3A_197 = arith.index_cast %mul3A_172 : i32 to index
      %get3A_198 = tpu.vector_load %arg9[%get3A_195, %get3A_196, %get3A_197] {strides = array<i32>} : memref<8x4x896xf32, #tpu.memory_space<vmem>>, vector<1x1x16xf32>,
      %get3A_199 = vector.shape_cast %get3A_198 : vector<1x1x16xf32> to vector<16xf32>
      %sub3A_200 = arith.subf %get3A_192, %get3A_199 : vector<16xf32>
      %mul3A_201 = arith.mulf %sub3A_200, %sub3A_200 : vector<16xf32>
      %get3A_202 = arith.constant 0 : i32
      %get3A_203 = arith.constant 1 : i32
      %get3A_204 = arith.index_cast %get3A_202 : i32 to index
      %get3A_205 = arith.index_cast %get3A_203 : i32 to index
      %get3A_206 = arith.index_cast %mul3A_172 : i32 to index
      %get3A_207 = tpu.vector_load %arg11[%get3A_204, %get3A_205, %get3A_206] {strides = array<i32>} : memref<8x4x896xf32, #tpu.memory_space<vmem>>, vector<1x1x16xf32>,
      %get3A_208 = vector.shape_cast %get3A_207 : vector<1x1x16xf32> to vector<16xf32>
      %get3A_209 = arith.constant 0 : i32
      %get3A_210 = arith.constant 1 : i32
      %get3A_211 = arith.index_cast %get3A_209 : i32 to index
      %get3A_212 = arith.index_cast %get3A_210 : i32 to index
      %get3A_213 = arith.index_cast %mul3A_172 : i32 to index
      %get3A_214 = tpu.vector_load %arg9[%get3A_211, %get3A_212, %get3A_213] {strides = array<i32>} : memref<8x4x896xf32, #tpu.memory_space<vmem>>, vector<1x1x16xf32>,
      %get3A_215 = vector.shape_cast %get3A_214 : vector<1x1x16xf32> to vector<16xf32>
      %sub3A_216 = arith.subf %get3A_208, %get3A_215 : vector<16xf32>
      %mul3A_217 = arith.mulf %sub3A_216, %sub3A_216 : vector<16xf32>
      %add3A_218 = arith.addf %mul3A_201, %mul3A_217 : vector<16xf32>
      %get3A_219 = arith.constant 0 : i32
      %get3A_220 = arith.constant 2 : i32
      %get3A_221 = arith.index_cast %get3A_219 : i32 to index
      %get3A_222 = arith.index_cast %get3A_220 : i32 to index
      %get3A_223 = arith.index_cast %mul3A_172 : i32 to index
      %get3A_224 = tpu.vector_load %arg11[%get3A_221, %get3A_222, %get3A_223] {strides = array<i32>} : memref<8x4x896xf32, #tpu.memory_space<vmem>>, vector<1x1x16xf32>,
      %get3A_225 = vector.shape_cast %get3A_224 : vector<1x1x16xf32> to vector<16xf32>
      %get3A_226 = arith.constant 0 : i32
      %get3A_227 = arith.constant 2 : i32
      %get3A_228 = arith.index_cast %get3A_226 : i32 to index
      %get3A_229 = arith.index_cast %get3A_227 : i32 to index
      %get3A_230 = arith.index_cast %mul3A_172 : i32 to index
      %get3A_231 = tpu.vector_load %arg9[%get3A_228, %get3A_229, %get3A_230] {strides = array<i32>} : memref<8x4x896xf32, #tpu.memory_space<vmem>>, vector<1x1x16xf32>,
      %get3A_232 = vector.shape_cast %get3A_231 : vector<1x1x16xf32> to vector<16xf32>
      %sub3A_233 = arith.subf %get3A_225, %get3A_232 : vector<16xf32>
      %mul3A_234 = arith.mulf %sub3A_233, %sub3A_233 : vector<16xf32>
      %add3A_235 = arith.addf %add3A_218, %mul3A_234 : vector<16xf32>
      %get3A_236 = arith.constant 0 : i32
      %get3A_237 = arith.constant 3 : i32
      %get3A_238 = arith.index_cast %get3A_236 : i32 to index
      %get3A_239 = arith.index_cast %get3A_237 : i32 to index
      %get3A_240 = arith.index_cast %mul3A_172 : i32 to index
      %get3A_241 = tpu.vector_load %arg11[%get3A_238, %get3A_239, %get3A_240] {strides = array<i32>} : memref<8x4x896xf32, #tpu.memory_space<vmem>>, vector<1x1x16xf32>,
      %get3A_242 = vector.shape_cast %get3A_241 : vector<1x1x16xf32> to vector<16xf32>
      %get3A_243 = arith.constant 0 : i32
      %get3A_244 = arith.constant 3 : i32
      %get3A_245 = arith.index_cast %get3A_243 : i32 to index
      %get3A_246 = arith.index_cast %get3A_244 : i32 to index
      %get3A_247 = arith.index_cast %mul3A_172 : i32 to index
      %get3A_248 = tpu.vector_load %arg9[%get3A_245, %get3A_246, %get3A_247] {strides = array<i32>} : memref<8x4x896xf32, #tpu.memory_space<vmem>>, vector<1x1x16xf32>,
      %get3A_249 = vector.shape_cast %get3A_248 : vector<1x1x16xf32> to vector<16xf32>
      %sub3A_250 = arith.subf %get3A_242, %get3A_249 : vector<16xf32>
      %mul3A_251 = arith.mulf %sub3A_250, %sub3A_250 : vector<16xf32>
      %add3A_252 = arith.addf %add3A_235, %mul3A_251 : vector<16xf32>
      %mul3A_253 = arith.mulf %add3A_252, %select_n3A_184 : vector<16xf32>
      %add3A_254 = arith.addf %scan3A_169, %mul3A_253 : vector<16xf32>
      %get3A_255 = arith.constant 1 : i32
      %get3A_256 = arith.index_cast %get3A_255 : i32 to index
      %get3A_257 = arith.index_cast %mul3A_172 : i32 to index
      %get3A_258 = tpu.vector_load %arg7[%get3A_256, %get3A_257] {strides = array<i32>} : memref<8x896xi32, #tpu.memory_space<vmem>>, vector<1x16xi32>,
      %get3A_259 = vector.shape_cast %get3A_258 : vector<1x16xi32> to vector<16xi32>
      %ne3A_260 = arith.constant 0 : i32
      %ne3A_261 = vector.broadcast %ne3A_260 : i32 to vector<16xi32>
      %ne3A_262 = arith.cmpi ne, %get3A_259, %ne3A_261 : vector<16xi32>
      %jit3A_263 = arith.constant 1.000000e+00 : f32
      %jit3A_264 = arith.constant 0.000000e+00 : f32
      %broadcast_in_dim3A_265 = vector.broadcast %jit3A_263 : f32 to vector<16xf32>
      %broadcast_in_dim3A_266 = vector.broadcast %jit3A_264 : f32 to vector<16xf32>
      %select_n3A_267 = arith.select %ne3A_262, %broadcast_in_dim3A_265, %broadcast_in_dim3A_266 : vector<16xi1>, vector<16xf32>
      %add3A_268 = arith.addf %add3A_185, %select_n3A_267 : vector<16xf32>
      %get3A_269 = arith.constant 1 : i32
      %get3A_270 = arith.constant 0 : i32
      %get3A_271 = arith.index_cast %get3A_269 : i32 to index
      %get3A_272 = arith.index_cast %get3A_270 : i32 to index
      %get3A_273 = arith.index_cast %mul3A_172 : i32 to index
      %get3A_274 = tpu.vector_load %arg11[%get3A_271, %get3A_272, %get3A_273] {strides = array<i32>} : memref<8x4x896xf32, #tpu.memory_space<vmem>>, vector<1x1x16xf32>,
      %get3A_275 = vector.shape_cast %get3A_274 : vector<1x1x16xf32> to vector<16xf32>
      %get3A_276 = arith.constant 1 : i32
      %get3A_277 = arith.constant 0 : i32
      %get3A_278 = arith.index_cast %get3A_276 : i32 to index
      %get3A_279 = arith.index_cast %get3A_277 : i32 to index
      %get3A_280 = arith.index_cast %mul3A_172 : i32 to index
      %get3A_281 = tpu.vector_load %arg9[%get3A_278, %get3A_279, %get3A_280] {strides = array<i32>} : memref<8x4x896xf32, #tpu.memory_space<vmem>>, vector<1x1x16xf32>,
      %get3A_282 = vector.shape_cast %get3A_281 : vector<1x1x16xf32> to vector<16xf32>
      %sub3A_283 = arith.subf %get3A_275, %get3A_282 : vector<16xf32>
      %mul3A_284 = arith.mulf %sub3A_283, %sub3A_283 : vector<16xf32>
      %get3A_285 = arith.constant 1 : i32
      %get3A_286 = arith.constant 1 : i32
      %get3A_287 = arith.index_cast %get3A_285 : i32 to index
      %get3A_288 = arith.index_cast %get3A_286 : i32 to index
      %get3A_289 = arith.index_cast %mul3A_172 : i32 to index
      %get3A_290 = tpu.vector_load %arg11[%get3A_287, %get3A_288, %get3A_289] {strides = array<i32>} : memref<8x4x896xf32, #tpu.memory_space<vmem>>, vector<1x1x16xf32>,
      %get3A_291 = vector.shape_cast %get3A_290 : vector<1x1x16xf32> to vector<16xf32>
      %get3A_292 = arith.constant 1 : i32
      %get3A_293 = arith.constant 1 : i32
      %get3A_294 = arith.index_cast %get3A_292 : i32 to index
      %get3A_295 = arith.index_cast %get3A_293 : i32 to index
      %get3A_296 = arith.index_cast %mul3A_172 : i32 to index
      %get3A_297 = tpu.vector_load %arg9[%get3A_294, %get3A_295, %get3A_296] {strides = array<i32>} : memref<8x4x896xf32, #tpu.memory_space<vmem>>, vector<1x1x16xf32>,
      %get3A_298 = vector.shape_cast %get3A_297 : vector<1x1x16xf32> to vector<16xf32>
      %sub3A_299 = arith.subf %get3A_291, %get3A_298 : vector<16xf32>
      %mul3A_300 = arith.mulf %sub3A_299, %sub3A_299 : vector<16xf32>
      %add3A_301 = arith.addf %mul3A_284, %mul3A_300 : vector<16xf32>
      %get3A_302 = arith.constant 1 : i32
      %get3A_303 = arith.constant 2 : i32
      %get3A_304 = arith.index_cast %get3A_302 : i32 to index
      %get3A_305 = arith.index_cast %get3A_303 : i32 to index
      %get3A_306 = arith.index_cast %mul3A_172 : i32 to index
      %get3A_307 = tpu.vector_load %arg11[%get3A_304, %get3A_305, %get3A_306] {strides = array<i32>} : memref<8x4x896xf32, #tpu.memory_space<vmem>>, vector<1x1x16xf32>,
      %get3A_308 = vector.shape_cast %get3A_307 : vector<1x1x16xf32> to vector<16xf32>
      %get3A_309 = arith.constant 1 : i32
      %get3A_310 = arith.constant 2 : i32
      %get3A_311 = arith.index_cast %get3A_309 : i32 to index
      %get3A_312 = arith.index_cast %get3A_310 : i32 to index
      %get3A_313 = arith.index_cast %mul3A_172 : i32 to index
      %get3A_314 = tpu.vector_load %arg9[%get3A_311, %get3A_312, %get3A_313] {strides = array<i32>} : memref<8x4x896xf32, #tpu.memory_space<vmem>>, vector<1x1x16xf32>,
      %get3A_315 = vector.shape_cast %get3A_314 : vector<1x1x16xf32> to vector<16xf32>
      %sub3A_316 = arith.subf %get3A_308, %get3A_315 : vector<16xf32>
      %mul3A_317 = arith.mulf %sub3A_316, %sub3A_316 : vector<16xf32>
      %add3A_318 = arith.addf %add3A_301, %mul3A_317 : vector<16xf32>
      %get3A_319 = arith.constant 1 : i32
      %get3A_320 = arith.constant 3 : i32
      %get3A_321 = arith.index_cast %get3A_319 : i32 to index
      %get3A_322 = arith.index_cast %get3A_320 : i32 to index
      %get3A_323 = arith.index_cast %mul3A_172 : i32 to index
      %get3A_324 = tpu.vector_load %arg11[%get3A_321, %get3A_322, %get3A_323] {strides = array<i32>} : memref<8x4x896xf32, #tpu.memory_space<vmem>>, vector<1x1x16xf32>,
      %get3A_325 = vector.shape_cast %get3A_324 : vector<1x1x16xf32> to vector<16xf32>
      %get3A_326 = arith.constant 1 : i32
      %get3A_327 = arith.constant 3 : i32
      %get3A_328 = arith.index_cast %get3A_326 : i32 to index
      %get3A_329 = arith.index_cast %get3A_327 : i32 to index
      %get3A_330 = arith.index_cast %mul3A_172 : i32 to index
      %get3A_331 = tpu.vector_load %arg9[%get3A_328, %get3A_329, %get3A_330] {strides = array<i32>} : memref<8x4x896xf32, #tpu.memory_space<vmem>>, vector<1x1x16xf32>,
      %get3A_332 = vector.shape_cast %get3A_331 : vector<1x1x16xf32> to vector<16xf32>
      %sub3A_333 = arith.subf %get3A_325, %get3A_332 : vector<16xf32>
      %mul3A_334 = arith.mulf %sub3A_333, %sub3A_333 : vector<16xf32>
      %add3A_335 = arith.addf %add3A_318, %mul3A_334 : vector<16xf32>
      %mul3A_336 = arith.mulf %add3A_335, %select_n3A_267 : vector<16xf32>
      %add3A_337 = arith.addf %add3A_254, %mul3A_336 : vector<16xf32>
      %get3A_338 = arith.constant 2 : i32
      %get3A_339 = arith.index_cast %get3A_338 : i32 to index
      %get3A_340 = arith.index_cast %mul3A_172 : i32 to index
      %get3A_341 = tpu.vector_load %arg7[%get3A_339, %get3A_340] {strides = array<i32>} : memref<8x896xi32, #tpu.memory_space<vmem>>, vector<1x16xi32>,
      %get3A_342 = vector.shape_cast %get3A_341 : vector<1x16xi32> to vector<16xi32>
      %ne3A_343 = arith.constant 0 : i32
      %ne3A_344 = vector.broadcast %ne3A_343 : i32 to vector<16xi32>
      %ne3A_345 = arith.cmpi ne, %get3A_342, %ne3A_344 : vector<16xi32>
      %jit3A_346 = arith.constant 1.000000e+00 : f32
      %jit3A_347 = arith.constant 0.000000e+00 : f32
      %broadcast_in_dim3A_348 = vector.broadcast %jit3A_346 : f32 to vector<16xf32>
      %broadcast_in_dim3A_349 = vector.broadcast %jit3A_347 : f32 to vector<16xf32>
      %select_n3A_350 = arith.select %ne3A_345, %broadcast_in_dim3A_348, %broadcast_in_dim3A_349 : vector<16xi1>, vector<16xf32>
      %add3A_351 = arith.addf %add3A_268, %select_n3A_350 : vector<16xf32>
      %get3A_352 = arith.constant 2 : i32
      %get3A_353 = arith.constant 0 : i32
      %get3A_354 = arith.index_cast %get3A_352 : i32 to index
      %get3A_355 = arith.index_cast %get3A_353 : i32 to index
      %get3A_356 = arith.index_cast %mul3A_172 : i32 to index
      %get3A_357 = tpu.vector_load %arg11[%get3A_354, %get3A_355, %get3A_356] {strides = array<i32>} : memref<8x4x896xf32, #tpu.memory_space<vmem>>, vector<1x1x16xf32>,
      %get3A_358 = vector.shape_cast %get3A_357 : vector<1x1x16xf32> to vector<16xf32>
      %get3A_359 = arith.constant 2 : i32
      %get3A_360 = arith.constant 0 : i32
      %get3A_361 = arith.index_cast %get3A_359 : i32 to index
      %get3A_362 = arith.index_cast %get3A_360 : i32 to index
      %get3A_363 = arith.index_cast %mul3A_172 : i32 to index
      %get3A_364 = tpu.vector_load %arg9[%get3A_361, %get3A_362, %get3A_363] {strides = array<i32>} : memref<8x4x896xf32, #tpu.memory_space<vmem>>, vector<1x1x16xf32>,
      %get3A_365 = vector.shape_cast %get3A_364 : vector<1x1x16xf32> to vector<16xf32>
      %sub3A_366 = arith.subf %get3A_358, %get3A_365 : vector<16xf32>
      %mul3A_367 = arith.mulf %sub3A_366, %sub3A_366 : vector<16xf32>
      %get3A_368 = arith.constant 2 : i32
      %get3A_369 = arith.constant 1 : i32
      %get3A_370 = arith.index_cast %get3A_368 : i32 to index
      %get3A_371 = arith.index_cast %get3A_369 : i32 to index
      %get3A_372 = arith.index_cast %mul3A_172 : i32 to index
      %get3A_373 = tpu.vector_load %arg11[%get3A_370, %get3A_371, %get3A_372] {strides = array<i32>} : memref<8x4x896xf32, #tpu.memory_space<vmem>>, vector<1x1x16xf32>,
      %get3A_374 = vector.shape_cast %get3A_373 : vector<1x1x16xf32> to vector<16xf32>
      %get3A_375 = arith.constant 2 : i32
      %get3A_376 = arith.constant 1 : i32
      %get3A_377 = arith.index_cast %get3A_375 : i32 to index
      %get3A_378 = arith.index_cast %get3A_376 : i32 to index
      %get3A_379 = arith.index_cast %mul3A_172 : i32 to index
      %get3A_380 = tpu.vector_load %arg9[%get3A_377, %get3A_378, %get3A_379] {strides = array<i32>} : memref<8x4x896xf32, #tpu.memory_space<vmem>>, vector<1x1x16xf32>,
      %get3A_381 = vector.shape_cast %get3A_380 : vector<1x1x16xf32> to vector<16xf32>
      %sub3A_382 = arith.subf %get3A_374, %get3A_381 : vector<16xf32>
      %mul3A_383 = arith.mulf %sub3A_382, %sub3A_382 : vector<16xf32>
      %add3A_384 = arith.addf %mul3A_367, %mul3A_383 : vector<16xf32>
      %get3A_385 = arith.constant 2 : i32
      %get3A_386 = arith.constant 2 : i32
      %get3A_387 = arith.index_cast %get3A_385 : i32 to index
      %get3A_388 = arith.index_cast %get3A_386 : i32 to index
      %get3A_389 = arith.index_cast %mul3A_172 : i32 to index
      %get3A_390 = tpu.vector_load %arg11[%get3A_387, %get3A_388, %get3A_389] {strides = array<i32>} : memref<8x4x896xf32, #tpu.memory_space<vmem>>, vector<1x1x16xf32>,
      %get3A_391 = vector.shape_cast %get3A_390 : vector<1x1x16xf32> to vector<16xf32>
      %get3A_392 = arith.constant 2 : i32
      %get3A_393 = arith.constant 2 : i32
      %get3A_394 = arith.index_cast %get3A_392 : i32 to index
      %get3A_395 = arith.index_cast %get3A_393 : i32 to index
      %get3A_396 = arith.index_cast %mul3A_172 : i32 to index
      %get3A_397 = tpu.vector_load %arg9[%get3A_394, %get3A_395, %get3A_396] {strides = array<i32>} : memref<8x4x896xf32, #tpu.memory_space<vmem>>, vector<1x1x16xf32>,
      %get3A_398 = vector.shape_cast %get3A_397 : vector<1x1x16xf32> to vector<16xf32>
      %sub3A_399 = arith.subf %get3A_391, %get3A_398 : vector<16xf32>
      %mul3A_400 = arith.mulf %sub3A_399, %sub3A_399 : vector<16xf32>
      %add3A_401 = arith.addf %add3A_384, %mul3A_400 : vector<16xf32>
      %get3A_402 = arith.constant 2 : i32
      %get3A_403 = arith.constant 3 : i32
      %get3A_404 = arith.index_cast %get3A_402 : i32 to index
      %get3A_405 = arith.index_cast %get3A_403 : i32 to index
      %get3A_406 = arith.index_cast %mul3A_172 : i32 to index
      %get3A_407 = tpu.vector_load %arg11[%get3A_404, %get3A_405, %get3A_406] {strides = array<i32>} : memref<8x4x896xf32, #tpu.memory_space<vmem>>, vector<1x1x16xf32>,
      %get3A_408 = vector.shape_cast %get3A_407 : vector<1x1x16xf32> to vector<16xf32>
      %get3A_409 = arith.constant 2 : i32
      %get3A_410 = arith.constant 3 : i32
      %get3A_411 = arith.index_cast %get3A_409 : i32 to index
      %get3A_412 = arith.index_cast %get3A_410 : i32 to index
      %get3A_413 = arith.index_cast %mul3A_172 : i32 to index
      %get3A_414 = tpu.vector_load %arg9[%get3A_411, %get3A_412, %get3A_413] {strides = array<i32>} : memref<8x4x896xf32, #tpu.memory_space<vmem>>, vector<1x1x16xf32>,
      %get3A_415 = vector.shape_cast %get3A_414 : vector<1x1x16xf32> to vector<16xf32>
      %sub3A_416 = arith.subf %get3A_408, %get3A_415 : vector<16xf32>
      %mul3A_417 = arith.mulf %sub3A_416, %sub3A_416 : vector<16xf32>
      %add3A_418 = arith.addf %add3A_401, %mul3A_417 : vector<16xf32>
      %mul3A_419 = arith.mulf %add3A_418, %select_n3A_350 : vector<16xf32>
      %add3A_420 = arith.addf %add3A_337, %mul3A_419 : vector<16xf32>
      %get3A_421 = arith.constant 3 : i32
      %get3A_422 = arith.index_cast %get3A_421 : i32 to index
      %get3A_423 = arith.index_cast %mul3A_172 : i32 to index
      %get3A_424 = tpu.vector_load %arg7[%get3A_422, %get3A_423] {strides = array<i32>} : memref<8x896xi32, #tpu.memory_space<vmem>>, vector<1x16xi32>,
      %get3A_425 = vector.shape_cast %get3A_424 : vector<1x16xi32> to vector<16xi32>
      %ne3A_426 = arith.constant 0 : i32
      %ne3A_427 = vector.broadcast %ne3A_426 : i32 to vector<16xi32>
      %ne3A_428 = arith.cmpi ne, %get3A_425, %ne3A_427 : vector<16xi32>
      %jit3A_429 = arith.constant 1.000000e+00 : f32
      %jit3A_430 = arith.constant 0.000000e+00 : f32
      %broadcast_in_dim3A_431 = vector.broadcast %jit3A_429 : f32 to vector<16xf32>
      %broadcast_in_dim3A_432 = vector.broadcast %jit3A_430 : f32 to vector<16xf32>
      %select_n3A_433 = arith.select %ne3A_428, %broadcast_in_dim3A_431, %broadcast_in_dim3A_432 : vector<16xi1>, vector<16xf32>
      %add3A_434 = arith.addf %add3A_351, %select_n3A_433 : vector<16xf32>
      %get3A_435 = arith.constant 3 : i32
      %get3A_436 = arith.constant 0 : i32
      %get3A_437 = arith.index_cast %get3A_435 : i32 to index
      %get3A_438 = arith.index_cast %get3A_436 : i32 to index
      %get3A_439 = arith.index_cast %mul3A_172 : i32 to index
      %get3A_440 = tpu.vector_load %arg11[%get3A_437, %get3A_438, %get3A_439] {strides = array<i32>} : memref<8x4x896xf32, #tpu.memory_space<vmem>>, vector<1x1x16xf32>,
      %get3A_441 = vector.shape_cast %get3A_440 : vector<1x1x16xf32> to vector<16xf32>
      %get3A_442 = arith.constant 3 : i32
      %get3A_443 = arith.constant 0 : i32
      %get3A_444 = arith.index_cast %get3A_442 : i32 to index
      %get3A_445 = arith.index_cast %get3A_443 : i32 to index
      %get3A_446 = arith.index_cast %mul3A_172 : i32 to index
      %get3A_447 = tpu.vector_load %arg9[%get3A_444, %get3A_445, %get3A_446] {strides = array<i32>} : memref<8x4x896xf32, #tpu.memory_space<vmem>>, vector<1x1x16xf32>,
      %get3A_448 = vector.shape_cast %get3A_447 : vector<1x1x16xf32> to vector<16xf32>
      %sub3A_449 = arith.subf %get3A_441, %get3A_448 : vector<16xf32>
      %mul3A_450 = arith.mulf %sub3A_449, %sub3A_449 : vector<16xf32>
      %get3A_451 = arith.constant 3 : i32
      %get3A_452 = arith.constant 1 : i32
      %get3A_453 = arith.index_cast %get3A_451 : i32 to index
      %get3A_454 = arith.index_cast %get3A_452 : i32 to index
      %get3A_455 = arith.index_cast %mul3A_172 : i32 to index
      %get3A_456 = tpu.vector_load %arg11[%get3A_453, %get3A_454, %get3A_455] {strides = array<i32>} : memref<8x4x896xf32, #tpu.memory_space<vmem>>, vector<1x1x16xf32>,
      %get3A_457 = vector.shape_cast %get3A_456 : vector<1x1x16xf32> to vector<16xf32>
      %get3A_458 = arith.constant 3 : i32
      %get3A_459 = arith.constant 1 : i32
      %get3A_460 = arith.index_cast %get3A_458 : i32 to index
      %get3A_461 = arith.index_cast %get3A_459 : i32 to index
      %get3A_462 = arith.index_cast %mul3A_172 : i32 to index
      %get3A_463 = tpu.vector_load %arg9[%get3A_460, %get3A_461, %get3A_462] {strides = array<i32>} : memref<8x4x896xf32, #tpu.memory_space<vmem>>, vector<1x1x16xf32>,
      %get3A_464 = vector.shape_cast %get3A_463 : vector<1x1x16xf32> to vector<16xf32>
      %sub3A_465 = arith.subf %get3A_457, %get3A_464 : vector<16xf32>
      %mul3A_466 = arith.mulf %sub3A_465, %sub3A_465 : vector<16xf32>
      %add3A_467 = arith.addf %mul3A_450, %mul3A_466 : vector<16xf32>
      %get3A_468 = arith.constant 3 : i32
      %get3A_469 = arith.constant 2 : i32
      %get3A_470 = arith.index_cast %get3A_468 : i32 to index
      %get3A_471 = arith.index_cast %get3A_469 : i32 to index
      %get3A_472 = arith.index_cast %mul3A_172 : i32 to index
      %get3A_473 = tpu.vector_load %arg11[%get3A_470, %get3A_471, %get3A_472] {strides = array<i32>} : memref<8x4x896xf32, #tpu.memory_space<vmem>>, vector<1x1x16xf32>,
      %get3A_474 = vector.shape_cast %get3A_473 : vector<1x1x16xf32> to vector<16xf32>
      %get3A_475 = arith.constant 3 : i32
      %get3A_476 = arith.constant 2 : i32
      %get3A_477 = arith.index_cast %get3A_475 : i32 to index
      %get3A_478 = arith.index_cast %get3A_476 : i32 to index
      %get3A_479 = arith.index_cast %mul3A_172 : i32 to index
      %get3A_480 = tpu.vector_load %arg9[%get3A_477, %get3A_478, %get3A_479] {strides = array<i32>} : memref<8x4x896xf32, #tpu.memory_space<vmem>>, vector<1x1x16xf32>,
      %get3A_481 = vector.shape_cast %get3A_480 : vector<1x1x16xf32> to vector<16xf32>
      %sub3A_482 = arith.subf %get3A_474, %get3A_481 : vector<16xf32>
      %mul3A_483 = arith.mulf %sub3A_482, %sub3A_482 : vector<16xf32>
      %add3A_484 = arith.addf %add3A_467, %mul3A_483 : vector<16xf32>
      %get3A_485 = arith.constant 3 : i32
      %get3A_486 = arith.constant 3 : i32
      %get3A_487 = arith.index_cast %get3A_485 : i32 to index
      %get3A_488 = arith.index_cast %get3A_486 : i32 to index
      %get3A_489 = arith.index_cast %mul3A_172 : i32 to index
      %get3A_490 = tpu.vector_load %arg11[%get3A_487, %get3A_488, %get3A_489] {strides = array<i32>} : memref<8x4x896xf32, #tpu.memory_space<vmem>>, vector<1x1x16xf32>,
      %get3A_491 = vector.shape_cast %get3A_490 : vector<1x1x16xf32> to vector<16xf32>
      %get3A_492 = arith.constant 3 : i32
      %get3A_493 = arith.constant 3 : i32
      %get3A_494 = arith.index_cast %get3A_492 : i32 to index
      %get3A_495 = arith.index_cast %get3A_493 : i32 to index
      %get3A_496 = arith.index_cast %mul3A_172 : i32 to index
      %get3A_497 = tpu.vector_load %arg9[%get3A_494, %get3A_495, %get3A_496] {strides = array<i32>} : memref<8x4x896xf32, #tpu.memory_space<vmem>>, vector<1x1x16xf32>,
      %get3A_498 = vector.shape_cast %get3A_497 : vector<1x1x16xf32> to vector<16xf32>
      %sub3A_499 = arith.subf %get3A_491, %get3A_498 : vector<16xf32>
      %mul3A_500 = arith.mulf %sub3A_499, %sub3A_499 : vector<16xf32>
      %add3A_501 = arith.addf %add3A_484, %mul3A_500 : vector<16xf32>
      %mul3A_502 = arith.mulf %add3A_501, %select_n3A_433 : vector<16xf32>
      %add3A_503 = arith.addf %add3A_420, %mul3A_502 : vector<16xf32>
      %get3A_504 = arith.constant 4 : i32
      %get3A_505 = arith.index_cast %get3A_504 : i32 to index
      %get3A_506 = arith.index_cast %mul3A_172 : i32 to index
      %get3A_507 = tpu.vector_load %arg7[%get3A_505, %get3A_506] {strides = array<i32>} : memref<8x896xi32, #tpu.memory_space<vmem>>, vector<1x16xi32>,
      %get3A_508 = vector.shape_cast %get3A_507 : vector<1x16xi32> to vector<16xi32>
      %ne3A_509 = arith.constant 0 : i32
      %ne3A_510 = vector.broadcast %ne3A_509 : i32 to vector<16xi32>
      %ne3A_511 = arith.cmpi ne, %get3A_508, %ne3A_510 : vector<16xi32>
      %jit3A_512 = arith.constant 1.000000e+00 : f32
      %jit3A_513 = arith.constant 0.000000e+00 : f32
      %broadcast_in_dim3A_514 = vector.broadcast %jit3A_512 : f32 to vector<16xf32>
      %broadcast_in_dim3A_515 = vector.broadcast %jit3A_513 : f32 to vector<16xf32>
      %select_n3A_516 = arith.select %ne3A_511, %broadcast_in_dim3A_514, %broadcast_in_dim3A_515 : vector<16xi1>, vector<16xf32>
      %add3A_517 = arith.addf %add3A_434, %select_n3A_516 : vector<16xf32>
      %get3A_518 = arith.constant 4 : i32
      %get3A_519 = arith.constant 0 : i32
      %get3A_520 = arith.index_cast %get3A_518 : i32 to index
      %get3A_521 = arith.index_cast %get3A_519 : i32 to index
      %get3A_522 = arith.index_cast %mul3A_172 : i32 to index
      %get3A_523 = tpu.vector_load %arg11[%get3A_520, %get3A_521, %get3A_522] {strides = array<i32>} : memref<8x4x896xf32, #tpu.memory_space<vmem>>, vector<1x1x16xf32>,
      %get3A_524 = vector.shape_cast %get3A_523 : vector<1x1x16xf32> to vector<16xf32>
      %get3A_525 = arith.constant 4 : i32
      %get3A_526 = arith.constant 0 : i32
      %get3A_527 = arith.index_cast %get3A_525 : i32 to index
      %get3A_528 = arith.index_cast %get3A_526 : i32 to index
      %get3A_529 = arith.index_cast %mul3A_172 : i32 to index
      %get3A_530 = tpu.vector_load %arg9[%get3A_527, %get3A_528, %get3A_529] {strides = array<i32>} : memref<8x4x896xf32, #tpu.memory_space<vmem>>, vector<1x1x16xf32>,
      %get3A_531 = vector.shape_cast %get3A_530 : vector<1x1x16xf32> to vector<16xf32>
      %sub3A_532 = arith.subf %get3A_524, %get3A_531 : vector<16xf32>
      %mul3A_533 = arith.mulf %sub3A_532, %sub3A_532 : vector<16xf32>
      %get3A_534 = arith.constant 4 : i32
      %get3A_535 = arith.constant 1 : i32
      %get3A_536 = arith.index_cast %get3A_534 : i32 to index
      %get3A_537 = arith.index_cast %get3A_535 : i32 to index
      %get3A_538 = arith.index_cast %mul3A_172 : i32 to index
      %get3A_539 = tpu.vector_load %arg11[%get3A_536, %get3A_537, %get3A_538] {strides = array<i32>} : memref<8x4x896xf32, #tpu.memory_space<vmem>>, vector<1x1x16xf32>,
      %get3A_540 = vector.shape_cast %get3A_539 : vector<1x1x16xf32> to vector<16xf32>
      %get3A_541 = arith.constant 4 : i32
      %get3A_542 = arith.constant 1 : i32
      %get3A_543 = arith.index_cast %get3A_541 : i32 to index
      %get3A_544 = arith.index_cast %get3A_542 : i32 to index
      %get3A_545 = arith.index_cast %mul3A_172 : i32 to index
      %get3A_546 = tpu.vector_load %arg9[%get3A_543, %get3A_544, %get3A_545] {strides = array<i32>} : memref<8x4x896xf32, #tpu.memory_space<vmem>>, vector<1x1x16xf32>,
      %get3A_547 = vector.shape_cast %get3A_546 : vector<1x1x16xf32> to vector<16xf32>
      %sub3A_548 = arith.subf %get3A_540, %get3A_547 : vector<16xf32>
      %mul3A_549 = arith.mulf %sub3A_548, %sub3A_548 : vector<16xf32>
      %add3A_550 = arith.addf %mul3A_533, %mul3A_549 : vector<16xf32>
      %get3A_551 = arith.constant 4 : i32
      %get3A_552 = arith.constant 2 : i32
      %get3A_553 = arith.index_cast %get3A_551 : i32 to index
      %get3A_554 = arith.index_cast %get3A_552 : i32 to index
      %get3A_555 = arith.index_cast %mul3A_172 : i32 to index
      %get3A_556 = tpu.vector_load %arg11[%get3A_553, %get3A_554, %get3A_555] {strides = array<i32>} : memref<8x4x896xf32, #tpu.memory_space<vmem>>, vector<1x1x16xf32>,
      %get3A_557 = vector.shape_cast %get3A_556 : vector<1x1x16xf32> to vector<16xf32>
      %get3A_558 = arith.constant 4 : i32
      %get3A_559 = arith.constant 2 : i32
      %get3A_560 = arith.index_cast %get3A_558 : i32 to index
      %get3A_561 = arith.index_cast %get3A_559 : i32 to index
      %get3A_562 = arith.index_cast %mul3A_172 : i32 to index
      %get3A_563 = tpu.vector_load %arg9[%get3A_560, %get3A_561, %get3A_562] {strides = array<i32>} : memref<8x4x896xf32, #tpu.memory_space<vmem>>, vector<1x1x16xf32>,
      %get3A_564 = vector.shape_cast %get3A_563 : vector<1x1x16xf32> to vector<16xf32>
      %sub3A_565 = arith.subf %get3A_557, %get3A_564 : vector<16xf32>
      %mul3A_566 = arith.mulf %sub3A_565, %sub3A_565 : vector<16xf32>
      %add3A_567 = arith.addf %add3A_550, %mul3A_566 : vector<16xf32>
      %get3A_568 = arith.constant 4 : i32
      %get3A_569 = arith.constant 3 : i32
      %get3A_570 = arith.index_cast %get3A_568 : i32 to index
      %get3A_571 = arith.index_cast %get3A_569 : i32 to index
      %get3A_572 = arith.index_cast %mul3A_172 : i32 to index
      %get3A_573 = tpu.vector_load %arg11[%get3A_570, %get3A_571, %get3A_572] {strides = array<i32>} : memref<8x4x896xf32, #tpu.memory_space<vmem>>, vector<1x1x16xf32>,
      %get3A_574 = vector.shape_cast %get3A_573 : vector<1x1x16xf32> to vector<16xf32>
      %get3A_575 = arith.constant 4 : i32
      %get3A_576 = arith.constant 3 : i32
      %get3A_577 = arith.index_cast %get3A_575 : i32 to index
      %get3A_578 = arith.index_cast %get3A_576 : i32 to index
      %get3A_579 = arith.index_cast %mul3A_172 : i32 to index
      %get3A_580 = tpu.vector_load %arg9[%get3A_577, %get3A_578, %get3A_579] {strides = array<i32>} : memref<8x4x896xf32, #tpu.memory_space<vmem>>, vector<1x1x16xf32>,
      %get3A_581 = vector.shape_cast %get3A_580 : vector<1x1x16xf32> to vector<16xf32>
      %sub3A_582 = arith.subf %get3A_574, %get3A_581 : vector<16xf32>
      %mul3A_583 = arith.mulf %sub3A_582, %sub3A_582 : vector<16xf32>
      %add3A_584 = arith.addf %add3A_567, %mul3A_583 : vector<16xf32>
      %mul3A_585 = arith.mulf %add3A_584, %select_n3A_516 : vector<16xf32>
      %add3A_586 = arith.addf %add3A_503, %mul3A_585 : vector<16xf32>
      %get3A_587 = arith.constant 5 : i32
      %get3A_588 = arith.index_cast %get3A_587 : i32 to index
      %get3A_589 = arith.index_cast %mul3A_172 : i32 to index
      %get3A_590 = tpu.vector_load %arg7[%get3A_588, %get3A_589] {strides = array<i32>} : memref<8x896xi32, #tpu.memory_space<vmem>>, vector<1x16xi32>,
      %get3A_591 = vector.shape_cast %get3A_590 : vector<1x16xi32> to vector<16xi32>
      %ne3A_592 = arith.constant 0 : i32
      %ne3A_593 = vector.broadcast %ne3A_592 : i32 to vector<16xi32>
      %ne3A_594 = arith.cmpi ne, %get3A_591, %ne3A_593 : vector<16xi32>
      %jit3A_595 = arith.constant 1.000000e+00 : f32
      %jit3A_596 = arith.constant 0.000000e+00 : f32
      %broadcast_in_dim3A_597 = vector.broadcast %jit3A_595 : f32 to vector<16xf32>
      %broadcast_in_dim3A_598 = vector.broadcast %jit3A_596 : f32 to vector<16xf32>
      %select_n3A_599 = arith.select %ne3A_594, %broadcast_in_dim3A_597, %broadcast_in_dim3A_598 : vector<16xi1>, vector<16xf32>
      %add3A_600 = arith.addf %add3A_517, %select_n3A_599 : vector<16xf32>
      %get3A_601 = arith.constant 5 : i32
      %get3A_602 = arith.constant 0 : i32
      %get3A_603 = arith.index_cast %get3A_601 : i32 to index
      %get3A_604 = arith.index_cast %get3A_602 : i32 to index
      %get3A_605 = arith.index_cast %mul3A_172 : i32 to index
      %get3A_606 = tpu.vector_load %arg11[%get3A_603, %get3A_604, %get3A_605] {strides = array<i32>} : memref<8x4x896xf32, #tpu.memory_space<vmem>>, vector<1x1x16xf32>,
      %get3A_607 = vector.shape_cast %get3A_606 : vector<1x1x16xf32> to vector<16xf32>
      %get3A_608 = arith.constant 5 : i32
      %get3A_609 = arith.constant 0 : i32
      %get3A_610 = arith.index_cast %get3A_608 : i32 to index
      %get3A_611 = arith.index_cast %get3A_609 : i32 to index
      %get3A_612 = arith.index_cast %mul3A_172 : i32 to index
      %get3A_613 = tpu.vector_load %arg9[%get3A_610, %get3A_611, %get3A_612] {strides = array<i32>} : memref<8x4x896xf32, #tpu.memory_space<vmem>>, vector<1x1x16xf32>,
      %get3A_614 = vector.shape_cast %get3A_613 : vector<1x1x16xf32> to vector<16xf32>
      %sub3A_615 = arith.subf %get3A_607, %get3A_614 : vector<16xf32>
      %mul3A_616 = arith.mulf %sub3A_615, %sub3A_615 : vector<16xf32>
      %get3A_617 = arith.constant 5 : i32
      %get3A_618 = arith.constant 1 : i32
      %get3A_619 = arith.index_cast %get3A_617 : i32 to index
      %get3A_620 = arith.index_cast %get3A_618 : i32 to index
      %get3A_621 = arith.index_cast %mul3A_172 : i32 to index
      %get3A_622 = tpu.vector_load %arg11[%get3A_619, %get3A_620, %get3A_621] {strides = array<i32>} : memref<8x4x896xf32, #tpu.memory_space<vmem>>, vector<1x1x16xf32>,
      %get3A_623 = vector.shape_cast %get3A_622 : vector<1x1x16xf32> to vector<16xf32>
      %get3A_624 = arith.constant 5 : i32
      %get3A_625 = arith.constant 1 : i32
      %get3A_626 = arith.index_cast %get3A_624 : i32 to index
      %get3A_627 = arith.index_cast %get3A_625 : i32 to index
      %get3A_628 = arith.index_cast %mul3A_172 : i32 to index
      %get3A_629 = tpu.vector_load %arg9[%get3A_626, %get3A_627, %get3A_628] {strides = array<i32>} : memref<8x4x896xf32, #tpu.memory_space<vmem>>, vector<1x1x16xf32>,
      %get3A_630 = vector.shape_cast %get3A_629 : vector<1x1x16xf32> to vector<16xf32>
      %sub3A_631 = arith.subf %get3A_623, %get3A_630 : vector<16xf32>
      %mul3A_632 = arith.mulf %sub3A_631, %sub3A_631 : vector<16xf32>
      %add3A_633 = arith.addf %mul3A_616, %mul3A_632 : vector<16xf32>
      %get3A_634 = arith.constant 5 : i32
      %get3A_635 = arith.constant 2 : i32
      %get3A_636 = arith.index_cast %get3A_634 : i32 to index
      %get3A_637 = arith.index_cast %get3A_635 : i32 to index
      %get3A_638 = arith.index_cast %mul3A_172 : i32 to index
      %get3A_639 = tpu.vector_load %arg11[%get3A_636, %get3A_637, %get3A_638] {strides = array<i32>} : memref<8x4x896xf32, #tpu.memory_space<vmem>>, vector<1x1x16xf32>,
      %get3A_640 = vector.shape_cast %get3A_639 : vector<1x1x16xf32> to vector<16xf32>
      %get3A_641 = arith.constant 5 : i32
      %get3A_642 = arith.constant 2 : i32
      %get3A_643 = arith.index_cast %get3A_641 : i32 to index
      %get3A_644 = arith.index_cast %get3A_642 : i32 to index
      %get3A_645 = arith.index_cast %mul3A_172 : i32 to index
      %get3A_646 = tpu.vector_load %arg9[%get3A_643, %get3A_644, %get3A_645] {strides = array<i32>} : memref<8x4x896xf32, #tpu.memory_space<vmem>>, vector<1x1x16xf32>,
      %get3A_647 = vector.shape_cast %get3A_646 : vector<1x1x16xf32> to vector<16xf32>
      %sub3A_648 = arith.subf %get3A_640, %get3A_647 : vector<16xf32>
      %mul3A_649 = arith.mulf %sub3A_648, %sub3A_648 : vector<16xf32>
      %add3A_650 = arith.addf %add3A_633, %mul3A_649 : vector<16xf32>
      %get3A_651 = arith.constant 5 : i32
      %get3A_652 = arith.constant 3 : i32
      %get3A_653 = arith.index_cast %get3A_651 : i32 to index
      %get3A_654 = arith.index_cast %get3A_652 : i32 to index
      %get3A_655 = arith.index_cast %mul3A_172 : i32 to index
      %get3A_656 = tpu.vector_load %arg11[%get3A_653, %get3A_654, %get3A_655] {strides = array<i32>} : memref<8x4x896xf32, #tpu.memory_space<vmem>>, vector<1x1x16xf32>,
      %get3A_657 = vector.shape_cast %get3A_656 : vector<1x1x16xf32> to vector<16xf32>
      %get3A_658 = arith.constant 5 : i32
      %get3A_659 = arith.constant 3 : i32
      %get3A_660 = arith.index_cast %get3A_658 : i32 to index
      %get3A_661 = arith.index_cast %get3A_659 : i32 to index
      %get3A_662 = arith.index_cast %mul3A_172 : i32 to index
      %get3A_663 = tpu.vector_load %arg9[%get3A_660, %get3A_661, %get3A_662] {strides = array<i32>} : memref<8x4x896xf32, #tpu.memory_space<vmem>>, vector<1x1x16xf32>,
      %get3A_664 = vector.shape_cast %get3A_663 : vector<1x1x16xf32> to vector<16xf32>
      %sub3A_665 = arith.subf %get3A_657, %get3A_664 : vector<16xf32>
      %mul3A_666 = arith.mulf %sub3A_665, %sub3A_665 : vector<16xf32>
      %add3A_667 = arith.addf %add3A_650, %mul3A_666 : vector<16xf32>
      %mul3A_668 = arith.mulf %add3A_667, %select_n3A_599 : vector<16xf32>
      %add3A_669 = arith.addf %add3A_586, %mul3A_668 : vector<16xf32>
      %get3A_670 = arith.constant 6 : i32
      %get3A_671 = arith.index_cast %get3A_670 : i32 to index
      %get3A_672 = arith.index_cast %mul3A_172 : i32 to index
      %get3A_673 = tpu.vector_load %arg7[%get3A_671, %get3A_672] {strides = array<i32>} : memref<8x896xi32, #tpu.memory_space<vmem>>, vector<1x16xi32>,
      %get3A_674 = vector.shape_cast %get3A_673 : vector<1x16xi32> to vector<16xi32>
      %ne3A_675 = arith.constant 0 : i32
      %ne3A_676 = vector.broadcast %ne3A_675 : i32 to vector<16xi32>
      %ne3A_677 = arith.cmpi ne, %get3A_674, %ne3A_676 : vector<16xi32>
      %jit3A_678 = arith.constant 1.000000e+00 : f32
      %jit3A_679 = arith.constant 0.000000e+00 : f32
      %broadcast_in_dim3A_680 = vector.broadcast %jit3A_678 : f32 to vector<16xf32>
      %broadcast_in_dim3A_681 = vector.broadcast %jit3A_679 : f32 to vector<16xf32>
      %select_n3A_682 = arith.select %ne3A_677, %broadcast_in_dim3A_680, %broadcast_in_dim3A_681 : vector<16xi1>, vector<16xf32>
      %add3A_683 = arith.addf %add3A_600, %select_n3A_682 : vector<16xf32>
      %get3A_684 = arith.constant 6 : i32
      %get3A_685 = arith.constant 0 : i32
      %get3A_686 = arith.index_cast %get3A_684 : i32 to index
      %get3A_687 = arith.index_cast %get3A_685 : i32 to index
      %get3A_688 = arith.index_cast %mul3A_172 : i32 to index
      %get3A_689 = tpu.vector_load %arg11[%get3A_686, %get3A_687, %get3A_688] {strides = array<i32>} : memref<8x4x896xf32, #tpu.memory_space<vmem>>, vector<1x1x16xf32>,
      %get3A_690 = vector.shape_cast %get3A_689 : vector<1x1x16xf32> to vector<16xf32>
      %get3A_691 = arith.constant 6 : i32
      %get3A_692 = arith.constant 0 : i32
      %get3A_693 = arith.index_cast %get3A_691 : i32 to index
      %get3A_694 = arith.index_cast %get3A_692 : i32 to index
      %get3A_695 = arith.index_cast %mul3A_172 : i32 to index
      %get3A_696 = tpu.vector_load %arg9[%get3A_693, %get3A_694, %get3A_695] {strides = array<i32>} : memref<8x4x896xf32, #tpu.memory_space<vmem>>, vector<1x1x16xf32>,
      %get3A_697 = vector.shape_cast %get3A_696 : vector<1x1x16xf32> to vector<16xf32>
      %sub3A_698 = arith.subf %get3A_690, %get3A_697 : vector<16xf32>
      %mul3A_699 = arith.mulf %sub3A_698, %sub3A_698 : vector<16xf32>
      %get3A_700 = arith.constant 6 : i32
      %get3A_701 = arith.constant 1 : i32
      %get3A_702 = arith.index_cast %get3A_700 : i32 to index
      %get3A_703 = arith.index_cast %get3A_701 : i32 to index
      %get3A_704 = arith.index_cast %mul3A_172 : i32 to index
      %get3A_705 = tpu.vector_load %arg11[%get3A_702, %get3A_703, %get3A_704] {strides = array<i32>} : memref<8x4x896xf32, #tpu.memory_space<vmem>>, vector<1x1x16xf32>,
      %get3A_706 = vector.shape_cast %get3A_705 : vector<1x1x16xf32> to vector<16xf32>
      %get3A_707 = arith.constant 6 : i32
      %get3A_708 = arith.constant 1 : i32
      %get3A_709 = arith.index_cast %get3A_707 : i32 to index
      %get3A_710 = arith.index_cast %get3A_708 : i32 to index
      %get3A_711 = arith.index_cast %mul3A_172 : i32 to index
      %get3A_712 = tpu.vector_load %arg9[%get3A_709, %get3A_710, %get3A_711] {strides = array<i32>} : memref<8x4x896xf32, #tpu.memory_space<vmem>>, vector<1x1x16xf32>,
      %get3A_713 = vector.shape_cast %get3A_712 : vector<1x1x16xf32> to vector<16xf32>
      %sub3A_714 = arith.subf %get3A_706, %get3A_713 : vector<16xf32>
      %mul3A_715 = arith.mulf %sub3A_714, %sub3A_714 : vector<16xf32>
      %add3A_716 = arith.addf %mul3A_699, %mul3A_715 : vector<16xf32>
      %get3A_717 = arith.constant 6 : i32
      %get3A_718 = arith.constant 2 : i32
      %get3A_719 = arith.index_cast %get3A_717 : i32 to index
      %get3A_720 = arith.index_cast %get3A_718 : i32 to index
      %get3A_721 = arith.index_cast %mul3A_172 : i32 to index
      %get3A_722 = tpu.vector_load %arg11[%get3A_719, %get3A_720, %get3A_721] {strides = array<i32>} : memref<8x4x896xf32, #tpu.memory_space<vmem>>, vector<1x1x16xf32>,
      %get3A_723 = vector.shape_cast %get3A_722 : vector<1x1x16xf32> to vector<16xf32>
      %get3A_724 = arith.constant 6 : i32
      %get3A_725 = arith.constant 2 : i32
      %get3A_726 = arith.index_cast %get3A_724 : i32 to index
      %get3A_727 = arith.index_cast %get3A_725 : i32 to index
      %get3A_728 = arith.index_cast %mul3A_172 : i32 to index
      %get3A_729 = tpu.vector_load %arg9[%get3A_726, %get3A_727, %get3A_728] {strides = array<i32>} : memref<8x4x896xf32, #tpu.memory_space<vmem>>, vector<1x1x16xf32>,
      %get3A_730 = vector.shape_cast %get3A_729 : vector<1x1x16xf32> to vector<16xf32>
      %sub3A_731 = arith.subf %get3A_723, %get3A_730 : vector<16xf32>
      %mul3A_732 = arith.mulf %sub3A_731, %sub3A_731 : vector<16xf32>
      %add3A_733 = arith.addf %add3A_716, %mul3A_732 : vector<16xf32>
      %get3A_734 = arith.constant 6 : i32
      %get3A_735 = arith.constant 3 : i32
      %get3A_736 = arith.index_cast %get3A_734 : i32 to index
      %get3A_737 = arith.index_cast %get3A_735 : i32 to index
      %get3A_738 = arith.index_cast %mul3A_172 : i32 to index
      %get3A_739 = tpu.vector_load %arg11[%get3A_736, %get3A_737, %get3A_738] {strides = array<i32>} : memref<8x4x896xf32, #tpu.memory_space<vmem>>, vector<1x1x16xf32>,
      %get3A_740 = vector.shape_cast %get3A_739 : vector<1x1x16xf32> to vector<16xf32>
      %get3A_741 = arith.constant 6 : i32
      %get3A_742 = arith.constant 3 : i32
      %get3A_743 = arith.index_cast %get3A_741 : i32 to index
      %get3A_744 = arith.index_cast %get3A_742 : i32 to index
      %get3A_745 = arith.index_cast %mul3A_172 : i32 to index
      %get3A_746 = tpu.vector_load %arg9[%get3A_743, %get3A_744, %get3A_745] {strides = array<i32>} : memref<8x4x896xf32, #tpu.memory_space<vmem>>, vector<1x1x16xf32>,
      %get3A_747 = vector.shape_cast %get3A_746 : vector<1x1x16xf32> to vector<16xf32>
      %sub3A_748 = arith.subf %get3A_740, %get3A_747 : vector<16xf32>
      %mul3A_749 = arith.mulf %sub3A_748, %sub3A_748 : vector<16xf32>
      %add3A_750 = arith.addf %add3A_733, %mul3A_749 : vector<16xf32>
      %mul3A_751 = arith.mulf %add3A_750, %select_n3A_682 : vector<16xf32>
      %add3A_752 = arith.addf %add3A_669, %mul3A_751 : vector<16xf32>
      %get3A_753 = arith.constant 7 : i32
      %get3A_754 = arith.index_cast %get3A_753 : i32 to index
      %get3A_755 = arith.index_cast %mul3A_172 : i32 to index
      %get3A_756 = tpu.vector_load %arg7[%get3A_754, %get3A_755] {strides = array<i32>} : memref<8x896xi32, #tpu.memory_space<vmem>>, vector<1x16xi32>,
      %get3A_757 = vector.shape_cast %get3A_756 : vector<1x16xi32> to vector<16xi32>
      %ne3A_758 = arith.constant 0 : i32
      %ne3A_759 = vector.broadcast %ne3A_758 : i32 to vector<16xi32>
      %ne3A_760 = arith.cmpi ne, %get3A_757, %ne3A_759 : vector<16xi32>
      %jit3A_761 = arith.constant 1.000000e+00 : f32
      %jit3A_762 = arith.constant 0.000000e+00 : f32
      %broadcast_in_dim3A_763 = vector.broadcast %jit3A_761 : f32 to vector<16xf32>
      %broadcast_in_dim3A_764 = vector.broadcast %jit3A_762 : f32 to vector<16xf32>
      %select_n3A_765 = arith.select %ne3A_760, %broadcast_in_dim3A_763, %broadcast_in_dim3A_764 : vector<16xi1>, vector<16xf32>
      %add3A_766 = arith.addf %add3A_683, %select_n3A_765 : vector<16xf32>
      %get3A_767 = arith.constant 7 : i32
      %get3A_768 = arith.constant 0 : i32
      %get3A_769 = arith.index_cast %get3A_767 : i32 to index
      %get3A_770 = arith.index_cast %get3A_768 : i32 to index
      %get3A_771 = arith.index_cast %mul3A_172 : i32 to index
      %get3A_772 = tpu.vector_load %arg11[%get3A_769, %get3A_770, %get3A_771] {strides = array<i32>} : memref<8x4x896xf32, #tpu.memory_space<vmem>>, vector<1x1x16xf32>,
      %get3A_773 = vector.shape_cast %get3A_772 : vector<1x1x16xf32> to vector<16xf32>
      %get3A_774 = arith.constant 7 : i32
      %get3A_775 = arith.constant 0 : i32
      %get3A_776 = arith.index_cast %get3A_774 : i32 to index
      %get3A_777 = arith.index_cast %get3A_775 : i32 to index
      %get3A_778 = arith.index_cast %mul3A_172 : i32 to index
      %get3A_779 = tpu.vector_load %arg9[%get3A_776, %get3A_777, %get3A_778] {strides = array<i32>} : memref<8x4x896xf32, #tpu.memory_space<vmem>>, vector<1x1x16xf32>,
      %get3A_780 = vector.shape_cast %get3A_779 : vector<1x1x16xf32> to vector<16xf32>
      %sub3A_781 = arith.subf %get3A_773, %get3A_780 : vector<16xf32>
      %mul3A_782 = arith.mulf %sub3A_781, %sub3A_781 : vector<16xf32>
      %get3A_783 = arith.constant 7 : i32
      %get3A_784 = arith.constant 1 : i32
      %get3A_785 = arith.index_cast %get3A_783 : i32 to index
      %get3A_786 = arith.index_cast %get3A_784 : i32 to index
      %get3A_787 = arith.index_cast %mul3A_172 : i32 to index
      %get3A_788 = tpu.vector_load %arg11[%get3A_785, %get3A_786, %get3A_787] {strides = array<i32>} : memref<8x4x896xf32, #tpu.memory_space<vmem>>, vector<1x1x16xf32>,
      %get3A_789 = vector.shape_cast %get3A_788 : vector<1x1x16xf32> to vector<16xf32>
      %get3A_790 = arith.constant 7 : i32
      %get3A_791 = arith.constant 1 : i32
      %get3A_792 = arith.index_cast %get3A_790 : i32 to index
      %get3A_793 = arith.index_cast %get3A_791 : i32 to index
      %get3A_794 = arith.index_cast %mul3A_172 : i32 to index
      %get3A_795 = tpu.vector_load %arg9[%get3A_792, %get3A_793, %get3A_794] {strides = array<i32>} : memref<8x4x896xf32, #tpu.memory_space<vmem>>, vector<1x1x16xf32>,
      %get3A_796 = vector.shape_cast %get3A_795 : vector<1x1x16xf32> to vector<16xf32>
      %sub3A_797 = arith.subf %get3A_789, %get3A_796 : vector<16xf32>
      %mul3A_798 = arith.mulf %sub3A_797, %sub3A_797 : vector<16xf32>
      %add3A_799 = arith.addf %mul3A_782, %mul3A_798 : vector<16xf32>
      %get3A_800 = arith.constant 7 : i32
      %get3A_801 = arith.constant 2 : i32
      %get3A_802 = arith.index_cast %get3A_800 : i32 to index
      %get3A_803 = arith.index_cast %get3A_801 : i32 to index
      %get3A_804 = arith.index_cast %mul3A_172 : i32 to index
      %get3A_805 = tpu.vector_load %arg11[%get3A_802, %get3A_803, %get3A_804] {strides = array<i32>} : memref<8x4x896xf32, #tpu.memory_space<vmem>>, vector<1x1x16xf32>,
      %get3A_806 = vector.shape_cast %get3A_805 : vector<1x1x16xf32> to vector<16xf32>
      %get3A_807 = arith.constant 7 : i32
      %get3A_808 = arith.constant 2 : i32
      %get3A_809 = arith.index_cast %get3A_807 : i32 to index
      %get3A_810 = arith.index_cast %get3A_808 : i32 to index
      %get3A_811 = arith.index_cast %mul3A_172 : i32 to index
      %get3A_812 = tpu.vector_load %arg9[%get3A_809, %get3A_810, %get3A_811] {strides = array<i32>} : memref<8x4x896xf32, #tpu.memory_space<vmem>>, vector<1x1x16xf32>,
      %get3A_813 = vector.shape_cast %get3A_812 : vector<1x1x16xf32> to vector<16xf32>
      %sub3A_814 = arith.subf %get3A_806, %get3A_813 : vector<16xf32>
      %mul3A_815 = arith.mulf %sub3A_814, %sub3A_814 : vector<16xf32>
      %add3A_816 = arith.addf %add3A_799, %mul3A_815 : vector<16xf32>
      %get3A_817 = arith.constant 7 : i32
      %get3A_818 = arith.constant 3 : i32
      %get3A_819 = arith.index_cast %get3A_817 : i32 to index
      %get3A_820 = arith.index_cast %get3A_818 : i32 to index
      %get3A_821 = arith.index_cast %mul3A_172 : i32 to index
      %get3A_822 = tpu.vector_load %arg11[%get3A_819, %get3A_820, %get3A_821] {strides = array<i32>} : memref<8x4x896xf32, #tpu.memory_space<vmem>>, vector<1x1x16xf32>,
      %get3A_823 = vector.shape_cast %get3A_822 : vector<1x1x16xf32> to vector<16xf32>
      %get3A_824 = arith.constant 7 : i32
      %get3A_825 = arith.constant 3 : i32
      %get3A_826 = arith.index_cast %get3A_824 : i32 to index
      %get3A_827 = arith.index_cast %get3A_825 : i32 to index
      %get3A_828 = arith.index_cast %mul3A_172 : i32 to index
      %get3A_829 = tpu.vector_load %arg9[%get3A_826, %get3A_827, %get3A_828] {strides = array<i32>} : memref<8x4x896xf32, #tpu.memory_space<vmem>>, vector<1x1x16xf32>,
      %get3A_830 = vector.shape_cast %get3A_829 : vector<1x1x16xf32> to vector<16xf32>
      %sub3A_831 = arith.subf %get3A_823, %get3A_830 : vector<16xf32>
      %mul3A_832 = arith.mulf %sub3A_831, %sub3A_831 : vector<16xf32>
      %add3A_833 = arith.addf %add3A_816, %mul3A_832 : vector<16xf32>
      %mul3A_834 = arith.mulf %add3A_833, %select_n3A_765 : vector<16xf32>
      %add3A_835 = arith.addf %add3A_752, %mul3A_834 : vector<16xf32>
      scf.yield %add3A_835, %add3A_766 : vector<16xf32>, vector<16xf32>
    }
    %scan3A_137 = arith.constant 56 : i32
    %scan3A_138 = arith.constant 1 : i32
    %add3A_139 = arith.constant 1792 : i32
    %add3A_140 = arith.addi %mul3A_34, %add3A_139 : i32
    %multiple_of3A_141 = tpu.assume_multiple %add3A_140, 128 : i32
    %dma_wait3A_142 = arith.constant 0 : i32
    %dma_wait3A_143 = tpu.memref_slice %arg2[%dma_wait3A_142, %multiple_of3A, %multiple_of3A_141] : memref<1x64x20000xi32, #tpu.memory_space<hbm>> -> memref<1x8x896xi32, #tpu.memory_space<hbm>>
    %dma_wait3A_144 = tpu.memref_squeeze %dma_wait3A_143 : memref<1x8x896xi32, #tpu.memory_space<hbm>> -> memref<8x896xi32, #tpu.memory_space<hbm>>
    %dma_wait3A_145 = tpu.memref_slice %arg2[%dma_wait3A_142, %multiple_of3A, %multiple_of3A_141] : memref<1x64x20000xi32, #tpu.memory_space<hbm>> -> memref<1x8x896xi32, #tpu.memory_space<hbm>>
    %dma_wait3A_146 = tpu.memref_squeeze %dma_wait3A_145 : memref<1x8x896xi32, #tpu.memory_space<hbm>> -> memref<8x896xi32, #tpu.memory_space<hbm>>
    tpu.wait_dma2 semaphore(%arg13 : memref<!tpu.dma_semaphore, #tpu.memory_space<semaphore_mem>>) src(%dma_wait3A_146 : memref<8x896xi32, #tpu.memory_space<hbm>>) dst(%arg6 : memref<8x896xi32, #tpu.memory_space<vmem>>)
    %dma_wait3A_147 = arith.constant 0 : i32
    %dma_wait3A_148 = tpu.memref_slice %arg3[%multiple_of3A, %dma_wait3A_147, %multiple_of3A_141] : memref<64x4x20000xf32, #tpu.memory_space<hbm>> -> memref<8x4x896xf32, #tpu.memory_space<hbm>>
    %dma_wait3A_149 = arith.constant 0 : i32
    %dma_wait3A_150 = tpu.memref_slice %arg3[%multiple_of3A, %dma_wait3A_149, %multiple_of3A_141] : memref<64x4x20000xf32, #tpu.memory_space<hbm>> -> memref<8x4x896xf32, #tpu.memory_space<hbm>>
    tpu.wait_dma2 semaphore(%arg15 : memref<!tpu.dma_semaphore, #tpu.memory_space<semaphore_mem>>) src(%dma_wait3A_150 : memref<8x4x896xf32, #tpu.memory_space<hbm>>) dst(%arg8 : memref<8x4x896xf32, #tpu.memory_space<vmem>>)
    %dma_wait3A_151 = arith.constant 0 : i32
    %dma_wait3A_152 = tpu.memref_slice %arg4[%multiple_of3A, %dma_wait3A_151, %multiple_of3A_141] : memref<64x4x20000xf32, #tpu.memory_space<hbm>> -> memref<8x4x896xf32, #tpu.memory_space<hbm>>
    %dma_wait3A_153 = arith.constant 0 : i32
    %dma_wait3A_154 = tpu.memref_slice %arg4[%multiple_of3A, %dma_wait3A_153, %multiple_of3A_141] : memref<64x4x20000xf32, #tpu.memory_space<hbm>> -> memref<8x4x896xf32, #tpu.memory_space<hbm>>
    tpu.wait_dma2 semaphore(%arg17 : memref<!tpu.dma_semaphore, #tpu.memory_space<semaphore_mem>>) src(%dma_wait3A_154 : memref<8x4x896xf32, #tpu.memory_space<hbm>>) dst(%arg10 : memref<8x4x896xf32, #tpu.memory_space<vmem>>)
    %scan3A_155 = arith.constant 0 : i32
    %scan3A_156 = arith.constant 56 : i32
    %scan3A_157 = arith.addi %scan3A_155, %scan3A_156 : i32
    %scan3A_158 = arith.constant 1 : i32
    %scan3A_159:2 = scf.for %scan3A_168 = %scan3A_155 to %scan3A_157 step %scan3A_158 iter_args(%scan3A_169 = %scan3A_136#0, %scan3A_170 = %scan3A_136#1) -> (vector<16xf32>, vector<16xf32>)  : i32 {
      %mul3A_171 = arith.constant 16 : i32
      %mul3A_172 = arith.muli %scan3A_168, %mul3A_171 : i32
      %get3A = arith.constant 0 : i32
      %get3A_173 = arith.index_cast %get3A : i32 to index
      %get3A_174 = arith.index_cast %mul3A_172 : i32 to index
      %get3A_175 = tpu.vector_load %arg6[%get3A_173, %get3A_174] {strides = array<i32>} : memref<8x896xi32, #tpu.memory_space<vmem>>, vector<1x16xi32>,
      %get3A_176 = vector.shape_cast %get3A_175 : vector<1x16xi32> to vector<16xi32>
      %ne3A_177 = arith.constant 0 : i32
      %ne3A_178 = vector.broadcast %ne3A_177 : i32 to vector<16xi32>
      %ne3A_179 = arith.cmpi ne, %get3A_176, %ne3A_178 : vector<16xi32>
      %jit3A_180 = arith.constant 1.000000e+00 : f32
      %jit3A_181 = arith.constant 0.000000e+00 : f32
      %broadcast_in_dim3A_182 = vector.broadcast %jit3A_180 : f32 to vector<16xf32>
      %broadcast_in_dim3A_183 = vector.broadcast %jit3A_181 : f32 to vector<16xf32>
      %select_n3A_184 = arith.select %ne3A_179, %broadcast_in_dim3A_182, %broadcast_in_dim3A_183 : vector<16xi1>, vector<16xf32>
      %add3A_185 = arith.addf %scan3A_170, %select_n3A_184 : vector<16xf32>
      %get3A_186 = arith.constant 0 : i32
      %get3A_187 = arith.constant 0 : i32
      %get3A_188 = arith.index_cast %get3A_186 : i32 to index
      %get3A_189 = arith.index_cast %get3A_187 : i32 to index
      %get3A_190 = arith.index_cast %mul3A_172 : i32 to index
      %get3A_191 = tpu.vector_load %arg10[%get3A_188, %get3A_189, %get3A_190] {strides = array<i32>} : memref<8x4x896xf32, #tpu.memory_space<vmem>>, vector<1x1x16xf32>,
      %get3A_192 = vector.shape_cast %get3A_191 : vector<1x1x16xf32> to vector<16xf32>
      %get3A_193 = arith.constant 0 : i32
      %get3A_194 = arith.constant 0 : i32
      %get3A_195 = arith.index_cast %get3A_193 : i32 to index
      %get3A_196 = arith.index_cast %get3A_194 : i32 to index
      %get3A_197 = arith.index_cast %mul3A_172 : i32 to index
      %get3A_198 = tpu.vector_load %arg8[%get3A_195, %get3A_196, %get3A_197] {strides = array<i32>} : memref<8x4x896xf32, #tpu.memory_space<vmem>>, vector<1x1x16xf32>,
      %get3A_199 = vector.shape_cast %get3A_198 : vector<1x1x16xf32> to vector<16xf32>
      %sub3A_200 = arith.subf %get3A_192, %get3A_199 : vector<16xf32>
      %mul3A_201 = arith.mulf %sub3A_200, %sub3A_200 : vector<16xf32>
      %get3A_202 = arith.constant 0 : i32
      %get3A_203 = arith.constant 1 : i32
      %get3A_204 = arith.index_cast %get3A_202 : i32 to index
      %get3A_205 = arith.index_cast %get3A_203 : i32 to index
      %get3A_206 = arith.index_cast %mul3A_172 : i32 to index
      %get3A_207 = tpu.vector_load %arg10[%get3A_204, %get3A_205, %get3A_206] {strides = array<i32>} : memref<8x4x896xf32, #tpu.memory_space<vmem>>, vector<1x1x16xf32>,
      %get3A_208 = vector.shape_cast %get3A_207 : vector<1x1x16xf32> to vector<16xf32>
      %get3A_209 = arith.constant 0 : i32
      %get3A_210 = arith.constant 1 : i32
      %get3A_211 = arith.index_cast %get3A_209 : i32 to index
      %get3A_212 = arith.index_cast %get3A_210 : i32 to index
      %get3A_213 = arith.index_cast %mul3A_172 : i32 to index
      %get3A_214 = tpu.vector_load %arg8[%get3A_211, %get3A_212, %get3A_213] {strides = array<i32>} : memref<8x4x896xf32, #tpu.memory_space<vmem>>, vector<1x1x16xf32>,
      %get3A_215 = vector.shape_cast %get3A_214 : vector<1x1x16xf32> to vector<16xf32>
      %sub3A_216 = arith.subf %get3A_208, %get3A_215 : vector<16xf32>
      %mul3A_217 = arith.mulf %sub3A_216, %sub3A_216 : vector<16xf32>
      %add3A_218 = arith.addf %mul3A_201, %mul3A_217 : vector<16xf32>
      %get3A_219 = arith.constant 0 : i32
      %get3A_220 = arith.constant 2 : i32
      %get3A_221 = arith.index_cast %get3A_219 : i32 to index
      %get3A_222 = arith.index_cast %get3A_220 : i32 to index
      %get3A_223 = arith.index_cast %mul3A_172 : i32 to index
      %get3A_224 = tpu.vector_load %arg10[%get3A_221, %get3A_222, %get3A_223] {strides = array<i32>} : memref<8x4x896xf32, #tpu.memory_space<vmem>>, vector<1x1x16xf32>,
      %get3A_225 = vector.shape_cast %get3A_224 : vector<1x1x16xf32> to vector<16xf32>
      %get3A_226 = arith.constant 0 : i32
      %get3A_227 = arith.constant 2 : i32
      %get3A_228 = arith.index_cast %get3A_226 : i32 to index
      %get3A_229 = arith.index_cast %get3A_227 : i32 to index
      %get3A_230 = arith.index_cast %mul3A_172 : i32 to index
      %get3A_231 = tpu.vector_load %arg8[%get3A_228, %get3A_229, %get3A_230] {strides = array<i32>} : memref<8x4x896xf32, #tpu.memory_space<vmem>>, vector<1x1x16xf32>,
      %get3A_232 = vector.shape_cast %get3A_231 : vector<1x1x16xf32> to vector<16xf32>
      %sub3A_233 = arith.subf %get3A_225, %get3A_232 : vector<16xf32>
      %mul3A_234 = arith.mulf %sub3A_233, %sub3A_233 : vector<16xf32>
      %add3A_235 = arith.addf %add3A_218, %mul3A_234 : vector<16xf32>
      %get3A_236 = arith.constant 0 : i32
      %get3A_237 = arith.constant 3 : i32
      %get3A_238 = arith.index_cast %get3A_236 : i32 to index
      %get3A_239 = arith.index_cast %get3A_237 : i32 to index
      %get3A_240 = arith.index_cast %mul3A_172 : i32 to index
      %get3A_241 = tpu.vector_load %arg10[%get3A_238, %get3A_239, %get3A_240] {strides = array<i32>} : memref<8x4x896xf32, #tpu.memory_space<vmem>>, vector<1x1x16xf32>,
      %get3A_242 = vector.shape_cast %get3A_241 : vector<1x1x16xf32> to vector<16xf32>
      %get3A_243 = arith.constant 0 : i32
      %get3A_244 = arith.constant 3 : i32
      %get3A_245 = arith.index_cast %get3A_243 : i32 to index
      %get3A_246 = arith.index_cast %get3A_244 : i32 to index
      %get3A_247 = arith.index_cast %mul3A_172 : i32 to index
      %get3A_248 = tpu.vector_load %arg8[%get3A_245, %get3A_246, %get3A_247] {strides = array<i32>} : memref<8x4x896xf32, #tpu.memory_space<vmem>>, vector<1x1x16xf32>,
      %get3A_249 = vector.shape_cast %get3A_248 : vector<1x1x16xf32> to vector<16xf32>
      %sub3A_250 = arith.subf %get3A_242, %get3A_249 : vector<16xf32>
      %mul3A_251 = arith.mulf %sub3A_250, %sub3A_250 : vector<16xf32>
      %add3A_252 = arith.addf %add3A_235, %mul3A_251 : vector<16xf32>
      %mul3A_253 = arith.mulf %add3A_252, %select_n3A_184 : vector<16xf32>
      %add3A_254 = arith.addf %scan3A_169, %mul3A_253 : vector<16xf32>
      %get3A_255 = arith.constant 1 : i32
      %get3A_256 = arith.index_cast %get3A_255 : i32 to index
      %get3A_257 = arith.index_cast %mul3A_172 : i32 to index
      %get3A_258 = tpu.vector_load %arg6[%get3A_256, %get3A_257] {strides = array<i32>} : memref<8x896xi32, #tpu.memory_space<vmem>>, vector<1x16xi32>,
      %get3A_259 = vector.shape_cast %get3A_258 : vector<1x16xi32> to vector<16xi32>
      %ne3A_260 = arith.constant 0 : i32
      %ne3A_261 = vector.broadcast %ne3A_260 : i32 to vector<16xi32>
      %ne3A_262 = arith.cmpi ne, %get3A_259, %ne3A_261 : vector<16xi32>
      %jit3A_263 = arith.constant 1.000000e+00 : f32
      %jit3A_264 = arith.constant 0.000000e+00 : f32
      %broadcast_in_dim3A_265 = vector.broadcast %jit3A_263 : f32 to vector<16xf32>
      %broadcast_in_dim3A_266 = vector.broadcast %jit3A_264 : f32 to vector<16xf32>
      %select_n3A_267 = arith.select %ne3A_262, %broadcast_in_dim3A_265, %broadcast_in_dim3A_266 : vector<16xi1>, vector<16xf32>
      %add3A_268 = arith.addf %add3A_185, %select_n3A_267 : vector<16xf32>
      %get3A_269 = arith.constant 1 : i32
      %get3A_270 = arith.constant 0 : i32
      %get3A_271 = arith.index_cast %get3A_269 : i32 to index
      %get3A_272 = arith.index_cast %get3A_270 : i32 to index
      %get3A_273 = arith.index_cast %mul3A_172 : i32 to index
      %get3A_274 = tpu.vector_load %arg10[%get3A_271, %get3A_272, %get3A_273] {strides = array<i32>} : memref<8x4x896xf32, #tpu.memory_space<vmem>>, vector<1x1x16xf32>,
      %get3A_275 = vector.shape_cast %get3A_274 : vector<1x1x16xf32> to vector<16xf32>
      %get3A_276 = arith.constant 1 : i32
      %get3A_277 = arith.constant 0 : i32
      %get3A_278 = arith.index_cast %get3A_276 : i32 to index
      %get3A_279 = arith.index_cast %get3A_277 : i32 to index
      %get3A_280 = arith.index_cast %mul3A_172 : i32 to index
      %get3A_281 = tpu.vector_load %arg8[%get3A_278, %get3A_279, %get3A_280] {strides = array<i32>} : memref<8x4x896xf32, #tpu.memory_space<vmem>>, vector<1x1x16xf32>,
      %get3A_282 = vector.shape_cast %get3A_281 : vector<1x1x16xf32> to vector<16xf32>
      %sub3A_283 = arith.subf %get3A_275, %get3A_282 : vector<16xf32>
      %mul3A_284 = arith.mulf %sub3A_283, %sub3A_283 : vector<16xf32>
      %get3A_285 = arith.constant 1 : i32
      %get3A_286 = arith.constant 1 : i32
      %get3A_287 = arith.index_cast %get3A_285 : i32 to index
      %get3A_288 = arith.index_cast %get3A_286 : i32 to index
      %get3A_289 = arith.index_cast %mul3A_172 : i32 to index
      %get3A_290 = tpu.vector_load %arg10[%get3A_287, %get3A_288, %get3A_289] {strides = array<i32>} : memref<8x4x896xf32, #tpu.memory_space<vmem>>, vector<1x1x16xf32>,
      %get3A_291 = vector.shape_cast %get3A_290 : vector<1x1x16xf32> to vector<16xf32>
      %get3A_292 = arith.constant 1 : i32
      %get3A_293 = arith.constant 1 : i32
      %get3A_294 = arith.index_cast %get3A_292 : i32 to index
      %get3A_295 = arith.index_cast %get3A_293 : i32 to index
      %get3A_296 = arith.index_cast %mul3A_172 : i32 to index
      %get3A_297 = tpu.vector_load %arg8[%get3A_294, %get3A_295, %get3A_296] {strides = array<i32>} : memref<8x4x896xf32, #tpu.memory_space<vmem>>, vector<1x1x16xf32>,
      %get3A_298 = vector.shape_cast %get3A_297 : vector<1x1x16xf32> to vector<16xf32>
      %sub3A_299 = arith.subf %get3A_291, %get3A_298 : vector<16xf32>
      %mul3A_300 = arith.mulf %sub3A_299, %sub3A_299 : vector<16xf32>
      %add3A_301 = arith.addf %mul3A_284, %mul3A_300 : vector<16xf32>
      %get3A_302 = arith.constant 1 : i32
      %get3A_303 = arith.constant 2 : i32
      %get3A_304 = arith.index_cast %get3A_302 : i32 to index
      %get3A_305 = arith.index_cast %get3A_303 : i32 to index
      %get3A_306 = arith.index_cast %mul3A_172 : i32 to index
      %get3A_307 = tpu.vector_load %arg10[%get3A_304, %get3A_305, %get3A_306] {strides = array<i32>} : memref<8x4x896xf32, #tpu.memory_space<vmem>>, vector<1x1x16xf32>,
      %get3A_308 = vector.shape_cast %get3A_307 : vector<1x1x16xf32> to vector<16xf32>
      %get3A_309 = arith.constant 1 : i32
      %get3A_310 = arith.constant 2 : i32
      %get3A_311 = arith.index_cast %get3A_309 : i32 to index
      %get3A_312 = arith.index_cast %get3A_310 : i32 to index
      %get3A_313 = arith.index_cast %mul3A_172 : i32 to index
      %get3A_314 = tpu.vector_load %arg8[%get3A_311, %get3A_312, %get3A_313] {strides = array<i32>} : memref<8x4x896xf32, #tpu.memory_space<vmem>>, vector<1x1x16xf32>,
      %get3A_315 = vector.shape_cast %get3A_314 : vector<1x1x16xf32> to vector<16xf32>
      %sub3A_316 = arith.subf %get3A_308, %get3A_315 : vector<16xf32>
      %mul3A_317 = arith.mulf %sub3A_316, %sub3A_316 : vector<16xf32>
      %add3A_318 = arith.addf %add3A_301, %mul3A_317 : vector<16xf32>
      %get3A_319 = arith.constant 1 : i32
      %get3A_320 = arith.constant 3 : i32
      %get3A_321 = arith.index_cast %get3A_319 : i32 to index
      %get3A_322 = arith.index_cast %get3A_320 : i32 to index
      %get3A_323 = arith.index_cast %mul3A_172 : i32 to index
      %get3A_324 = tpu.vector_load %arg10[%get3A_321, %get3A_322, %get3A_323] {strides = array<i32>} : memref<8x4x896xf32, #tpu.memory_space<vmem>>, vector<1x1x16xf32>,
      %get3A_325 = vector.shape_cast %get3A_324 : vector<1x1x16xf32> to vector<16xf32>
      %get3A_326 = arith.constant 1 : i32
      %get3A_327 = arith.constant 3 : i32
      %get3A_328 = arith.index_cast %get3A_326 : i32 to index
      %get3A_329 = arith.index_cast %get3A_327 : i32 to index
      %get3A_330 = arith.index_cast %mul3A_172 : i32 to index
      %get3A_331 = tpu.vector_load %arg8[%get3A_328, %get3A_329, %get3A_330] {strides = array<i32>} : memref<8x4x896xf32, #tpu.memory_space<vmem>>, vector<1x1x16xf32>,
      %get3A_332 = vector.shape_cast %get3A_331 : vector<1x1x16xf32> to vector<16xf32>
      %sub3A_333 = arith.subf %get3A_325, %get3A_332 : vector<16xf32>
      %mul3A_334 = arith.mulf %sub3A_333, %sub3A_333 : vector<16xf32>
      %add3A_335 = arith.addf %add3A_318, %mul3A_334 : vector<16xf32>
      %mul3A_336 = arith.mulf %add3A_335, %select_n3A_267 : vector<16xf32>
      %add3A_337 = arith.addf %add3A_254, %mul3A_336 : vector<16xf32>
      %get3A_338 = arith.constant 2 : i32
      %get3A_339 = arith.index_cast %get3A_338 : i32 to index
      %get3A_340 = arith.index_cast %mul3A_172 : i32 to index
      %get3A_341 = tpu.vector_load %arg6[%get3A_339, %get3A_340] {strides = array<i32>} : memref<8x896xi32, #tpu.memory_space<vmem>>, vector<1x16xi32>,
      %get3A_342 = vector.shape_cast %get3A_341 : vector<1x16xi32> to vector<16xi32>
      %ne3A_343 = arith.constant 0 : i32
      %ne3A_344 = vector.broadcast %ne3A_343 : i32 to vector<16xi32>
      %ne3A_345 = arith.cmpi ne, %get3A_342, %ne3A_344 : vector<16xi32>
      %jit3A_346 = arith.constant 1.000000e+00 : f32
      %jit3A_347 = arith.constant 0.000000e+00 : f32
      %broadcast_in_dim3A_348 = vector.broadcast %jit3A_346 : f32 to vector<16xf32>
      %broadcast_in_dim3A_349 = vector.broadcast %jit3A_347 : f32 to vector<16xf32>
      %select_n3A_350 = arith.select %ne3A_345, %broadcast_in_dim3A_348, %broadcast_in_dim3A_349 : vector<16xi1>, vector<16xf32>
      %add3A_351 = arith.addf %add3A_268, %select_n3A_350 : vector<16xf32>
      %get3A_352 = arith.constant 2 : i32
      %get3A_353 = arith.constant 0 : i32
      %get3A_354 = arith.index_cast %get3A_352 : i32 to index
      %get3A_355 = arith.index_cast %get3A_353 : i32 to index
      %get3A_356 = arith.index_cast %mul3A_172 : i32 to index
      %get3A_357 = tpu.vector_load %arg10[%get3A_354, %get3A_355, %get3A_356] {strides = array<i32>} : memref<8x4x896xf32, #tpu.memory_space<vmem>>, vector<1x1x16xf32>,
      %get3A_358 = vector.shape_cast %get3A_357 : vector<1x1x16xf32> to vector<16xf32>
      %get3A_359 = arith.constant 2 : i32
      %get3A_360 = arith.constant 0 : i32
      %get3A_361 = arith.index_cast %get3A_359 : i32 to index
      %get3A_362 = arith.index_cast %get3A_360 : i32 to index
      %get3A_363 = arith.index_cast %mul3A_172 : i32 to index
      %get3A_364 = tpu.vector_load %arg8[%get3A_361, %get3A_362, %get3A_363] {strides = array<i32>} : memref<8x4x896xf32, #tpu.memory_space<vmem>>, vector<1x1x16xf32>,
      %get3A_365 = vector.shape_cast %get3A_364 : vector<1x1x16xf32> to vector<16xf32>
      %sub3A_366 = arith.subf %get3A_358, %get3A_365 : vector<16xf32>
      %mul3A_367 = arith.mulf %sub3A_366, %sub3A_366 : vector<16xf32>
      %get3A_368 = arith.constant 2 : i32
      %get3A_369 = arith.constant 1 : i32
      %get3A_370 = arith.index_cast %get3A_368 : i32 to index
      %get3A_371 = arith.index_cast %get3A_369 : i32 to index
      %get3A_372 = arith.index_cast %mul3A_172 : i32 to index
      %get3A_373 = tpu.vector_load %arg10[%get3A_370, %get3A_371, %get3A_372] {strides = array<i32>} : memref<8x4x896xf32, #tpu.memory_space<vmem>>, vector<1x1x16xf32>,
      %get3A_374 = vector.shape_cast %get3A_373 : vector<1x1x16xf32> to vector<16xf32>
      %get3A_375 = arith.constant 2 : i32
      %get3A_376 = arith.constant 1 : i32
      %get3A_377 = arith.index_cast %get3A_375 : i32 to index
      %get3A_378 = arith.index_cast %get3A_376 : i32 to index
      %get3A_379 = arith.index_cast %mul3A_172 : i32 to index
      %get3A_380 = tpu.vector_load %arg8[%get3A_377, %get3A_378, %get3A_379] {strides = array<i32>} : memref<8x4x896xf32, #tpu.memory_space<vmem>>, vector<1x1x16xf32>,
      %get3A_381 = vector.shape_cast %get3A_380 : vector<1x1x16xf32> to vector<16xf32>
      %sub3A_382 = arith.subf %get3A_374, %get3A_381 : vector<16xf32>
      %mul3A_383 = arith.mulf %sub3A_382, %sub3A_382 : vector<16xf32>
      %add3A_384 = arith.addf %mul3A_367, %mul3A_383 : vector<16xf32>
      %get3A_385 = arith.constant 2 : i32
      %get3A_386 = arith.constant 2 : i32
      %get3A_387 = arith.index_cast %get3A_385 : i32 to index
      %get3A_388 = arith.index_cast %get3A_386 : i32 to index
      %get3A_389 = arith.index_cast %mul3A_172 : i32 to index
      %get3A_390 = tpu.vector_load %arg10[%get3A_387, %get3A_388, %get3A_389] {strides = array<i32>} : memref<8x4x896xf32, #tpu.memory_space<vmem>>, vector<1x1x16xf32>,
      %get3A_391 = vector.shape_cast %get3A_390 : vector<1x1x16xf32> to vector<16xf32>
      %get3A_392 = arith.constant 2 : i32
      %get3A_393 = arith.constant 2 : i32
      %get3A_394 = arith.index_cast %get3A_392 : i32 to index
      %get3A_395 = arith.index_cast %get3A_393 : i32 to index
      %get3A_396 = arith.index_cast %mul3A_172 : i32 to index
      %get3A_397 = tpu.vector_load %arg8[%get3A_394, %get3A_395, %get3A_396] {strides = array<i32>} : memref<8x4x896xf32, #tpu.memory_space<vmem>>, vector<1x1x16xf32>,
      %get3A_398 = vector.shape_cast %get3A_397 : vector<1x1x16xf32> to vector<16xf32>
      %sub3A_399 = arith.subf %get3A_391, %get3A_398 : vector<16xf32>
      %mul3A_400 = arith.mulf %sub3A_399, %sub3A_399 : vector<16xf32>
      %add3A_401 = arith.addf %add3A_384, %mul3A_400 : vector<16xf32>
      %get3A_402 = arith.constant 2 : i32
      %get3A_403 = arith.constant 3 : i32
      %get3A_404 = arith.index_cast %get3A_402 : i32 to index
      %get3A_405 = arith.index_cast %get3A_403 : i32 to index
      %get3A_406 = arith.index_cast %mul3A_172 : i32 to index
      %get3A_407 = tpu.vector_load %arg10[%get3A_404, %get3A_405, %get3A_406] {strides = array<i32>} : memref<8x4x896xf32, #tpu.memory_space<vmem>>, vector<1x1x16xf32>,
      %get3A_408 = vector.shape_cast %get3A_407 : vector<1x1x16xf32> to vector<16xf32>
      %get3A_409 = arith.constant 2 : i32
      %get3A_410 = arith.constant 3 : i32
      %get3A_411 = arith.index_cast %get3A_409 : i32 to index
      %get3A_412 = arith.index_cast %get3A_410 : i32 to index
      %get3A_413 = arith.index_cast %mul3A_172 : i32 to index
      %get3A_414 = tpu.vector_load %arg8[%get3A_411, %get3A_412, %get3A_413] {strides = array<i32>} : memref<8x4x896xf32, #tpu.memory_space<vmem>>, vector<1x1x16xf32>,
      %get3A_415 = vector.shape_cast %get3A_414 : vector<1x1x16xf32> to vector<16xf32>
      %sub3A_416 = arith.subf %get3A_408, %get3A_415 : vector<16xf32>
      %mul3A_417 = arith.mulf %sub3A_416, %sub3A_416 : vector<16xf32>
      %add3A_418 = arith.addf %add3A_401, %mul3A_417 : vector<16xf32>
      %mul3A_419 = arith.mulf %add3A_418, %select_n3A_350 : vector<16xf32>
      %add3A_420 = arith.addf %add3A_337, %mul3A_419 : vector<16xf32>
      %get3A_421 = arith.constant 3 : i32
      %get3A_422 = arith.index_cast %get3A_421 : i32 to index
      %get3A_423 = arith.index_cast %mul3A_172 : i32 to index
      %get3A_424 = tpu.vector_load %arg6[%get3A_422, %get3A_423] {strides = array<i32>} : memref<8x896xi32, #tpu.memory_space<vmem>>, vector<1x16xi32>,
      %get3A_425 = vector.shape_cast %get3A_424 : vector<1x16xi32> to vector<16xi32>
      %ne3A_426 = arith.constant 0 : i32
      %ne3A_427 = vector.broadcast %ne3A_426 : i32 to vector<16xi32>
      %ne3A_428 = arith.cmpi ne, %get3A_425, %ne3A_427 : vector<16xi32>
      %jit3A_429 = arith.constant 1.000000e+00 : f32
      %jit3A_430 = arith.constant 0.000000e+00 : f32
      %broadcast_in_dim3A_431 = vector.broadcast %jit3A_429 : f32 to vector<16xf32>
      %broadcast_in_dim3A_432 = vector.broadcast %jit3A_430 : f32 to vector<16xf32>
      %select_n3A_433 = arith.select %ne3A_428, %broadcast_in_dim3A_431, %broadcast_in_dim3A_432 : vector<16xi1>, vector<16xf32>
      %add3A_434 = arith.addf %add3A_351, %select_n3A_433 : vector<16xf32>
      %get3A_435 = arith.constant 3 : i32
      %get3A_436 = arith.constant 0 : i32
      %get3A_437 = arith.index_cast %get3A_435 : i32 to index
      %get3A_438 = arith.index_cast %get3A_436 : i32 to index
      %get3A_439 = arith.index_cast %mul3A_172 : i32 to index
      %get3A_440 = tpu.vector_load %arg10[%get3A_437, %get3A_438, %get3A_439] {strides = array<i32>} : memref<8x4x896xf32, #tpu.memory_space<vmem>>, vector<1x1x16xf32>,
      %get3A_441 = vector.shape_cast %get3A_440 : vector<1x1x16xf32> to vector<16xf32>
      %get3A_442 = arith.constant 3 : i32
      %get3A_443 = arith.constant 0 : i32
      %get3A_444 = arith.index_cast %get3A_442 : i32 to index
      %get3A_445 = arith.index_cast %get3A_443 : i32 to index
      %get3A_446 = arith.index_cast %mul3A_172 : i32 to index
      %get3A_447 = tpu.vector_load %arg8[%get3A_444, %get3A_445, %get3A_446] {strides = array<i32>} : memref<8x4x896xf32, #tpu.memory_space<vmem>>, vector<1x1x16xf32>,
      %get3A_448 = vector.shape_cast %get3A_447 : vector<1x1x16xf32> to vector<16xf32>
      %sub3A_449 = arith.subf %get3A_441, %get3A_448 : vector<16xf32>
      %mul3A_450 = arith.mulf %sub3A_449, %sub3A_449 : vector<16xf32>
      %get3A_451 = arith.constant 3 : i32
      %get3A_452 = arith.constant 1 : i32
      %get3A_453 = arith.index_cast %get3A_451 : i32 to index
      %get3A_454 = arith.index_cast %get3A_452 : i32 to index
      %get3A_455 = arith.index_cast %mul3A_172 : i32 to index
      %get3A_456 = tpu.vector_load %arg10[%get3A_453, %get3A_454, %get3A_455] {strides = array<i32>} : memref<8x4x896xf32, #tpu.memory_space<vmem>>, vector<1x1x16xf32>,
      %get3A_457 = vector.shape_cast %get3A_456 : vector<1x1x16xf32> to vector<16xf32>
      %get3A_458 = arith.constant 3 : i32
      %get3A_459 = arith.constant 1 : i32
      %get3A_460 = arith.index_cast %get3A_458 : i32 to index
      %get3A_461 = arith.index_cast %get3A_459 : i32 to index
      %get3A_462 = arith.index_cast %mul3A_172 : i32 to index
      %get3A_463 = tpu.vector_load %arg8[%get3A_460, %get3A_461, %get3A_462] {strides = array<i32>} : memref<8x4x896xf32, #tpu.memory_space<vmem>>, vector<1x1x16xf32>,
      %get3A_464 = vector.shape_cast %get3A_463 : vector<1x1x16xf32> to vector<16xf32>
      %sub3A_465 = arith.subf %get3A_457, %get3A_464 : vector<16xf32>
      %mul3A_466 = arith.mulf %sub3A_465, %sub3A_465 : vector<16xf32>
      %add3A_467 = arith.addf %mul3A_450, %mul3A_466 : vector<16xf32>
      %get3A_468 = arith.constant 3 : i32
      %get3A_469 = arith.constant 2 : i32
      %get3A_470 = arith.index_cast %get3A_468 : i32 to index
      %get3A_471 = arith.index_cast %get3A_469 : i32 to index
      %get3A_472 = arith.index_cast %mul3A_172 : i32 to index
      %get3A_473 = tpu.vector_load %arg10[%get3A_470, %get3A_471, %get3A_472] {strides = array<i32>} : memref<8x4x896xf32, #tpu.memory_space<vmem>>, vector<1x1x16xf32>,
      %get3A_474 = vector.shape_cast %get3A_473 : vector<1x1x16xf32> to vector<16xf32>
      %get3A_475 = arith.constant 3 : i32
      %get3A_476 = arith.constant 2 : i32
      %get3A_477 = arith.index_cast %get3A_475 : i32 to index
      %get3A_478 = arith.index_cast %get3A_476 : i32 to index
      %get3A_479 = arith.index_cast %mul3A_172 : i32 to index
      %get3A_480 = tpu.vector_load %arg8[%get3A_477, %get3A_478, %get3A_479] {strides = array<i32>} : memref<8x4x896xf32, #tpu.memory_space<vmem>>, vector<1x1x16xf32>,
      %get3A_481 = vector.shape_cast %get3A_480 : vector<1x1x16xf32> to vector<16xf32>
      %sub3A_482 = arith.subf %get3A_474, %get3A_481 : vector<16xf32>
      %mul3A_483 = arith.mulf %sub3A_482, %sub3A_482 : vector<16xf32>
      %add3A_484 = arith.addf %add3A_467, %mul3A_483 : vector<16xf32>
      %get3A_485 = arith.constant 3 : i32
      %get3A_486 = arith.constant 3 : i32
      %get3A_487 = arith.index_cast %get3A_485 : i32 to index
      %get3A_488 = arith.index_cast %get3A_486 : i32 to index
      %get3A_489 = arith.index_cast %mul3A_172 : i32 to index
      %get3A_490 = tpu.vector_load %arg10[%get3A_487, %get3A_488, %get3A_489] {strides = array<i32>} : memref<8x4x896xf32, #tpu.memory_space<vmem>>, vector<1x1x16xf32>,
      %get3A_491 = vector.shape_cast %get3A_490 : vector<1x1x16xf32> to vector<16xf32>
      %get3A_492 = arith.constant 3 : i32
      %get3A_493 = arith.constant 3 : i32
      %get3A_494 = arith.index_cast %get3A_492 : i32 to index
      %get3A_495 = arith.index_cast %get3A_493 : i32 to index
      %get3A_496 = arith.index_cast %mul3A_172 : i32 to index
      %get3A_497 = tpu.vector_load %arg8[%get3A_494, %get3A_495, %get3A_496] {strides = array<i32>} : memref<8x4x896xf32, #tpu.memory_space<vmem>>, vector<1x1x16xf32>,
      %get3A_498 = vector.shape_cast %get3A_497 : vector<1x1x16xf32> to vector<16xf32>
      %sub3A_499 = arith.subf %get3A_491, %get3A_498 : vector<16xf32>
      %mul3A_500 = arith.mulf %sub3A_499, %sub3A_499 : vector<16xf32>
      %add3A_501 = arith.addf %add3A_484, %mul3A_500 : vector<16xf32>
      %mul3A_502 = arith.mulf %add3A_501, %select_n3A_433 : vector<16xf32>
      %add3A_503 = arith.addf %add3A_420, %mul3A_502 : vector<16xf32>
      %get3A_504 = arith.constant 4 : i32
      %get3A_505 = arith.index_cast %get3A_504 : i32 to index
      %get3A_506 = arith.index_cast %mul3A_172 : i32 to index
      %get3A_507 = tpu.vector_load %arg6[%get3A_505, %get3A_506] {strides = array<i32>} : memref<8x896xi32, #tpu.memory_space<vmem>>, vector<1x16xi32>,
      %get3A_508 = vector.shape_cast %get3A_507 : vector<1x16xi32> to vector<16xi32>
      %ne3A_509 = arith.constant 0 : i32
      %ne3A_510 = vector.broadcast %ne3A_509 : i32 to vector<16xi32>
      %ne3A_511 = arith.cmpi ne, %get3A_508, %ne3A_510 : vector<16xi32>
      %jit3A_512 = arith.constant 1.000000e+00 : f32
      %jit3A_513 = arith.constant 0.000000e+00 : f32
      %broadcast_in_dim3A_514 = vector.broadcast %jit3A_512 : f32 to vector<16xf32>
      %broadcast_in_dim3A_515 = vector.broadcast %jit3A_513 : f32 to vector<16xf32>
      %select_n3A_516 = arith.select %ne3A_511, %broadcast_in_dim3A_514, %broadcast_in_dim3A_515 : vector<16xi1>, vector<16xf32>
      %add3A_517 = arith.addf %add3A_434, %select_n3A_516 : vector<16xf32>
      %get3A_518 = arith.constant 4 : i32
      %get3A_519 = arith.constant 0 : i32
      %get3A_520 = arith.index_cast %get3A_518 : i32 to index
      %get3A_521 = arith.index_cast %get3A_519 : i32 to index
      %get3A_522 = arith.index_cast %mul3A_172 : i32 to index
      %get3A_523 = tpu.vector_load %arg10[%get3A_520, %get3A_521, %get3A_522] {strides = array<i32>} : memref<8x4x896xf32, #tpu.memory_space<vmem>>, vector<1x1x16xf32>,
      %get3A_524 = vector.shape_cast %get3A_523 : vector<1x1x16xf32> to vector<16xf32>
      %get3A_525 = arith.constant 4 : i32
      %get3A_526 = arith.constant 0 : i32
      %get3A_527 = arith.index_cast %get3A_525 : i32 to index
      %get3A_528 = arith.index_cast %get3A_526 : i32 to index
      %get3A_529 = arith.index_cast %mul3A_172 : i32 to index
      %get3A_530 = tpu.vector_load %arg8[%get3A_527, %get3A_528, %get3A_529] {strides = array<i32>} : memref<8x4x896xf32, #tpu.memory_space<vmem>>, vector<1x1x16xf32>,
      %get3A_531 = vector.shape_cast %get3A_530 : vector<1x1x16xf32> to vector<16xf32>
      %sub3A_532 = arith.subf %get3A_524, %get3A_531 : vector<16xf32>
      %mul3A_533 = arith.mulf %sub3A_532, %sub3A_532 : vector<16xf32>
      %get3A_534 = arith.constant 4 : i32
      %get3A_535 = arith.constant 1 : i32
      %get3A_536 = arith.index_cast %get3A_534 : i32 to index
      %get3A_537 = arith.index_cast %get3A_535 : i32 to index
      %get3A_538 = arith.index_cast %mul3A_172 : i32 to index
      %get3A_539 = tpu.vector_load %arg10[%get3A_536, %get3A_537, %get3A_538] {strides = array<i32>} : memref<8x4x896xf32, #tpu.memory_space<vmem>>, vector<1x1x16xf32>,
      %get3A_540 = vector.shape_cast %get3A_539 : vector<1x1x16xf32> to vector<16xf32>
      %get3A_541 = arith.constant 4 : i32
      %get3A_542 = arith.constant 1 : i32
      %get3A_543 = arith.index_cast %get3A_541 : i32 to index
      %get3A_544 = arith.index_cast %get3A_542 : i32 to index
      %get3A_545 = arith.index_cast %mul3A_172 : i32 to index
      %get3A_546 = tpu.vector_load %arg8[%get3A_543, %get3A_544, %get3A_545] {strides = array<i32>} : memref<8x4x896xf32, #tpu.memory_space<vmem>>, vector<1x1x16xf32>,
      %get3A_547 = vector.shape_cast %get3A_546 : vector<1x1x16xf32> to vector<16xf32>
      %sub3A_548 = arith.subf %get3A_540, %get3A_547 : vector<16xf32>
      %mul3A_549 = arith.mulf %sub3A_548, %sub3A_548 : vector<16xf32>
      %add3A_550 = arith.addf %mul3A_533, %mul3A_549 : vector<16xf32>
      %get3A_551 = arith.constant 4 : i32
      %get3A_552 = arith.constant 2 : i32
      %get3A_553 = arith.index_cast %get3A_551 : i32 to index
      %get3A_554 = arith.index_cast %get3A_552 : i32 to index
      %get3A_555 = arith.index_cast %mul3A_172 : i32 to index
      %get3A_556 = tpu.vector_load %arg10[%get3A_553, %get3A_554, %get3A_555] {strides = array<i32>} : memref<8x4x896xf32, #tpu.memory_space<vmem>>, vector<1x1x16xf32>,
      %get3A_557 = vector.shape_cast %get3A_556 : vector<1x1x16xf32> to vector<16xf32>
      %get3A_558 = arith.constant 4 : i32
      %get3A_559 = arith.constant 2 : i32
      %get3A_560 = arith.index_cast %get3A_558 : i32 to index
      %get3A_561 = arith.index_cast %get3A_559 : i32 to index
      %get3A_562 = arith.index_cast %mul3A_172 : i32 to index
      %get3A_563 = tpu.vector_load %arg8[%get3A_560, %get3A_561, %get3A_562] {strides = array<i32>} : memref<8x4x896xf32, #tpu.memory_space<vmem>>, vector<1x1x16xf32>,
      %get3A_564 = vector.shape_cast %get3A_563 : vector<1x1x16xf32> to vector<16xf32>
      %sub3A_565 = arith.subf %get3A_557, %get3A_564 : vector<16xf32>
      %mul3A_566 = arith.mulf %sub3A_565, %sub3A_565 : vector<16xf32>
      %add3A_567 = arith.addf %add3A_550, %mul3A_566 : vector<16xf32>
      %get3A_568 = arith.constant 4 : i32
      %get3A_569 = arith.constant 3 : i32
      %get3A_570 = arith.index_cast %get3A_568 : i32 to index
      %get3A_571 = arith.index_cast %get3A_569 : i32 to index
      %get3A_572 = arith.index_cast %mul3A_172 : i32 to index
      %get3A_573 = tpu.vector_load %arg10[%get3A_570, %get3A_571, %get3A_572] {strides = array<i32>} : memref<8x4x896xf32, #tpu.memory_space<vmem>>, vector<1x1x16xf32>,
      %get3A_574 = vector.shape_cast %get3A_573 : vector<1x1x16xf32> to vector<16xf32>
      %get3A_575 = arith.constant 4 : i32
      %get3A_576 = arith.constant 3 : i32
      %get3A_577 = arith.index_cast %get3A_575 : i32 to index
      %get3A_578 = arith.index_cast %get3A_576 : i32 to index
      %get3A_579 = arith.index_cast %mul3A_172 : i32 to index
      %get3A_580 = tpu.vector_load %arg8[%get3A_577, %get3A_578, %get3A_579] {strides = array<i32>} : memref<8x4x896xf32, #tpu.memory_space<vmem>>, vector<1x1x16xf32>,
      %get3A_581 = vector.shape_cast %get3A_580 : vector<1x1x16xf32> to vector<16xf32>
      %sub3A_582 = arith.subf %get3A_574, %get3A_581 : vector<16xf32>
      %mul3A_583 = arith.mulf %sub3A_582, %sub3A_582 : vector<16xf32>
      %add3A_584 = arith.addf %add3A_567, %mul3A_583 : vector<16xf32>
      %mul3A_585 = arith.mulf %add3A_584, %select_n3A_516 : vector<16xf32>
      %add3A_586 = arith.addf %add3A_503, %mul3A_585 : vector<16xf32>
      %get3A_587 = arith.constant 5 : i32
      %get3A_588 = arith.index_cast %get3A_587 : i32 to index
      %get3A_589 = arith.index_cast %mul3A_172 : i32 to index
      %get3A_590 = tpu.vector_load %arg6[%get3A_588, %get3A_589] {strides = array<i32>} : memref<8x896xi32, #tpu.memory_space<vmem>>, vector<1x16xi32>,
      %get3A_591 = vector.shape_cast %get3A_590 : vector<1x16xi32> to vector<16xi32>
      %ne3A_592 = arith.constant 0 : i32
      %ne3A_593 = vector.broadcast %ne3A_592 : i32 to vector<16xi32>
      %ne3A_594 = arith.cmpi ne, %get3A_591, %ne3A_593 : vector<16xi32>
      %jit3A_595 = arith.constant 1.000000e+00 : f32
      %jit3A_596 = arith.constant 0.000000e+00 : f32
      %broadcast_in_dim3A_597 = vector.broadcast %jit3A_595 : f32 to vector<16xf32>
      %broadcast_in_dim3A_598 = vector.broadcast %jit3A_596 : f32 to vector<16xf32>
      %select_n3A_599 = arith.select %ne3A_594, %broadcast_in_dim3A_597, %broadcast_in_dim3A_598 : vector<16xi1>, vector<16xf32>
      %add3A_600 = arith.addf %add3A_517, %select_n3A_599 : vector<16xf32>
      %get3A_601 = arith.constant 5 : i32
      %get3A_602 = arith.constant 0 : i32
      %get3A_603 = arith.index_cast %get3A_601 : i32 to index
      %get3A_604 = arith.index_cast %get3A_602 : i32 to index
      %get3A_605 = arith.index_cast %mul3A_172 : i32 to index
      %get3A_606 = tpu.vector_load %arg10[%get3A_603, %get3A_604, %get3A_605] {strides = array<i32>} : memref<8x4x896xf32, #tpu.memory_space<vmem>>, vector<1x1x16xf32>,
      %get3A_607 = vector.shape_cast %get3A_606 : vector<1x1x16xf32> to vector<16xf32>
      %get3A_608 = arith.constant 5 : i32
      %get3A_609 = arith.constant 0 : i32
      %get3A_610 = arith.index_cast %get3A_608 : i32 to index
      %get3A_611 = arith.index_cast %get3A_609 : i32 to index
      %get3A_612 = arith.index_cast %mul3A_172 : i32 to index
      %get3A_613 = tpu.vector_load %arg8[%get3A_610, %get3A_611, %get3A_612] {strides = array<i32>} : memref<8x4x896xf32, #tpu.memory_space<vmem>>, vector<1x1x16xf32>,
      %get3A_614 = vector.shape_cast %get3A_613 : vector<1x1x16xf32> to vector<16xf32>
      %sub3A_615 = arith.subf %get3A_607, %get3A_614 : vector<16xf32>
      %mul3A_616 = arith.mulf %sub3A_615, %sub3A_615 : vector<16xf32>
      %get3A_617 = arith.constant 5 : i32
      %get3A_618 = arith.constant 1 : i32
      %get3A_619 = arith.index_cast %get3A_617 : i32 to index
      %get3A_620 = arith.index_cast %get3A_618 : i32 to index
      %get3A_621 = arith.index_cast %mul3A_172 : i32 to index
      %get3A_622 = tpu.vector_load %arg10[%get3A_619, %get3A_620, %get3A_621] {strides = array<i32>} : memref<8x4x896xf32, #tpu.memory_space<vmem>>, vector<1x1x16xf32>,
      %get3A_623 = vector.shape_cast %get3A_622 : vector<1x1x16xf32> to vector<16xf32>
      %get3A_624 = arith.constant 5 : i32
      %get3A_625 = arith.constant 1 : i32
      %get3A_626 = arith.index_cast %get3A_624 : i32 to index
      %get3A_627 = arith.index_cast %get3A_625 : i32 to index
      %get3A_628 = arith.index_cast %mul3A_172 : i32 to index
      %get3A_629 = tpu.vector_load %arg8[%get3A_626, %get3A_627, %get3A_628] {strides = array<i32>} : memref<8x4x896xf32, #tpu.memory_space<vmem>>, vector<1x1x16xf32>,
      %get3A_630 = vector.shape_cast %get3A_629 : vector<1x1x16xf32> to vector<16xf32>
      %sub3A_631 = arith.subf %get3A_623, %get3A_630 : vector<16xf32>
      %mul3A_632 = arith.mulf %sub3A_631, %sub3A_631 : vector<16xf32>
      %add3A_633 = arith.addf %mul3A_616, %mul3A_632 : vector<16xf32>
      %get3A_634 = arith.constant 5 : i32
      %get3A_635 = arith.constant 2 : i32
      %get3A_636 = arith.index_cast %get3A_634 : i32 to index
      %get3A_637 = arith.index_cast %get3A_635 : i32 to index
      %get3A_638 = arith.index_cast %mul3A_172 : i32 to index
      %get3A_639 = tpu.vector_load %arg10[%get3A_636, %get3A_637, %get3A_638] {strides = array<i32>} : memref<8x4x896xf32, #tpu.memory_space<vmem>>, vector<1x1x16xf32>,
      %get3A_640 = vector.shape_cast %get3A_639 : vector<1x1x16xf32> to vector<16xf32>
      %get3A_641 = arith.constant 5 : i32
      %get3A_642 = arith.constant 2 : i32
      %get3A_643 = arith.index_cast %get3A_641 : i32 to index
      %get3A_644 = arith.index_cast %get3A_642 : i32 to index
      %get3A_645 = arith.index_cast %mul3A_172 : i32 to index
      %get3A_646 = tpu.vector_load %arg8[%get3A_643, %get3A_644, %get3A_645] {strides = array<i32>} : memref<8x4x896xf32, #tpu.memory_space<vmem>>, vector<1x1x16xf32>,
      %get3A_647 = vector.shape_cast %get3A_646 : vector<1x1x16xf32> to vector<16xf32>
      %sub3A_648 = arith.subf %get3A_640, %get3A_647 : vector<16xf32>
      %mul3A_649 = arith.mulf %sub3A_648, %sub3A_648 : vector<16xf32>
      %add3A_650 = arith.addf %add3A_633, %mul3A_649 : vector<16xf32>
      %get3A_651 = arith.constant 5 : i32
      %get3A_652 = arith.constant 3 : i32
      %get3A_653 = arith.index_cast %get3A_651 : i32 to index
      %get3A_654 = arith.index_cast %get3A_652 : i32 to index
      %get3A_655 = arith.index_cast %mul3A_172 : i32 to index
      %get3A_656 = tpu.vector_load %arg10[%get3A_653, %get3A_654, %get3A_655] {strides = array<i32>} : memref<8x4x896xf32, #tpu.memory_space<vmem>>, vector<1x1x16xf32>,
      %get3A_657 = vector.shape_cast %get3A_656 : vector<1x1x16xf32> to vector<16xf32>
      %get3A_658 = arith.constant 5 : i32
      %get3A_659 = arith.constant 3 : i32
      %get3A_660 = arith.index_cast %get3A_658 : i32 to index
      %get3A_661 = arith.index_cast %get3A_659 : i32 to index
      %get3A_662 = arith.index_cast %mul3A_172 : i32 to index
      %get3A_663 = tpu.vector_load %arg8[%get3A_660, %get3A_661, %get3A_662] {strides = array<i32>} : memref<8x4x896xf32, #tpu.memory_space<vmem>>, vector<1x1x16xf32>,
      %get3A_664 = vector.shape_cast %get3A_663 : vector<1x1x16xf32> to vector<16xf32>
      %sub3A_665 = arith.subf %get3A_657, %get3A_664 : vector<16xf32>
      %mul3A_666 = arith.mulf %sub3A_665, %sub3A_665 : vector<16xf32>
      %add3A_667 = arith.addf %add3A_650, %mul3A_666 : vector<16xf32>
      %mul3A_668 = arith.mulf %add3A_667, %select_n3A_599 : vector<16xf32>
      %add3A_669 = arith.addf %add3A_586, %mul3A_668 : vector<16xf32>
      %get3A_670 = arith.constant 6 : i32
      %get3A_671 = arith.index_cast %get3A_670 : i32 to index
      %get3A_672 = arith.index_cast %mul3A_172 : i32 to index
      %get3A_673 = tpu.vector_load %arg6[%get3A_671, %get3A_672] {strides = array<i32>} : memref<8x896xi32, #tpu.memory_space<vmem>>, vector<1x16xi32>,
      %get3A_674 = vector.shape_cast %get3A_673 : vector<1x16xi32> to vector<16xi32>
      %ne3A_675 = arith.constant 0 : i32
      %ne3A_676 = vector.broadcast %ne3A_675 : i32 to vector<16xi32>
      %ne3A_677 = arith.cmpi ne, %get3A_674, %ne3A_676 : vector<16xi32>
      %jit3A_678 = arith.constant 1.000000e+00 : f32
      %jit3A_679 = arith.constant 0.000000e+00 : f32
      %broadcast_in_dim3A_680 = vector.broadcast %jit3A_678 : f32 to vector<16xf32>
      %broadcast_in_dim3A_681 = vector.broadcast %jit3A_679 : f32 to vector<16xf32>
      %select_n3A_682 = arith.select %ne3A_677, %broadcast_in_dim3A_680, %broadcast_in_dim3A_681 : vector<16xi1>, vector<16xf32>
      %add3A_683 = arith.addf %add3A_600, %select_n3A_682 : vector<16xf32>
      %get3A_684 = arith.constant 6 : i32
      %get3A_685 = arith.constant 0 : i32
      %get3A_686 = arith.index_cast %get3A_684 : i32 to index
      %get3A_687 = arith.index_cast %get3A_685 : i32 to index
      %get3A_688 = arith.index_cast %mul3A_172 : i32 to index
      %get3A_689 = tpu.vector_load %arg10[%get3A_686, %get3A_687, %get3A_688] {strides = array<i32>} : memref<8x4x896xf32, #tpu.memory_space<vmem>>, vector<1x1x16xf32>,
      %get3A_690 = vector.shape_cast %get3A_689 : vector<1x1x16xf32> to vector<16xf32>
      %get3A_691 = arith.constant 6 : i32
      %get3A_692 = arith.constant 0 : i32
      %get3A_693 = arith.index_cast %get3A_691 : i32 to index
      %get3A_694 = arith.index_cast %get3A_692 : i32 to index
      %get3A_695 = arith.index_cast %mul3A_172 : i32 to index
      %get3A_696 = tpu.vector_load %arg8[%get3A_693, %get3A_694, %get3A_695] {strides = array<i32>} : memref<8x4x896xf32, #tpu.memory_space<vmem>>, vector<1x1x16xf32>,
      %get3A_697 = vector.shape_cast %get3A_696 : vector<1x1x16xf32> to vector<16xf32>
      %sub3A_698 = arith.subf %get3A_690, %get3A_697 : vector<16xf32>
      %mul3A_699 = arith.mulf %sub3A_698, %sub3A_698 : vector<16xf32>
      %get3A_700 = arith.constant 6 : i32
      %get3A_701 = arith.constant 1 : i32
      %get3A_702 = arith.index_cast %get3A_700 : i32 to index
      %get3A_703 = arith.index_cast %get3A_701 : i32 to index
      %get3A_704 = arith.index_cast %mul3A_172 : i32 to index
      %get3A_705 = tpu.vector_load %arg10[%get3A_702, %get3A_703, %get3A_704] {strides = array<i32>} : memref<8x4x896xf32, #tpu.memory_space<vmem>>, vector<1x1x16xf32>,
      %get3A_706 = vector.shape_cast %get3A_705 : vector<1x1x16xf32> to vector<16xf32>
      %get3A_707 = arith.constant 6 : i32
      %get3A_708 = arith.constant 1 : i32
      %get3A_709 = arith.index_cast %get3A_707 : i32 to index
      %get3A_710 = arith.index_cast %get3A_708 : i32 to index
      %get3A_711 = arith.index_cast %mul3A_172 : i32 to index
      %get3A_712 = tpu.vector_load %arg8[%get3A_709, %get3A_710, %get3A_711] {strides = array<i32>} : memref<8x4x896xf32, #tpu.memory_space<vmem>>, vector<1x1x16xf32>,
      %get3A_713 = vector.shape_cast %get3A_712 : vector<1x1x16xf32> to vector<16xf32>
      %sub3A_714 = arith.subf %get3A_706, %get3A_713 : vector<16xf32>
      %mul3A_715 = arith.mulf %sub3A_714, %sub3A_714 : vector<16xf32>
      %add3A_716 = arith.addf %mul3A_699, %mul3A_715 : vector<16xf32>
      %get3A_717 = arith.constant 6 : i32
      %get3A_718 = arith.constant 2 : i32
      %get3A_719 = arith.index_cast %get3A_717 : i32 to index
      %get3A_720 = arith.index_cast %get3A_718 : i32 to index
      %get3A_721 = arith.index_cast %mul3A_172 : i32 to index
      %get3A_722 = tpu.vector_load %arg10[%get3A_719, %get3A_720, %get3A_721] {strides = array<i32>} : memref<8x4x896xf32, #tpu.memory_space<vmem>>, vector<1x1x16xf32>,
      %get3A_723 = vector.shape_cast %get3A_722 : vector<1x1x16xf32> to vector<16xf32>
      %get3A_724 = arith.constant 6 : i32
      %get3A_725 = arith.constant 2 : i32
      %get3A_726 = arith.index_cast %get3A_724 : i32 to index
      %get3A_727 = arith.index_cast %get3A_725 : i32 to index
      %get3A_728 = arith.index_cast %mul3A_172 : i32 to index
      %get3A_729 = tpu.vector_load %arg8[%get3A_726, %get3A_727, %get3A_728] {strides = array<i32>} : memref<8x4x896xf32, #tpu.memory_space<vmem>>, vector<1x1x16xf32>,
      %get3A_730 = vector.shape_cast %get3A_729 : vector<1x1x16xf32> to vector<16xf32>
      %sub3A_731 = arith.subf %get3A_723, %get3A_730 : vector<16xf32>
      %mul3A_732 = arith.mulf %sub3A_731, %sub3A_731 : vector<16xf32>
      %add3A_733 = arith.addf %add3A_716, %mul3A_732 : vector<16xf32>
      %get3A_734 = arith.constant 6 : i32
      %get3A_735 = arith.constant 3 : i32
      %get3A_736 = arith.index_cast %get3A_734 : i32 to index
      %get3A_737 = arith.index_cast %get3A_735 : i32 to index
      %get3A_738 = arith.index_cast %mul3A_172 : i32 to index
      %get3A_739 = tpu.vector_load %arg10[%get3A_736, %get3A_737, %get3A_738] {strides = array<i32>} : memref<8x4x896xf32, #tpu.memory_space<vmem>>, vector<1x1x16xf32>,
      %get3A_740 = vector.shape_cast %get3A_739 : vector<1x1x16xf32> to vector<16xf32>
      %get3A_741 = arith.constant 6 : i32
      %get3A_742 = arith.constant 3 : i32
      %get3A_743 = arith.index_cast %get3A_741 : i32 to index
      %get3A_744 = arith.index_cast %get3A_742 : i32 to index
      %get3A_745 = arith.index_cast %mul3A_172 : i32 to index
      %get3A_746 = tpu.vector_load %arg8[%get3A_743, %get3A_744, %get3A_745] {strides = array<i32>} : memref<8x4x896xf32, #tpu.memory_space<vmem>>, vector<1x1x16xf32>,
      %get3A_747 = vector.shape_cast %get3A_746 : vector<1x1x16xf32> to vector<16xf32>
      %sub3A_748 = arith.subf %get3A_740, %get3A_747 : vector<16xf32>
      %mul3A_749 = arith.mulf %sub3A_748, %sub3A_748 : vector<16xf32>
      %add3A_750 = arith.addf %add3A_733, %mul3A_749 : vector<16xf32>
      %mul3A_751 = arith.mulf %add3A_750, %select_n3A_682 : vector<16xf32>
      %add3A_752 = arith.addf %add3A_669, %mul3A_751 : vector<16xf32>
      %get3A_753 = arith.constant 7 : i32
      %get3A_754 = arith.index_cast %get3A_753 : i32 to index
      %get3A_755 = arith.index_cast %mul3A_172 : i32 to index
      %get3A_756 = tpu.vector_load %arg6[%get3A_754, %get3A_755] {strides = array<i32>} : memref<8x896xi32, #tpu.memory_space<vmem>>, vector<1x16xi32>,
      %get3A_757 = vector.shape_cast %get3A_756 : vector<1x16xi32> to vector<16xi32>
      %ne3A_758 = arith.constant 0 : i32
      %ne3A_759 = vector.broadcast %ne3A_758 : i32 to vector<16xi32>
      %ne3A_760 = arith.cmpi ne, %get3A_757, %ne3A_759 : vector<16xi32>
      %jit3A_761 = arith.constant 1.000000e+00 : f32
      %jit3A_762 = arith.constant 0.000000e+00 : f32
      %broadcast_in_dim3A_763 = vector.broadcast %jit3A_761 : f32 to vector<16xf32>
      %broadcast_in_dim3A_764 = vector.broadcast %jit3A_762 : f32 to vector<16xf32>
      %select_n3A_765 = arith.select %ne3A_760, %broadcast_in_dim3A_763, %broadcast_in_dim3A_764 : vector<16xi1>, vector<16xf32>
      %add3A_766 = arith.addf %add3A_683, %select_n3A_765 : vector<16xf32>
      %get3A_767 = arith.constant 7 : i32
      %get3A_768 = arith.constant 0 : i32
      %get3A_769 = arith.index_cast %get3A_767 : i32 to index
      %get3A_770 = arith.index_cast %get3A_768 : i32 to index
      %get3A_771 = arith.index_cast %mul3A_172 : i32 to index
      %get3A_772 = tpu.vector_load %arg10[%get3A_769, %get3A_770, %get3A_771] {strides = array<i32>} : memref<8x4x896xf32, #tpu.memory_space<vmem>>, vector<1x1x16xf32>,
      %get3A_773 = vector.shape_cast %get3A_772 : vector<1x1x16xf32> to vector<16xf32>
      %get3A_774 = arith.constant 7 : i32
      %get3A_775 = arith.constant 0 : i32
      %get3A_776 = arith.index_cast %get3A_774 : i32 to index
      %get3A_777 = arith.index_cast %get3A_775 : i32 to index
      %get3A_778 = arith.index_cast %mul3A_172 : i32 to index
      %get3A_779 = tpu.vector_load %arg8[%get3A_776, %get3A_777, %get3A_778] {strides = array<i32>} : memref<8x4x896xf32, #tpu.memory_space<vmem>>, vector<1x1x16xf32>,
      %get3A_780 = vector.shape_cast %get3A_779 : vector<1x1x16xf32> to vector<16xf32>
      %sub3A_781 = arith.subf %get3A_773, %get3A_780 : vector<16xf32>
      %mul3A_782 = arith.mulf %sub3A_781, %sub3A_781 : vector<16xf32>
      %get3A_783 = arith.constant 7 : i32
      %get3A_784 = arith.constant 1 : i32
      %get3A_785 = arith.index_cast %get3A_783 : i32 to index
      %get3A_786 = arith.index_cast %get3A_784 : i32 to index
      %get3A_787 = arith.index_cast %mul3A_172 : i32 to index
      %get3A_788 = tpu.vector_load %arg10[%get3A_785, %get3A_786, %get3A_787] {strides = array<i32>} : memref<8x4x896xf32, #tpu.memory_space<vmem>>, vector<1x1x16xf32>,
      %get3A_789 = vector.shape_cast %get3A_788 : vector<1x1x16xf32> to vector<16xf32>
      %get3A_790 = arith.constant 7 : i32
      %get3A_791 = arith.constant 1 : i32
      %get3A_792 = arith.index_cast %get3A_790 : i32 to index
      %get3A_793 = arith.index_cast %get3A_791 : i32 to index
      %get3A_794 = arith.index_cast %mul3A_172 : i32 to index
      %get3A_795 = tpu.vector_load %arg8[%get3A_792, %get3A_793, %get3A_794] {strides = array<i32>} : memref<8x4x896xf32, #tpu.memory_space<vmem>>, vector<1x1x16xf32>,
      %get3A_796 = vector.shape_cast %get3A_795 : vector<1x1x16xf32> to vector<16xf32>
      %sub3A_797 = arith.subf %get3A_789, %get3A_796 : vector<16xf32>
      %mul3A_798 = arith.mulf %sub3A_797, %sub3A_797 : vector<16xf32>
      %add3A_799 = arith.addf %mul3A_782, %mul3A_798 : vector<16xf32>
      %get3A_800 = arith.constant 7 : i32
      %get3A_801 = arith.constant 2 : i32
      %get3A_802 = arith.index_cast %get3A_800 : i32 to index
      %get3A_803 = arith.index_cast %get3A_801 : i32 to index
      %get3A_804 = arith.index_cast %mul3A_172 : i32 to index
      %get3A_805 = tpu.vector_load %arg10[%get3A_802, %get3A_803, %get3A_804] {strides = array<i32>} : memref<8x4x896xf32, #tpu.memory_space<vmem>>, vector<1x1x16xf32>,
      %get3A_806 = vector.shape_cast %get3A_805 : vector<1x1x16xf32> to vector<16xf32>
      %get3A_807 = arith.constant 7 : i32
      %get3A_808 = arith.constant 2 : i32
      %get3A_809 = arith.index_cast %get3A_807 : i32 to index
      %get3A_810 = arith.index_cast %get3A_808 : i32 to index
      %get3A_811 = arith.index_cast %mul3A_172 : i32 to index
      %get3A_812 = tpu.vector_load %arg8[%get3A_809, %get3A_810, %get3A_811] {strides = array<i32>} : memref<8x4x896xf32, #tpu.memory_space<vmem>>, vector<1x1x16xf32>,
      %get3A_813 = vector.shape_cast %get3A_812 : vector<1x1x16xf32> to vector<16xf32>
      %sub3A_814 = arith.subf %get3A_806, %get3A_813 : vector<16xf32>
      %mul3A_815 = arith.mulf %sub3A_814, %sub3A_814 : vector<16xf32>
      %add3A_816 = arith.addf %add3A_799, %mul3A_815 : vector<16xf32>
      %get3A_817 = arith.constant 7 : i32
      %get3A_818 = arith.constant 3 : i32
      %get3A_819 = arith.index_cast %get3A_817 : i32 to index
      %get3A_820 = arith.index_cast %get3A_818 : i32 to index
      %get3A_821 = arith.index_cast %mul3A_172 : i32 to index
      %get3A_822 = tpu.vector_load %arg10[%get3A_819, %get3A_820, %get3A_821] {strides = array<i32>} : memref<8x4x896xf32, #tpu.memory_space<vmem>>, vector<1x1x16xf32>,
      %get3A_823 = vector.shape_cast %get3A_822 : vector<1x1x16xf32> to vector<16xf32>
      %get3A_824 = arith.constant 7 : i32
      %get3A_825 = arith.constant 3 : i32
      %get3A_826 = arith.index_cast %get3A_824 : i32 to index
      %get3A_827 = arith.index_cast %get3A_825 : i32 to index
      %get3A_828 = arith.index_cast %mul3A_172 : i32 to index
      %get3A_829 = tpu.vector_load %arg8[%get3A_826, %get3A_827, %get3A_828] {strides = array<i32>} : memref<8x4x896xf32, #tpu.memory_space<vmem>>, vector<1x1x16xf32>,
      %get3A_830 = vector.shape_cast %get3A_829 : vector<1x1x16xf32> to vector<16xf32>
      %sub3A_831 = arith.subf %get3A_823, %get3A_830 : vector<16xf32>
      %mul3A_832 = arith.mulf %sub3A_831, %sub3A_831 : vector<16xf32>
      %add3A_833 = arith.addf %add3A_816, %mul3A_832 : vector<16xf32>
      %mul3A_834 = arith.mulf %add3A_833, %select_n3A_765 : vector<16xf32>
      %add3A_835 = arith.addf %add3A_752, %mul3A_834 : vector<16xf32>
      scf.yield %add3A_835, %add3A_766 : vector<16xf32>, vector<16xf32>
    }
    %scan3A_160 = arith.constant 56 : i32
    %swap3A = arith.constant 0 : index
    %swap3A_161 = tpu.vector_load %arg12[%swap3A] {strides = array<i32>} : memref<32xf32, #tpu.memory_space<vmem>>, vector<16xf32>,
    %swap3A_162 = vector.shape_cast %swap3A_161 : vector<16xf32> to vector<16xf32>
    %swap3A_163 = vector.shape_cast %scan3A_159#0 : vector<16xf32> to vector<16xf32>
    tpu.vector_store %arg12[%swap3A], %swap3A_163 {strides = array<i32>} : memref<32xf32, #tpu.memory_space<vmem>>, vector<16xf32>,
    %swap3A_164 = arith.constant 16 : index
    %swap3A_165 = tpu.vector_load %arg12[%swap3A_164] {strides = array<i32>} : memref<32xf32, #tpu.memory_space<vmem>>, vector<16xf32>,
    %swap3A_166 = vector.shape_cast %swap3A_165 : vector<16xf32> to vector<16xf32>
    %swap3A_167 = vector.shape_cast %scan3A_159#1 : vector<16xf32> to vector<16xf32>
    tpu.vector_store %arg12[%swap3A_164], %swap3A_167 {strides = array<i32>} : memref<32xf32, #tpu.memory_space<vmem>>, vector<16xf32>,
    "tpu.region"() ({
      %run_scoped3A = tpu.sem_alloc : memref<!tpu.dma_semaphore, #tpu.memory_space<semaphore_mem>>
      %dma_start3A_168 = arith.constant 0 : i32
      %dma_start3A_169 = tpu.memref_slice %arg5[%add3A, %dma_start3A_168] : memref<32x32xf32, #tpu.memory_space<hbm>> -> memref<1x32xf32, #tpu.memory_space<hbm>>
      %dma_start3A_170 = tpu.memref_squeeze %dma_start3A_169 : memref<1x32xf32, #tpu.memory_space<hbm>> -> memref<32xf32, #tpu.memory_space<hbm>>
      %dma_start3A_171 = arith.constant 0 : i32
      %dma_start3A_172 = tpu.memref_slice %arg5[%add3A, %dma_start3A_171] : memref<32x32xf32, #tpu.memory_space<hbm>> -> memref<1x32xf32, #tpu.memory_space<hbm>>
      %dma_start3A_173 = tpu.memref_squeeze %dma_start3A_172 : memref<1x32xf32, #tpu.memory_space<hbm>> -> memref<32xf32, #tpu.memory_space<hbm>>
      tpu.enqueue_dma source(%arg12 : memref<32xf32, #tpu.memory_space<vmem>>) target(%dma_start3A_173 : memref<32xf32, #tpu.memory_space<hbm>>) target_semaphore(%run_scoped3A : memref<!tpu.dma_semaphore, #tpu.memory_space<semaphore_mem>>)
      %dma_wait3A_174 = arith.constant 0 : i32
      %dma_wait3A_175 = tpu.memref_slice %arg5[%add3A, %dma_wait3A_174] : memref<32x32xf32, #tpu.memory_space<hbm>> -> memref<1x32xf32, #tpu.memory_space<hbm>>
      %dma_wait3A_176 = tpu.memref_squeeze %dma_wait3A_175 : memref<1x32xf32, #tpu.memory_space<hbm>> -> memref<32xf32, #tpu.memory_space<hbm>>
      %dma_wait3A_177 = arith.constant 0 : i32
      %dma_wait3A_178 = tpu.memref_slice %arg5[%add3A, %dma_wait3A_177] : memref<32x32xf32, #tpu.memory_space<hbm>> -> memref<1x32xf32, #tpu.memory_space<hbm>>
      %dma_wait3A_179 = tpu.memref_squeeze %dma_wait3A_178 : memref<1x32xf32, #tpu.memory_space<hbm>> -> memref<32xf32, #tpu.memory_space<hbm>>
      tpu.wait_dma2 semaphore(%run_scoped3A : memref<!tpu.dma_semaphore, #tpu.memory_space<semaphore_mem>>) src(%arg12 : memref<32xf32, #tpu.memory_space<vmem>>) dst(%dma_wait3A_179 : memref<32xf32, #tpu.memory_space<hbm>>)
      tpu.yield
    }) : () -> ()
    return
  }
}

module attributes {stable_mosaic.version = 14 : i64} {
  func.func @_tc_body(%arg0: i32, %arg1: memref<64x1536xi32, #tpu.memory_space<vmem>>, %arg2: memref<64x4x1536xf32, #tpu.memory_space<vmem>>, %arg3: memref<64x4x1536xf32, #tpu.memory_space<vmem>>, %arg4: memref<1x1xf32, #tpu.memory_space<smem>>, %arg5: memref<1x1xf32, #tpu.memory_space<smem>>, %arg6: memref<64x1536xf32, #tpu.memory_space<vmem>>, %arg7: memref<64x1536xf32, #tpu.memory_space<vmem>>) attributes {dimension_semantics = [#tpu.dimension_semantics<arbitrary>], iteration_bounds = array<i64: 7>, scalar_prefetch = 0 : i64, scratch_operands = 2 : i64, tpu.core_type = #tpu.core_type<tc>, window_params = [{transform_indices = @transform_0, window_bounds = array<i64: 64, 1536>}, {transform_indices = @transform_1, window_bounds = array<i64: 64, 4, 1536>}, {transform_indices = @transform_2, window_bounds = array<i64: 64, 4, 1536>}, {transform_indices = @transform_3, window_bounds = array<i64: 1, 1>}, {transform_indices = @transform_4, window_bounds = array<i64: 1, 1>}]} {
    %eq3A = arith.constant 0 : i32
    %eq3A_0 = arith.cmpi eq, %arg0, %eq3A : i32
    %convert_element_type3A = arith.extui %eq3A_0 : i1 to i32
    %cond3A = arith.constant 0 : i32
    %cond3A_1 = arith.cmpi ne, %convert_element_type3A, %cond3A : i32
    scf.if %cond3A_1 {
      %broadcast_in_dim3A_48 = arith.constant 0.000000e+00 : f32
      %broadcast_in_dim3A_49 = vector.broadcast %broadcast_in_dim3A_48 : f32 to vector<64x1536xf32>
      %swap3A_50 = arith.constant 0 : index
      %swap3A_51 = arith.constant 0 : index
      %swap3A_52 = vector.load %arg6[%swap3A_50, %swap3A_51] : memref<64x1536xf32, #tpu.memory_space<vmem>>, vector<64x1536xf32>
      tpu.vector_store %arg6[%swap3A_50, %swap3A_51], %broadcast_in_dim3A_49 {strides = array<i32>} : memref<64x1536xf32, #tpu.memory_space<vmem>>, vector<64x1536xf32>,
      %broadcast_in_dim3A_53 = arith.constant 0.000000e+00 : f32
      %broadcast_in_dim3A_54 = vector.broadcast %broadcast_in_dim3A_53 : f32 to vector<64x1536xf32>
      %swap3A_55 = arith.constant 0 : index
      %swap3A_56 = arith.constant 0 : index
      %swap3A_57 = vector.load %arg7[%swap3A_55, %swap3A_56] : memref<64x1536xf32, #tpu.memory_space<vmem>>, vector<64x1536xf32>
      tpu.vector_store %arg7[%swap3A_55, %swap3A_56], %broadcast_in_dim3A_54 {strides = array<i32>} : memref<64x1536xf32, #tpu.memory_space<vmem>>, vector<64x1536xf32>,
    } else {
    }
    %iota3A = tpu.iota {dimensions = array<i32: 1>} : vector<64x1536xi32>
    %add3A = arith.constant 7 : i32
    %add3A_2 = arith.addi %arg0, %add3A : i32
    %mul3A = arith.constant 1536 : i32
    %mul3A_3 = arith.muli %add3A_2, %mul3A : i32
    %add3A_4 = vector.broadcast %mul3A_3 : i32 to vector<64x1536xi32>
    %add3A_5 = arith.addi %add3A_4, %iota3A : vector<64x1536xi32>
    %lt3A = arith.constant 20000 : i32
    %lt3A_6 = vector.broadcast %lt3A : i32 to vector<64x1536xi32>
    %lt3A_7 = arith.cmpi slt, %add3A_5, %lt3A_6 : vector<64x1536xi32>
    %get3A = arith.constant 0 : index
    %get3A_8 = arith.constant 0 : index
    %get3A_9 = vector.load %arg1[%get3A, %get3A_8] : memref<64x1536xi32, #tpu.memory_space<vmem>>, vector<64x1536xi32>
    %ne3A = arith.constant 0 : i32
    %ne3A_10 = vector.broadcast %ne3A : i32 to vector<64x1536xi32>
    %ne3A_11 = arith.cmpi ne, %get3A_9, %ne3A_10 : vector<64x1536xi32>
    %and3A = arith.andi %lt3A_7, %ne3A_11 : vector<64x1536xi1>
    %jit3A = arith.constant 1.000000e+00 : f32
    %jit3A_12 = arith.constant 0.000000e+00 : f32
    %broadcast_in_dim3A = vector.broadcast %jit3A : f32 to vector<64x1536xf32>
    %broadcast_in_dim3A_13 = vector.broadcast %jit3A_12 : f32 to vector<64x1536xf32>
    %select_n3A = arith.select %and3A, %broadcast_in_dim3A, %broadcast_in_dim3A_13 : vector<64x1536xi1>, vector<64x1536xf32>
    %get3A_14 = arith.constant 0 : index
    %get3A_15 = arith.constant 0 : index
    %get3A_16 = arith.constant 0 : index
    %get3A_17 = vector.load %arg3[%get3A_14, %get3A_15, %get3A_16] : memref<64x4x1536xf32, #tpu.memory_space<vmem>>, vector<64x4x1536xf32>
    %get3A_18 = arith.constant 0 : index
    %get3A_19 = arith.constant 0 : index
    %get3A_20 = arith.constant 0 : index
    %get3A_21 = vector.load %arg2[%get3A_18, %get3A_19, %get3A_20] : memref<64x4x1536xf32, #tpu.memory_space<vmem>>, vector<64x4x1536xf32>
    %sub3A = arith.subf %get3A_17, %get3A_21 : vector<64x4x1536xf32>
    %mul3A_22 = arith.mulf %sub3A, %sub3A : vector<64x4x1536xf32>
    %reduce_sum3A = arith.constant dense<0.000000e+00> : vector<64x1536xf32>
    %reduce_sum3A_23 = vector.multi_reduction <add>, %mul3A_22, %reduce_sum3A [1] : vector<64x4x1536xf32> to vector<64x1536xf32>
    %get3A_24 = arith.constant 0 : index
    %get3A_25 = arith.constant 0 : index
    %get3A_26 = vector.load %arg6[%get3A_24, %get3A_25] : memref<64x1536xf32, #tpu.memory_space<vmem>>, vector<64x1536xf32>
    %ne3A_27 = arith.constant 0.000000e+00 : f32
    %ne3A_28 = vector.broadcast %ne3A_27 : f32 to vector<64x1536xf32>
    %ne3A_29 = arith.cmpf one, %select_n3A, %ne3A_28 : vector<64x1536xf32>
    %jit3A_30 = arith.constant 0.000000e+00 : f32
    %broadcast_in_dim3A_31 = vector.broadcast %jit3A_30 : f32 to vector<64x1536xf32>
    %select_n3A_32 = arith.select %ne3A_29, %reduce_sum3A_23, %broadcast_in_dim3A_31 : vector<64x1536xi1>, vector<64x1536xf32>
    %add3A_33 = arith.addf %get3A_26, %select_n3A_32 : vector<64x1536xf32>
    %swap3A = arith.constant 0 : index
    %swap3A_34 = arith.constant 0 : index
    %swap3A_35 = vector.load %arg6[%swap3A, %swap3A_34] : memref<64x1536xf32, #tpu.memory_space<vmem>>, vector<64x1536xf32>
    tpu.vector_store %arg6[%swap3A, %swap3A_34], %add3A_33 {strides = array<i32>} : memref<64x1536xf32, #tpu.memory_space<vmem>>, vector<64x1536xf32>,
    %get3A_36 = arith.constant 0 : index
    %get3A_37 = arith.constant 0 : index
    %get3A_38 = vector.load %arg7[%get3A_36, %get3A_37] : memref<64x1536xf32, #tpu.memory_space<vmem>>, vector<64x1536xf32>
    %add3A_39 = arith.addf %get3A_38, %select_n3A : vector<64x1536xf32>
    %swap3A_40 = arith.constant 0 : index
    %swap3A_41 = arith.constant 0 : index
    %swap3A_42 = vector.load %arg7[%swap3A_40, %swap3A_41] : memref<64x1536xf32, #tpu.memory_space<vmem>>, vector<64x1536xf32>
    tpu.vector_store %arg7[%swap3A_40, %swap3A_41], %add3A_39 {strides = array<i32>} : memref<64x1536xf32, #tpu.memory_space<vmem>>, vector<64x1536xf32>,
    %eq3A_43 = arith.constant 6 : i32
    %eq3A_44 = arith.cmpi eq, %arg0, %eq3A_43 : i32
    %convert_element_type3A_45 = arith.extui %eq3A_44 : i1 to i32
    %cond3A_46 = arith.constant 0 : i32
    %cond3A_47 = arith.cmpi ne, %convert_element_type3A_45, %cond3A_46 : i32
    scf.if %cond3A_47 {
      %get3A_48 = arith.constant 0 : index
      %get3A_49 = arith.constant 0 : index
      %get3A_50 = vector.load %arg6[%get3A_48, %get3A_49] : memref<64x1536xf32, #tpu.memory_space<vmem>>, vector<64x1536xf32>
      %reduce_sum3A_51 = vector.shape_cast %get3A_50 : vector<64x1536xf32> to vector<1x64x1536xf32>
      %reduce_sum3A_52 = arith.constant dense<0.000000e+00> : vector<1xf32>
      %reduce_sum3A_53 = vector.multi_reduction <add>, %reduce_sum3A_51, %reduce_sum3A_52 [1, 2] : vector<1x64x1536xf32> to vector<1xf32>
      %reduce_sum3A_54 = vector.shape_cast %reduce_sum3A_53 : vector<1xf32> to vector<1x1x1xf32>
      %reduce_sum3A_55 = vector.extract %reduce_sum3A_54[0, 0, 0] : f32 from vector<1x1x1xf32>
      %swap3A_56 = arith.constant 0 : index
      %swap3A_57 = arith.constant 0 : index
      %swap3A_58 = memref.load %arg4[%swap3A_56, %swap3A_57] : memref<1x1xf32, #tpu.memory_space<smem>>
      memref.store %reduce_sum3A_55, %arg4[%swap3A_56, %swap3A_57] : memref<1x1xf32, #tpu.memory_space<smem>>
      %get3A_59 = arith.constant 0 : index
      %get3A_60 = arith.constant 0 : index
      %get3A_61 = vector.load %arg7[%get3A_59, %get3A_60] : memref<64x1536xf32, #tpu.memory_space<vmem>>, vector<64x1536xf32>
      %reduce_sum3A_62 = vector.shape_cast %get3A_61 : vector<64x1536xf32> to vector<1x64x1536xf32>
      %reduce_sum3A_63 = arith.constant dense<0.000000e+00> : vector<1xf32>
      %reduce_sum3A_64 = vector.multi_reduction <add>, %reduce_sum3A_62, %reduce_sum3A_63 [1, 2] : vector<1x64x1536xf32> to vector<1xf32>
      %reduce_sum3A_65 = vector.shape_cast %reduce_sum3A_64 : vector<1xf32> to vector<1x1x1xf32>
      %reduce_sum3A_66 = vector.extract %reduce_sum3A_65[0, 0, 0] : f32 from vector<1x1x1xf32>
      %swap3A_67 = arith.constant 0 : index
      %swap3A_68 = arith.constant 0 : index
      %swap3A_69 = memref.load %arg5[%swap3A_67, %swap3A_68] : memref<1x1xf32, #tpu.memory_space<smem>>
      memref.store %reduce_sum3A_66, %arg5[%swap3A_67, %swap3A_68] : memref<1x1xf32, #tpu.memory_space<smem>>
    } else {
    }
    return
  }
  func.func @transform_0(%arg0: i32) -> (i32, i32) {
    %add3A = arith.constant 7 : i32
    %add3A_0 = arith.addi %arg0, %add3A : i32
    %c0_i32 = arith.constant 0 : i32
    %c0_i32_1 = arith.constant 0 : i32
    return %c0_i32, %add3A_0 : i32, i32
  }
  func.func @transform_1(%arg0: i32) -> (i32, i32, i32) {
    %add3A = arith.constant 7 : i32
    %add3A_0 = arith.addi %arg0, %add3A : i32
    %c0_i32 = arith.constant 0 : i32
    %c0_i32_1 = arith.constant 0 : i32
    %c0_i32_2 = arith.constant 0 : i32
    return %c0_i32, %c0_i32_1, %add3A_0 : i32, i32, i32
  }
  func.func @transform_2(%arg0: i32) -> (i32, i32, i32) {
    %add3A = arith.constant 7 : i32
    %add3A_0 = arith.addi %arg0, %add3A : i32
    %c0_i32 = arith.constant 0 : i32
    %c0_i32_1 = arith.constant 0 : i32
    %c0_i32_2 = arith.constant 0 : i32
    return %c0_i32, %c0_i32_1, %add3A_0 : i32, i32, i32
  }
  func.func @transform_3(%arg0: i32) -> (i32, i32) {
    %c0_i32 = arith.constant 0 : i32
    %c0_i32_0 = arith.constant 0 : i32
    %c0_i32_1 = arith.constant 0 : i32
    return %c0_i32, %c0_i32_0 : i32, i32
  }
  func.func @transform_4(%arg0: i32) -> (i32, i32) {
    %c0_i32 = arith.constant 0 : i32
    %c0_i32_0 = arith.constant 0 : i32
    %c0_i32_1 = arith.constant 0 : i32
    return %c0_i32, %c0_i32_0 : i32, i32
  }
}

</mosaic_0001>

<sc_bundles>
// kernel: _bbox_mse.4.cloned.1.call-start
scs
__scs_entry_jumppad:
0x0: {  	(pc) =	sbr.rel $0x88, $3  }
0x1: {  	(tag) =	ssettag $0x0;
	lr =	simm.s32 $0x1  }
0x2: {  	[smem:$0x3F9E] =	sst lr;
	_ =	strace $0xD0000000  }
0x3: {  	_ = 	snop  }
0x4: {  	_ = 	snop  }
0x5: {  	_ = 	snop  }
0x6: {  	_ = 	snop  }
0x7: {  	_ = 	snop  }
__scs_overlays_trampoline_lowered:
0x8: {  	[smem:$0x3FAD] =	sst s0  }
0x9: {  	[smem:$0x3FAE] =	sst s1  }
0xa: {  	[smem:$0x3FAF] =	sst s2  }
0xb: {  	[smem:$0x3FB0] =	sst s3  }
0xc: {  	[smem:$0x3FB1] =	sst s4  }
0xd: {  	[smem:$0x3FB2] =	sst s5  }
0xe: {  	[smem:$0x3FB3] =	sst s6  }
0xf: {  	[smem:$0x3FB4] =	sst s7  }
0x10: {  	[smem:$0x3FB5] =	sst s8  }
0x11: {  	[smem:$0x3FB6] =	sst s9;
	s0 =	simm.s32 @!p0 $0x0  }
0x12: {  	s1 =	sld [smem:$0x3F9C];
	s0 =	simm.s32 @p0 $0x1  }
0x13: {  	[smem:$0x3FB7] =	sst s0;
	s0 =	simm.s32 @!p1 $0x0  }
0x14: {  	s2 =	sld [smem:$0x3F9B];
	s0 =	simm.s32 @p1 $0x1  }
0x15: {  	[smem:$0x3FB8] =	sst s0;
	s0 =	simm.s32 @!p2 $0x0  }
0x16: {  	s3 =	sld [smem:$0x3FDB];
	s0 =	simm.s32 @p2 $0x1  }
0x17: {  	s4 =	simm.s32 $0x1BF5;
	[smem:$0x3FBA] =	sst s0  }
0x18: {  	s0 =	sld [smem:$0x3F9D];
	_ =	swait.ge [sflag:s4], $0x0  }
0x19: {  	s7 =	sld [smem:$0x3F9E]  }
0x1a: {  	s8 =	sadd.s32 $0xFFFFE003, lr  }
0x1b: {  	s9 =	sadd.s32 $0xFFFFFEF7, lr;
	s5 =	simm.s32 $0xFFFFFFFF;
	p2 =	slt.u32 s8, $0xFFFFF086  }
0x1c: {  	p1 =	slt.u32 s9, $0xF7A;
	s5 =	simm.s32 @!p2 $0x0  }
0x1d: {  	s5 =	simm.s32 @p1 $0x1;
	p0 =	seq.s32 s7, s2  }
0x1e: {  	s7 =	smul.u32 @!p0 $0xF7A, s2;
	p2 =	seq.s32 @!p0 s5, $0x0  }
0x1f: {  	s9 =	smul.u32 $0xF7A, s1;
	s8 =	simm.s32 @!p0 $0x1BF5;
	p2 =	por !p2, p0  }
0x20: {  	[sflag:s8] =	ssyncset.s32 @!p0 $0xFFFFF086;
	s6 =	sadd.s32 @!p0 s3, s7;
	s7 =	simm.s32 @!p0 $0x108  }
0x21: {  	s3 =	sadd.s32 s3, s9;
	s6 =	sadd.s32 @!p0 $0x88, s6;
	s7 =	simm.s32 @p2 $0x1082  }
0x22: {  	[simem:s7], [sflag:s8] =	dma.local @!p0 [hbm:s6], $0xF7A  }
0x23: {  	s9 =	sor.u32 $0xD0000000, s2;
	s6 =	simm.s32 $0x108;
	_ =	swait.ge @!p0 [sflag:s8], $0x0  }
0x24: {  	s3 =	sadd.s32 $0x88, s3;
	s6 =	simm.s32 @!p1 $0x1082;
	[sflag:s4] =	ssyncset.s32 $0xFFFFF086  }
0x25: {  	[simem:s6], [sflag:s4] =	dma.local [hbm:s3], $0xF7A  }
0x26: {  	[smem:$0x3F9E] =	sst s1;
	(tag) =	ssettag s2;
	_ =	strace s9  }
0x27: {  	s1 =	sld [smem:$0x3FAE]  }
0x28: {  	s2 =	sld [smem:$0x3FAF]  }
0x29: {  	s4 =	sld [smem:$0x3FB1]  }
0x2a: {  	p0 =	seq.s32 s5, $0x0;
	s5 =	sld [smem:$0x3FB2]  }
0x2b: {  	s6 =	sld [smem:$0x3FB3]  }
0x2c: {  	s7 =	sld [smem:$0x3FB4]  }
0x2d: {  	s3 =	simm.s32 $0x108;
	s8 =	sld [smem:$0x3FB5]  }
0x2e: {  	s3 =	simm.s32 @!p0 $0x1082;
	s9 =	sld [smem:$0x3FB6]  }
0x2f: {  	lr =	sadd.s32 s0, s3;
	s0 =	sld [smem:$0x3FAD]  }
0x30: {  	s3 =	sld [smem:$0x3FB0]  }
0x31: {  	[smem:$0x3FB9] =	sst s10  }
0x32: {  	s10 =	sld [smem:$0x3FB7];
	_ =	sdelay $0x3  }
0x33: {  	p0 =	seq.s32 s10, $0x1;
	s10 =	sld [smem:$0x3FB9];
	_ =	sdelay $0x3  }
0x34: {  	[smem:$0x3FB9] =	sst s10  }
0x35: {  	s10 =	sld [smem:$0x3FB8];
	_ =	sdelay $0x3  }
0x36: {  	p1 =	seq.s32 s10, $0x1;
	s10 =	sld [smem:$0x3FB9];
	_ =	sdelay $0x3  }
0x37: {  	[smem:$0x3FB9] =	sst s10  }
0x38: {  	s10 =	sld [smem:$0x3FBA]  }
0x39: {  	_ = 	snop;
	(pc) =	sbr.ind lr, $3  }
0x3a: {  	_ = 	snop  }
0x3b: {  	_ = 	snop  }
0x3c: {  	p2 =	seq.s32 s10, $0x1;
	s10 =	sld [smem:$0x3FB9]  }
0x3d: {  	_ =	shalt  }
0x3e: {  	_ =	shalt  }
0x3f: {  	_ =	shalt  }
0x40: {  	_ =	shalt  }
0x41: {  	_ =	shalt  }
0x42: {  	_ =	shalt  }
0x43: {  	_ =	shalt  }
0x44: {  	_ =	shalt  }
0x45: {  	_ =	shalt  }
0x46: {  	_ =	shalt  }
0x47: {  	_ =	shalt  }
0x48: {  	_ =	shalt  }
0x49: {  	_ =	shalt  }
0x4a: {  	_ =	shalt  }
0x4b: {  	_ =	shalt  }
0x4c: {  	_ =	shalt  }
0x4d: {  	_ =	shalt  }
0x4e: {  	_ =	shalt  }
0x4f: {  	_ =	shalt  }
0x50: {  	_ =	shalt  }
0x51: {  	_ =	shalt  }
0x52: {  	_ =	shalt  }
0x53: {  	_ =	shalt  }
0x54: {  	_ =	shalt  }
0x55: {  	_ =	shalt  }
0x56: {  	_ =	shalt  }
0x57: {  	_ =	shalt  }
0x58: {  	_ =	shalt  }
0x59: {  	_ =	shalt  }
0x5a: {  	_ =	shalt  }
0x5b: {  	_ =	shalt  }
0x5c: {  	_ =	shalt  }
0x5d: {  	_ =	shalt  }
0x5e: {  	_ =	shalt  }
0x5f: {  	_ =	shalt  }
0x60: {  	_ =	shalt  }
0x61: {  	_ =	shalt  }
0x62: {  	_ =	shalt  }
0x63: {  	_ =	shalt  }
0x64: {  	_ =	shalt  }
0x65: {  	_ =	shalt  }
0x66: {  	_ =	shalt  }
0x67: {  	_ =	shalt  }
0x68: {  	_ =	shalt  }
0x69: {  	_ =	shalt  }
0x6a: {  	_ =	shalt  }
0x6b: {  	_ =	shalt  }
0x6c: {  	_ =	shalt  }
0x6d: {  	_ =	shalt  }
0x6e: {  	_ =	shalt  }
0x6f: {  	_ =	shalt  }
0x70: {  	_ =	shalt  }
0x71: {  	_ =	shalt  }
0x72: {  	_ =	shalt  }
0x73: {  	_ =	shalt  }
0x74: {  	_ =	shalt  }
0x75: {  	_ =	shalt  }
0x76: {  	_ =	shalt  }
0x77: {  	_ =	shalt  }
0x78: {  	_ =	shalt  }
0x79: {  	_ =	shalt  }
0x7a: {  	_ =	shalt  }
0x7b: {  	_ =	shalt  }
0x7c: {  	_ =	shalt  }
0x7d: {  	_ =	shalt  }
0x7e: {  	_ =	shalt  }
0x7f: {  	_ =	shalt  }
0x80: {  	_ =	shalt  }
0x81: {  	_ =	shalt  }
0x82: {  	_ =	shalt  }
0x83: {  	_ =	shalt  }
0x84: {  	_ =	shalt  }
0x85: {  	_ =	shalt  }
0x86: {  	_ =	shalt  }
0x87: {  	_ =	shalt  }
.Lfunc_end0:
.L_simem_size_0:
called_computation_lowered:
.L_overlay_start_0:
0x88: {  	s2 =	sld [smem:$0x3FD9]  }
0x89: {  	s3 =	sld [smem:$0x3FFE];
	_ =	sdelay $0x1  }
0x8a: {  	s1 =	srdreg.scid  }
0x8b: {  	s0 =	sand.u32 $0x1, s1  }
0x8c: {  	s17 =	sshll.u32 s0, $0xA;
	s2 =	sadd.s32 s3, s2  }
0x8d: {  	s2 =	sadd.s32 s2, s17  }
0x8e: {  	[smem:$0x3FC5] =	sst s2  }
0x8f: {  	_ = 	snop  }
0x90: {  	s2 =	sld [smem:$0x3FC9]  }
0x91: {  	s18 =	sld [smem:$0x3FC8]  }
0x92: {  	s4 =	sld [smem:$0x3FC7];
	(tm) =	ssettm $0x1  }
0x93: {  	s5 =	sld [smem:$0x3FFB];
	_ =	sdelay $0x3  }
0x94: {  	_ =	strace s5  }
0x95: {  	s5 =	sld [smem:$0x3FFC];
	_ =	sdelay $0x3  }
0x96: {  	_ =	strace s5  }
0x97: {  	s5 =	sld [smem:$0x3FFD];
	_ =	sdelay $0x3  }
0x98: {  	_ =	strace s5  }
0x99: {  	_ =	strace $0x8FFFFFFF  }
0x9a: {  	s19 =	sld [smem:$0x3FDB];
	_ =	sdelay $0x1  }
0x9b: {  	s6 =	simm.s32 $_scs_section_size  }
0x9c: {  	s7 =	simm.s32 $_size__tile_overlayer_lowered;
	s8 =	simm.s32 $_tile_overlayer_lowered  }
0x9d: {  	s22 =	simm.s32 $0x1BFF;
	s21 =	sshll.u32 s8, $0x1;
	s5 =	sadd.s32 s6, s19  }
0x9e: {  	s9 =	simm.s32 $0x0;
	s20 =	sshll.u32 s7, $0x1;
	s7 =	sadd.s32 s21, s5  }
0x9f: {  	[timem:s9], [sflag:s22] =	dma.local [hbm:s7], s20  }
0xa0: {  	_ =	swait.ge [sflag:s22], s20  }
0xa1: {  	s6 =	ssub.s32 $0x0, s20;
	[sflag:s22] =	ssyncset.done $0x0  }
0xa2: {  	[sflag:s22] =	ssyncadd.s32 s6;
	_ =	sdelay $0x1  }
0xa3: {  	s23 =	simm.s32 $0x1B8B  }
0xa4: {  	_ =	swait.ge [sflag:s23], $0x1  }
0xa5: {  	[sflag:s23] =	ssyncset.done $0x0  }
0xa6: {  	s25 =	simm.s32 $0x1B8E;
	s24 =	sld [smem:$0x3FFE];
	[sflag:s23] =	ssyncadd.s32 $0xFFFFFFFF  }
0xa7: {  	s26 =	simm.s32 $execute0_lowered;
	[smem:$0x3FD2] =	sst s25  }
0xa8: {  	s7 =	sshll.u32 s26, $0x1;
	_ =	strace $0x80000046;
	[dreg:$0x1] =	wrdreg $0xFFFFFFFF  }
0xa9: {  	s28 =	simm.s32 $_size_execute0_lowered;
	s5 =	sadd.s32 s5, s7;
	[dreg:$0x0] =	wrdreg $0x0  }
0xaa: {  	s7 =	sshll.u32 s28, $0x1;
	[dreg:$0x2] =	wrdreg s5  }
0xab: {  	[dreg:$0x3] =	wrdreg s7  }
0xac: {  	[dreg:$0x4] =	wrdreg $0xC0  }
0xad: {  	_ =	task [dreg:s9], $0x5FFFF  }
0xae: {  	[dreg:$0x1] =	wrdreg $0xFFFFFFFF  }
0xaf: {  	[dreg:$0x0] =	wrdreg $0x60  }
0xb0: {  	[dreg:$0x2] =	wrdreg s2  }
0xb1: {  	[dreg:$0x3] =	wrdreg s18  }
0xb2: {  	[dreg:$0x4] =	wrdreg s4  }
0xb3: {  	[dreg:$0x5] =	wrdreg s24  }
0xb4: {  	[dreg:$0x6] =	wrdreg $0x9  }
0xb5: {  	_ =	task.clear_ibuf [dreg:s9], $0x7FFFF;
	_ =	strace $0x90000046  }
0xb6: {  	s29 =	simm.s32 $0x9;
	_ =	strace $0x80000048  }
0xb7: {  	_ =	swait.ge [sflag:s29], $0x1  }
0xb8: {  	[sflag:s29] =	ssyncadd.s32 $0xFFFFFFFF  }
0xb9: {  	_ =	strace $0x90000048  }
0xba: {  	_ =	sfence  }
0xbb: {  	s30 =	sld [smem:$0x0];
	_ =	sdelay $0x2  }
0xbc: {  	s31 =	sshll.u32 s1, $0xD;
	s1 =	sshrl.u32 s1, $0x2  }
0xbd: {  	s3 =	sand.u32 $0x4000, s31;
	s1 =	sadd.s32 s1, s30  }
0xbe: {  	s0 =	sor.u32 s3, s0;
	s1 =	sshll.u32 s1, $0x11  }
0xbf: {  	s0 =	sor.u32 s1, s0  }
0xc0: {  	s0 =	sadd.s32 $0x8F2B, s0  }
0xc1: {  	[sflag:s0] =	ssyncadd.remote.s32 $0x1  }
0xc2: {  	_ =	sfence.sel $0xFFFF  }
0xc3: {  	[dreg:$0x0] =	wrdreg $0xFFFFFFFF;
	(pc) =	sbr.abs _section_cstart, $3  }
0xc4: {  	[dreg:$0x1] =	wrdreg $0xFFFFFFFF  }
0xc5: {  	_ =	task.clear_ibuf [dreg:s9], $0x2FFFF;
	_ =	strace $0x9FFFFFFF  }
0xc6: {  	(tm) =	ssettm $0x7FFFFFFF  }
0xc7: {  	_ =	shalt  }
tec
execute0_lowered:
.L_overlay_start_1:
0x0: {  	(tag) =	ssettag $0x1  }
0x1: {  	s0 =	rddreg [dreg:$0x0]  }
0x2: {  	s10 =	rddreg [dreg:$0x1]  }
0x3: {  	s1 =	srdreg.scid;
	s11 =	rddreg [dreg:$0x2]  }
0x4: {  	s3 =	stileid.u32;
	s13 =	rddreg [dreg:$0x3];
	s16 =	simm.s32 $0x3800  }
0x5: {  	s17 =	simm.s32 $0x11800;
	s18 =	simm.s32 $0x1;
	s19 =	simm.s32 $0x3  }
0x6: {  	s20 =	simm.s32 $0x5;
	s28 =	simm.s32 $0x1F800;
	s29 =	simm.s32 $0x7  }
0x7: {  	s1 =	sand.u32 $0x1, s1;
	s2 =	sshll.u32 s3, $0x1;
	s3 =	sshrl.u32 s3, $0x1  }
0x8: {  	s30 =	simm.s32 $0x0;
	s12 =	sor.u32 s1, s2;
	s6 =	smul.u32 $0x27400, s3  }
0x9: {  	s2 =	simm.s32 $0x0;
	s8 =	smul.u32 $0x9D000, s3;
	s4 =	sand.u32 $0x3, s12  }
0xa: {  	s1 =	ssub.s32 $0x2, s1;
	[smem:$0x7FF] =	sst s2;
	s5 =	smul.u32 $0x5400, s4  }
0xb: {  	s7 =	sshrl.u32 s1, $0x1;
	s31 =	sshll.u32 s12, $0x4;
	s22 =	smul.u32 $0x2A00, s4  }
0xc: {  	_ =	strace $0x80000047;
	s9 =	smul.u32 $0xA80, s4;
	s1 =	ssub.s32 s1, s7  }
0xd: {  	s12 =	sadd.s32 s13, s31;
	s13 =	smax.u32 s1, $0x1;
	s23 =	sadd.s32 s6, s5  }
0xe: {  	s24 =	sadd.s32 s8, s22;
	s25 =	sadd.s32 $0x380, s9;
	s6 =	sshrl.u32 s6, $0x3  }
0xf: {  	s9 =	sadd.s32 $0x700, s9;
	s4 =	sshrl.u32 s23, $0x3;
	s5 =	sshrl.u32 s24, $0x3  }
0x10: {  	s14 =	sshll.u32 s25, $0x2;
	s15 =	sshll.u32 s9, $0x2;
	s24 =	simm.s32 $0x2  }
0x11: {  	s3 =	sadd.s32 s0, s4;
	s4 =	sadd.s32 s10, s5;
	s5 =	sadd.s32 s11, s5  }
0x12: {  	s14 =	sadd.s32 s8, s14;
	s0 =	sadd.s32 s0, s6;
	s15 =	sadd.s32 s8, s15  }
0x13: {  	s14 =	sshrl.u32 s14, $0x3;
	s6 =	sadd.s32 s25, s0;
	s9 =	sadd.s32 s9, s0  }
0x14: {  	s26 =	sshrl.u32 s15, $0x3;
	s15 =	simm.s32 $0x13A00;
	s25 =	simm.s32 $0x4  }
0x15: {  	s7 =	sadd.s32 s10, s14;
	s8 =	sadd.s32 s11, s14;
	s10 =	sadd.s32 s10, s26  }
0x16: {  	s11 =	sadd.s32 s11, s26;
	s14 =	simm.s32 $0xE00;
	s26 =	simm.s32 $0x6  }
.LBB2_1:
0x17: {  	[tilespmem:s2], [sflag:$0x1] =	stream.linear.gather [hbm4b:s3+s2], $0x1C00, $0x38;
	[tilespmem:$0x1F880] =	vst v63  }
0x18: {  	_ = 	snop  }
0x19: {  	[tilespmem:s16], [sflag:$0x3] =	stream.strided.gather [hbm4b:s4+s14], $0x7000, s15, s14, $0x38;
	[tilespmem:$0x1F880] =	vst v63  }
0x1a: {  	_ = 	snop  }
0x1b: {  	[tilespmem:s17], [sflag:$0x5] =	stream.strided.gather [hbm4b:s5+s14], $0x7000, s15, s14, $0x38;
	[tilespmem:$0x1F880] =	vst v63  }
0x1c: {  	_ =	swait.ge [sflag:s18], $0x1C00  }
0x1d: {  	[sflag:s18] =	ssyncset.done $0x0  }
0x1e: {  	[sflag:s18] =	ssyncadd.s32 $0xFFFFE400  }
0x1f: {  	_ =	swait.ge [sflag:s19], $0x7000  }
0x20: {  	[sflag:s19] =	ssyncset.done $0x0  }
0x21: {  	[sflag:s19] =	ssyncadd.s32 $0xFFFF9000  }
0x22: {  	_ =	swait.ge [sflag:s20], $0x7000  }
0x23: {  	[sflag:s20] =	ssyncset.done $0x0  }
0x24: {  	s0 =	simm.s32 $0x1C00;
	[sflag:s20] =	ssyncadd.s32 $0xFFFF9000  }
0x25: {  	[tilespmem:s0], [sflag:$0x2] =	stream.linear.gather [hbm4b:s6+s2], $0x1C00, $0x38;
	[tilespmem:$0x1F880] =	vst v63  }
0x26: {  	s1 =	simm.s32 $0xA800  }
0x27: {  	[tilespmem:s1], [sflag:$0x4] =	stream.strided.gather [hbm4b:s7+s14], $0x7000, s15, s14, $0x38;
	[tilespmem:$0x1F880] =	vst v63  }
0x28: {  	s21 =	simm.s32 $0x18800;
	s22 =	simm.s32 $0x0  }
0x29: {  	[tilespmem:s21], [sflag:$0x6] =	stream.strided.gather [hbm4b:s8+s14], $0x7000, s15, s14, $0x38;
	[tilespmem:$0x1F880] =	vst v63  }
0x2a: {  	s0 =	sand.u32 $0x3FFFFC00, s22;
	s21 =	sand.u32 $0x70, s2  }
0x2b: {  	s1 =	sor.u32 s21, s0  }
0x2c: {  	v62 =	vld [tilespmem:s1+$0x300]  }
0x2d: {  	v0 =	vld [tilespmem:s1+$0x280]  }
0x2e: {  	v63 =	vld [tilespmem:s1+$0x200]  }
0x2f: {  	v32 =	vld [tilespmem:s1+$0x180]  }
0x30: {  	s23 =	simm.s32 $0x0;
	v33 =	vld [tilespmem:s1+$0x100]  }
0x31: {  	s0 =	sand.u32 $0xFFFFFE00, s23;
	v36 =	vld [tilespmem:s1+$0x80]  }
0x32: {  	s0 =	sor.u32 s21, s0;
	v9 =	vld [tilespmem:s1+$0x0]  }
0x33: {  	v1 =	vld [tilespmem:s0+$0x17B80]  }
0x34: {  	v2 =	vld [tilespmem:s0+$0x9B80]  }
0x35: {  	v3 =	vld [tilespmem:s0+$0x16D80]  }
0x36: {  	v4 =	vld [tilespmem:s0+$0x8D80]  }
0x37: {  	v6 =	vld [tilespmem:s0+$0x17B00]  }
0x38: {  	v7 =	vld [tilespmem:s0+$0x9B00]  }
0x39: {  	v8 =	vld [tilespmem:s0+$0x15F80]  }
0x3a: {  	v11 =	vld [tilespmem:s0+$0x7F80]  }
0x3b: {  	v14 =	vld [tilespmem:s0+$0x16D00]  }
0x3c: {  	v16 =	vld [tilespmem:s0+$0x8D00]  }
0x3d: {  	v17 =	vld [tilespmem:s0+$0x17A00]  }
0x3e: {  	v19 =	vld [tilespmem:s0+$0x9A00]  }
0x3f: {  	v29 =	vld [tilespmem:s0+$0x17A80]  }
0x40: {  	v21 =	vld [tilespmem:s0+$0x9A80]  }
0x41: {  	v35 =	vld [tilespmem:s0+$0x15180]  }
0x42: {  	v57 =	vld [tilespmem:s0+$0x7180]  }
0x43: {  	v25 =	vld [tilespmem:s0+$0x15F00]  }
0x44: {  	v55 =	vld [tilespmem:s0+$0x7F00]  }
0x45: {  	v27 =	vld [tilespmem:s0+$0x16C00]  }
0x46: {  	v60 =	vld [tilespmem:s0+$0x8C00]  }
0x47: {  	v30 =	vld [tilespmem:s0+$0x16C80]  }
0x48: {  	v37 =	vld [tilespmem:s0+$0x6380]  }
0x49: {  	v38 =	vld [tilespmem:s0+$0x15100]  }
0x4a: {  	v39 =	vld [tilespmem:s0+$0x7100]  }
0x4b: {  	v40 =	vld [tilespmem:s0+$0x15E00]  }
0x4c: {  	v42 =	vld [tilespmem:s0+$0x7E00]  }
0x4d: {  	v43 =	vld [tilespmem:s0+$0x15E80]  }
0x4e: {  	v44 =	vld [tilespmem:s0+$0x7E80]  }
0x4f: {  	v45 =	vld [tilespmem:s0+$0x13580]  }
0x50: {  	v46 =	vld [tilespmem:s0+$0x5580]  }
0x51: {  	v47 =	vld [tilespmem:s0+$0x14300]  }
0x52: {  	v48 =	vld [tilespmem:s0+$0x6300]  }
0x53: {  	v49 =	vld [tilespmem:s0+$0x15000]  }
0x54: {  	v50 =	vld [tilespmem:s0+$0x7000]  }
0x55: {  	v51 =	vld [tilespmem:s0+$0x15080]  }
0x56: {  	v52 =	vld [tilespmem:s0+$0x7080]  }
0x57: {  	v53 =	vld [tilespmem:s0+$0x12780]  }
0x58: {  	v54 =	vld [tilespmem:s0+$0x4780]  }
0x59: {  	v56 =	vld [tilespmem:s0+$0x13500]  }
0x5a: {  	v59 =	vld [tilespmem:s0+$0x5500]  }
0x5b: {  	v18 =	vld [tilespmem:s0+$0x14200]  }
0x5c: {  	v15 =	vld [tilespmem:s0+$0x6200]  }
0x5d: {  	v22 =	vld [tilespmem:s0+$0x14280]  }
0x5e: {  	v20 =	vld [tilespmem:s0+$0x6280]  }
0x5f: {  	v5 =	vld [tilespmem:s0+$0x11980]  }
0x60: {  	v23 =	vld [tilespmem:s0+$0x3980]  }
0x61: {  	v26 =	vld [tilespmem:s0+$0x12700]  }
0x62: {  	v28 =	vld [tilespmem:s0+$0x4700]  }
0x63: {  	v24 =	vld [tilespmem:s0+$0x13400]  }
0x64: {  	v13 =	vld [tilespmem:s0+$0x5400]  }
0x65: {  	[tilespmem:$0x1FFD0] =	vst v32;
	v32 =	vld [tilespmem:s0+$0x8C80]  }
0x66: {  	[tilespmem:$0x1FFE0] =	vst v33;
	v33 =	vld [tilespmem:s0+$0x14380]  }
0x67: {  	vm0 =	veq.s32 v62, $0x0;
	v62 =	vld [tilespmem:s0+$0x11800]  }
0x68: {  	vm2 =	veq.s32 v63, $0x0;
	v63 =	vld [tilespmem:s0+$0x3800];
	v10 =	vsub.f32 v3, v4;
	v34 =	vsub.f32 v1, v2  }
0x69: {  	v58 =	vsub.f32 v14, v16;
	v14 =	vsub.f32 v35, v57;
	v57 =	vld [tilespmem:s0+$0x11900]  }
0x6a: {  	v12 =	vsub.f32 v8, v11;
	v61 =	vsub.f32 v25, v55;
	v55 =	vld [tilespmem:s0+$0x12600]  }
0x6b: {  	v35 =	vsub.f32 v29, v21;
	v29 =	vsub.f32 v27, v60;
	v60 =	vld [tilespmem:s0+$0x12680]  }
0x6c: {  	[tilespmem:$0x1FFC0] =	vst v0;
	v41 =	vsub.f32 v6, v7;
	v31 =	vsub.f32 v17, v19;
	v6 =	vld [tilespmem:s0+$0x4680]  }
0x6d: {  	v8 =	vsub.f32 v38, v39;
	v21 =	vsub.f32 v49, v50;
	v50 =	vld [tilespmem:$0x1FFC0]  }
0x6e: {  	v19 =	vsub.f32 v45, v46;
	v16 =	vsub.f32 v53, v54;
	v53 =	vld [tilespmem:$0x1FFD0]  }
0x6f: {  	v39 =	vimm.f32 $0.0e+00;
	v27 =	vsub.f32 v43, v44;
	v18 =	vsub.f32 v18, v15;
	v15 =	vld [tilespmem:s0+$0x11880]  }
0x70: {  	v11 =	vsub.f32 v47, v48;
	v25 =	vsub.f32 v51, v52;
	v54 =	vld [tilespmem:$0x1FFE0];
	[tilespmem:$0x1FFB0] =	vst v39  }
0x71: {  	v51 =	vsub.f32 v5, v23;
	v20 =	vsub.f32 v22, v20;
	v22 =	vld [tilespmem:s0+$0x3880];
	[tilespmem:$0x1FF70] =	vst v34  }
0x72: {  	v28 =	vsub.f32 v26, v28;
	v34 =	vld [tilespmem:s0+$0x13480];
	[tilespmem:$0x1FF80] =	vst v41;
	v17 =	vsub.f32 v33, v37  }
0x73: {  	vm5 =	veq.s32 v36, $0x0;
	[tilespmem:$0x1FF90] =	vst v58;
	v41 =	vld [tilespmem:s0+$0x5480];
	v30 =	vsub.f32 v30, v32;
	v32 =	vsub.f32 v40, v42  }
0x74: {  	[tilespmem:$0x1FFA0] =	vst v61;
	v58 =	vld [tilespmem:s0+$0x3900];
	v33 =	vsub.f32 v56, v59;
	v59 =	vsub.f32 v24, v13;
	v56 =	vimm.f32 $0.0e+00  }
0x75: {  	s31 =	simm.s32 $0x1;
	v61 =	vld [tilespmem:s0+$0x4600];
	s0 =	simm.s32 $0x0;
	vm1 =	veq.s32 v50, $0x0;
	vm3 =	veq.s32 v53, $0x0;
	vm4 =	veq.s32 v54, $0x0;
	[tilespmem:$0x1FFF0] =	vst v56  }
.LBB2_2:
0x76: {  	v1 =	vld [tilespmem:$0x1FFB0]  }
0x77: {  	v52 =	vld [tilespmem:$0x1FFA0]  }
0x78: {  	v53 =	vld [tilespmem:$0x1FF90]  }
0x79: {  	s21 =	sshll.u32 s31, $0x7;
	s0 =	sadd.s32 $0x10, s0;
	v54 =	vld [tilespmem:$0x1FF80]  }
0x7a: {  	v56 =	vld [tilespmem:$0x1FF70];
	s22 =	sand.u32 $0x70, s0;
	s21 =	sand.u32 $0x3FFFFC00, s21  }
0x7b: {  	s23 =	sshll.u32 s31, $0x6;
	vm6 =	veq.s32 v9, $0x0;
	v9 =	vld [tilespmem:s1+$0x380];
	s1 =	sor.u32 s22, s21  }
0x7c: {  	s23 =	sand.u32 $0xFFFFFE00, s23;
	v37 =	vsub.f32 v60, v6;
	v6 =	vld [tilespmem:s1+$0x300]  }
0x7d: {  	v38 =	vsub.f32 v62, v63;
	s21 =	sor.u32 s22, s23;
	v62 =	vld [tilespmem:s1+$0x280]  }
0x7e: {  	v24 =	vsub.f32 v34, v41;
	v34 =	vmul.f32 v12, v12;
	v12 =	vld [tilespmem:s21+$0x17B80]  }
0x7f: {  	v39 =	vmul.f32 v14, v14;
	v14 =	vld [tilespmem:s21+$0x9B80]  }
0x80: {  	v22 =	vsub.f32 v15, v22;
	v15 =	vld [tilespmem:s1+$0x200]  }
0x81: {  	v36 =	vmul.f32 v10, v10;
	v10 =	vld [tilespmem:s21+$0x16D80]  }
0x82: {  	v40 =	vmul.f32 v17, v17;
	v17 =	vld [tilespmem:s21+$0x8D80]  }
0x83: {  	v42 =	vmul.f32 v19, v19;
	v19 =	vld [tilespmem:s21+$0x17B00]  }
0x84: {  	v44 =	vmul.f32 v21, v21;
	v21 =	vld [tilespmem:s21+$0x9B00]  }
0x85: {  	v26 =	vsub.f32 v55, v61;
	v55 =	vld [tilespmem:s21+$0x15F80]  }
0x86: {  	v48 =	vmul.f32 v18, v18;
	v20 =	vmul.f32 v20, v20;
	v23 =	vsub.f32 v57, v58;
	v57 =	vld [tilespmem:s21+$0x7F80]  }
0x87: {  	v58 =	vld [tilespmem:s21+$0x16D00]  }
0x88: {  	v29 =	vmul.f32 v29, v29;
	v20 =	vadd.f32 v20, v48;
	v48 =	vmul.f32 v8, v8;
	v8 =	vld [tilespmem:s21+$0x17A80]  }
0x89: {  	v32 =	vmul.f32 v32, v32;
	v27 =	vmul.f32 v27, v27;
	v60 =	vld [tilespmem:s21+$0x9A80]  }
0x8a: {  	v30 =	vmul.f32 v30, v30;
	v7 =	vmul.f32 v52, v52;
	v52 =	vld [tilespmem:s21+$0x15000]  }
0x8b: {  	v27 =	vadd.f32 v27, v32;
	v4 =	vmul.f32 v53, v53;
	v53 =	vld [tilespmem:s21+$0x7000]  }
0x8c: {  	v29 =	vadd.f32 v30, v29;
	v13 =	vld [tilespmem:s21+$0x5500]  }
0x8d: {  	v18 =	vmul.f32 v38, v38;
	v22 =	vmul.f32 v22, v22;
	v7 =	vadd.f32 v7, v27;
	v27 =	vld [tilespmem:s21+$0x7180]  }
0x8e: {  	v50 =	vmul.f32 v59, v59;
	v24 =	vmul.f32 v24, v24;
	v4 =	vadd.f32 v4, v29;
	v29 =	vld [tilespmem:s21+$0x7F00]  }
0x8f: {  	v2 =	vadd.f32 v22, v18;
	v18 =	vld [tilespmem:s1+$0x180]  }
0x90: {  	v3 =	vadd.f32 v24, v50;
	v50 =	vld [tilespmem:$0x1FFF0]  }
0x91: {  	v26 =	vmul.f32 v26, v26;
	v37 =	vmul.f32 v37, v37;
	v22 =	vld [tilespmem:s21+$0x11980]  }
0x92: {  	v35 =	vmul.f32 v35, v35;
	v24 =	vld [tilespmem:s21+$0x4700]  }
0x93: {  	v28 =	vmul.f32 v28, v28;
	v26 =	vadd.f32 v37, v26;
	v4 =	vadd.f32 v36, v4;
	v36 =	vld [tilespmem:s21+$0x8C80]  }
0x94: {  	v31 =	vmul.f32 v31, v31;
	v33 =	vmul.f32 v33, v33;
	v7 =	vadd.f32 v34, v7;
	v34 =	vld [tilespmem:s21+$0x13480]  }
0x95: {  	v23 =	vmul.f32 v23, v23;
	v26 =	vadd.f32 v28, v26;
	v28 =	vmul.f32 v16, v16;
	v16 =	vld [tilespmem:s21+$0x8D00]  }
0x96: {  	v0 =	vimm.f32 $1.000000000e+00;
	v30 =	vadd.f32 v35, v31;
	v37 =	vadd.f32 v33, v3;
	v33 =	vld [tilespmem:s21+$0x15F00]  }
0x97: {  	v49 =	vsel vm6, $0x0, v0;
	v31 =	vadd.f32 v23, v2;
	v2 =	vmul.f32 v54, v54;
	v54 =	vld [tilespmem:s21+$0x15080]  }
0x98: {  	v3 =	vadd.f32 v49, v1;
	v1 =	vmul.f32 v56, v56;
	v56 =	vld [tilespmem:s21+$0x7080]  }
0x99: {  	v23 =	vld [tilespmem:s21+$0x12700]  }
0x9a: {  	v35 =	vsub.f32 v8, v60;
	v60 =	vld [tilespmem:s21+$0x12680]  }
0x9b: {  	v46 =	vmul.f32 v51, v51;
	v41 =	vsel vm1, $0x0, v0;
	vm1 =	veq.s32 v62, $0x0;
	v62 =	vld [tilespmem:s21+$0x11800]  }
0x9c: {  	v43 =	vsel vm2, $0x0, v0;
	v25 =	vmul.f32 v25, v25;
	vm2 =	veq.s32 v15, $0x0;
	v15 =	vld [tilespmem:s21+$0x11880]  }
0x9d: {  	v31 =	vadd.f32 v46, v31;
	v46 =	vmul.f32 v11, v11;
	v11 =	vld [tilespmem:s21+$0x17A00]  }
0x9e: {  	v26 =	vadd.f32 v28, v26;
	v28 =	vadd.f32 v25, v44;
	v25 =	vld [tilespmem:s21+$0x9A00]  }
0x9f: {  	v32 =	vadd.f32 v42, v37;
	v37 =	vld [tilespmem:s21+$0x16C00]  }
0xa0: {  	v2 =	vadd.f32 v2, v30;
	v30 =	vld [tilespmem:s21+$0x8C00]  }
0xa1: {  	v12 =	vsub.f32 v12, v14;
	v42 =	vld [tilespmem:s21+$0x15100]  }
0xa2: {  	v44 =	vld [tilespmem:s21+$0x15E00]  }
0xa3: {  	[tilespmem:$0x1FF70] =	vst v12;
	v12 =	vsub.f32 v55, v57;
	v57 =	vld [tilespmem:s21+$0x11900]  }
0xa4: {  	v55 =	vld [tilespmem:s21+$0x12600]  }
0xa5: {  	v20 =	vadd.f32 v46, v20;
	v46 =	vld [tilespmem:s21+$0x15E80]  }
0xa6: {  	v14 =	vsub.f32 v19, v21;
	v28 =	vadd.f32 v48, v28;
	v48 =	vld [tilespmem:s21+$0x13580]  }
0xa7: {  	v31 =	vmul.f32 v31, v49;
	v49 =	vld [tilespmem:s21+$0x5580]  }
0xa8: {  	[tilespmem:$0x1FF80] =	vst v14;
	v14 =	vsub.f32 v58, v16;
	v58 =	vld [tilespmem:s21+$0x3900]  }
0xa9: {  	v38 =	vsel vm5, $0x0, v0;
	v51 =	vadd.f32 v40, v20;
	v20 =	vld [tilespmem:s1+$0x100]  }
0xaa: {  	v3 =	vadd.f32 v38, v3;
	v5 =	vadd.f32 v31, v50;
	v31 =	vmul.f32 v26, v38;
	v38 =	vld [tilespmem:s1+$0x80]  }
0xab: {  	v47 =	vsel vm4, $0x0, v0;
	v28 =	vadd.f32 v39, v28;
	v39 =	vld [tilespmem:s21+$0x14380]  }
0xac: {  	v3 =	vadd.f32 v47, v3;
	v40 =	vld [tilespmem:s21+$0x6380]  }
0xad: {  	v45 =	vsel vm3, $0x0, v0;
	v50 =	vld [tilespmem:s21+$0x14300]  }
0xae: {  	v3 =	vadd.f32 v45, v3;
	v26 =	vld [tilespmem:s21+$0x5400]  }
0xaf: {  	v5 =	vadd.f32 v31, v5;
	v31 =	vmul.f32 v32, v47;
	v32 =	vld [tilespmem:s21+$0x15180]  }
0xb0: {  	v28 =	vmul.f32 v28, v43;
	v3 =	vadd.f32 v43, v3;
	v43 =	vld [tilespmem:s21+$0x7100]  }
0xb1: {  	v47 =	vld [tilespmem:s21+$0x7E80]  }
0xb2: {  	v5 =	vadd.f32 v31, v5;
	v31 =	vmul.f32 v51, v45;
	v45 =	vld [tilespmem:s21+$0x7E00]  }
0xb3: {  	v51 =	vld [tilespmem:s21+$0x6300]  }
0xb4: {  	v59 =	vadd.f32 v41, v3;
	v3 =	vld [tilespmem:s21+$0x14280];
	v5 =	vadd.f32 v31, v5  }
0xb5: {  	v7 =	vmul.f32 v7, v41;
	v1 =	vadd.f32 v1, v2;
	v41 =	vld [tilespmem:s21+$0x5480];
	v31 =	vsel vm0, $0x0, v0  }
0xb6: {  	v2 =	vadd.f32 v31, v59;
	v59 =	vld [tilespmem:s21+$0x12780];
	v5 =	vadd.f32 v28, v5  }
0xb7: {  	v10 =	vsub.f32 v10, v17;
	v21 =	vsub.f32 v52, v53;
	vm0 =	veq.s32 v9, $0x0;
	v28 =	vld [tilespmem:s21+$0x16C80]  }
0xb8: {  	v4 =	vmul.f32 v4, v31;
	v61 =	vadd.f32 v7, v5;
	v5 =	vsel vm0, $0x0, v0;
	v7 =	vld [tilespmem:s21+$0x13400]  }
0xb9: {  	v8 =	vsub.f32 v33, v29;
	v0 =	vadd.f32 v5, v2;
	v2 =	vld [tilespmem:s21+$0x6200]  }
0xba: {  	v29 =	vsub.f32 v37, v30;
	v1 =	vmul.f32 v1, v5;
	v5 =	vld [tilespmem:s21+$0x3980];
	v4 =	vadd.f32 v4, v61  }
0xbb: {  	v19 =	vsub.f32 v48, v49;
	v17 =	vsub.f32 v39, v40;
	[tilespmem:$0x1FFB0] =	vst v0;
	v0 =	vld [tilespmem:s21+$0x13500]  }
0xbc: {  	[tilespmem:$0x1FF90] =	vst v14;
	v31 =	vsub.f32 v11, v25;
	v63 =	vadd.f32 v1, v4;
	v1 =	vld [tilespmem:s21+$0x14200]  }
0xbd: {  	[tilespmem:$0x1FFA0] =	vst v8;
	v14 =	vsub.f32 v32, v27;
	v8 =	vsub.f32 v42, v43;
	v4 =	vld [tilespmem:s21+$0x6280]  }
0xbe: {  	p0 =	sne.s32 s31, $0x37;
	v27 =	vsub.f32 v46, v47;
	v25 =	vsub.f32 v54, v56;
	[tilespmem:$0x1FFF0] =	vst v63;
	v63 =	vld [tilespmem:s21+$0x4780]  }
.Ltmp0:
0xbf: {  	v9 =	vld [tilespmem:s1+$0x0];
	v32 =	vsub.f32 v44, v45;
	v11 =	vsub.f32 v50, v51;
	(pc) =	sbr.rel @p0 .LBB2_2-.Ltmp0, $4  }
0xc0: {  	vm0 =	veq.s32 v6, $0x0;
	v6 =	vld [tilespmem:s21+$0x4680];
	v30 =	vsub.f32 v28, v36;
	v28 =	vsub.f32 v23, v24  }
0xc1: {  	vm3 =	veq.s32 v18, $0x0;
	v61 =	vld [tilespmem:s21+$0x4600];
	v51 =	vsub.f32 v22, v5;
	v33 =	vsub.f32 v0, v13  }
0xc2: {  	vm4 =	veq.s32 v20, $0x0;
	v22 =	vld [tilespmem:s21+$0x3880];
	v18 =	vsub.f32 v1, v2;
	v20 =	vsub.f32 v3, v4  }
0xc3: {  	s31 =	sadd.s32 $0x1, s31;
	vm5 =	veq.s32 v38, $0x0;
	v16 =	vsub.f32 v59, v63;
	v63 =	vld [tilespmem:s21+$0x3800];
	v59 =	vsub.f32 v7, v26  }
0xc4: {  	v23 =	vld [tilespmem:s1+$0x380];
	_ =	swait.ge [sflag:s24], $0x1C00  }
0xc5: {  	[sflag:s24] =	ssyncset.done $0x0  }
0xc6: {  	[sflag:s24] =	ssyncadd.s32 $0xFFFFE400  }
0xc7: {  	_ =	swait.ge [sflag:s25], $0x7000  }
0xc8: {  	[sflag:s25] =	ssyncset.done $0x0  }
0xc9: {  	[sflag:s25] =	ssyncadd.s32 $0xFFFF9000  }
0xca: {  	_ =	swait.ge [sflag:s26], $0x7000  }
0xcb: {  	[sflag:s26] =	ssyncset.done $0x0  }
0xcc: {  	s31 =	simm.s32 $0x0;
	s0 =	simm.s32 $0x0;
	[sflag:s26] =	ssyncadd.s32 $0xFFFF9000  }
0xcd: {  	[tilespmem:s31], [sflag:$0x1] =	stream.linear.gather [hbm4b:s9+s31], $0x1C00, $0x38;
	[tilespmem:$0x1F880] =	vst v63  }
0xce: {  	s21 =	sand.u32 $0x70, s31;
	s0 =	sand.u32 $0x3FFFFC00, s0  }
0xcf: {  	[tilespmem:s16], [sflag:$0x3] =	stream.strided.gather [hbm4b:s10+s14], $0x7000, s15, s14, $0x38;
	[tilespmem:$0x1F880] =	vst v63  }
0xd0: {  	s23 =	simm.s32 $0x0;
	s1 =	sor.u32 s21, s0;
	v2 =	vsub.f32 v15, v22;
	v22 =	vmul.f32 v30, v30;
	v30 =	vmul.f32 v32, v32;
	v32 =	vld [tilespmem:$0x1FFF0]  }
0xd1: {  	v3 =	vsub.f32 v34, v41;
	v34 =	vld [tilespmem:$0x1FFA0];
	[tilespmem:s17], [sflag:$0x5] =	stream.strided.gather [hbm4b:s11+s14], $0x7000, s15, s14, $0x38  }
0xd2: {  	s0 =	sand.u32 $0xFFFFFE00, s23;
	v0 =	vld [tilespmem:s1+$0x1F00]  }
0xd3: {  	s0 =	sor.u32 s21, s0;
	v52 =	vld [tilespmem:s1+$0x1E80]  }
0xd4: {  	v53 =	vld [tilespmem:s0+$0x1EB80]  }
0xd5: {  	v54 =	vld [tilespmem:s0+$0x10B80]  }
0xd6: {  	v56 =	vld [tilespmem:s1+$0x1E00]  }
0xd7: {  	v4 =	vld [tilespmem:s0+$0x1DD80]  }
0xd8: {  	v39 =	vld [tilespmem:s0+$0xFD80]  }
0xd9: {  	v5 =	vld [tilespmem:s0+$0x1EB00]  }
0xda: {  	v7 =	vld [tilespmem:s0+$0x10B00]  }
0xdb: {  	v36 =	vld [tilespmem:s1+$0x1D80]  }
0xdc: {  	v13 =	vld [tilespmem:s0+$0x1CF80]  }
0xdd: {  	v49 =	vld [tilespmem:s0+$0xEF80]  }
0xde: {  	v37 =	vld [tilespmem:s0+$0x1DD00]  }
0xdf: {  	v38 =	vld [tilespmem:s0+$0xFD00]  }
0xe0: {  	v47 =	vld [tilespmem:s0+$0x1EA00]  }
0xe1: {  	v50 =	vld [tilespmem:s0+$0x10A00]  }
0xe2: {  	v40 =	vld [tilespmem:s0+$0x1EA80]  }
0xe3: {  	v48 =	vld [tilespmem:s0+$0x10A80]  }
0xe4: {  	v42 =	vld [tilespmem:s1+$0x1D00]  }
0xe5: {  	v43 =	vsub.f32 v57, v58;
	v57 =	vld [tilespmem:s0+$0x1DC00]  }
0xe6: {  	v1 =	vsub.f32 v62, v63;
	v62 =	vld [tilespmem:s0+$0xFC00]  }
0xe7: {  	v46 =	vld [tilespmem:s0+$0x1DC80]  }
0xe8: {  	v63 =	vld [tilespmem:s0+$0xFC80]  }
0xe9: {  	v58 =	vmul.f32 v59, v59;
	v59 =	vmul.f32 v27, v27;
	v24 =	vld [tilespmem:s1+$0x1C80]  }
0xea: {  	v27 =	vmul.f32 v51, v51;
	v3 =	vmul.f32 v3, v3;
	v45 =	vld [tilespmem:s0+$0x1B380]  }
0xeb: {  	v2 =	vmul.f32 v2, v2;
	v1 =	vmul.f32 v1, v1;
	v51 =	vld [tilespmem:s0+$0xE100]  }
0xec: {  	v44 =	vld [tilespmem:s0+$0x1CE00]  }
0xed: {  	v1 =	vadd.f32 v2, v1;
	v2 =	vadd.f32 v3, v58;
	v58 =	vld [tilespmem:s0+$0xEE80]  }
0xee: {  	v15 =	vmul.f32 v29, v29;
	v3 =	vadd.f32 v59, v30;
	v59 =	vld [tilespmem:s1+$0x1C00]  }
0xef: {  	v29 =	vld [tilespmem:s0+$0xD280]  }
0xf0: {  	v15 =	vadd.f32 v22, v15;
	v22 =	vld [tilespmem:s0+$0x18980]  }
0xf1: {  	v26 =	vld [tilespmem:s0+$0x19700]  }
0xf2: {  	[tilespmem:$0x1FE60] =	vst v53;
	v53 =	vld [tilespmem:s0+$0x1C180]  }
0xf3: {  	[tilespmem:$0x1FF30] =	vst v56;
	v56 =	vld [tilespmem:s0+$0xE180]  }
0xf4: {  	[tilespmem:$0x1FF20] =	vst v52;
	v52 =	vld [tilespmem:s0+$0x1CF00]  }
0xf5: {  	[tilespmem:$0x1FE70] =	vst v54;
	v54 =	vld [tilespmem:s0+$0xEF00]  }
0xf6: {  	[tilespmem:$0x1FE50] =	vst v4;
	v4 =	vmul.f32 v31, v31;
	v31 =	vld [tilespmem:s0+$0xD380]  }
0xf7: {  	[tilespmem:$0x1FEA0] =	vst v7;
	v7 =	vsub.f32 v55, v61;
	v61 =	vld [tilespmem:s0+$0x1C100]  }
0xf8: {  	[tilespmem:$0x1FEC0] =	vst v37;
	v37 =	vmul.f32 v33, v33;
	v33 =	vld [tilespmem:s0+$0xEE00]  }
0xf9: {  	[tilespmem:$0x1FF10] =	vst v0;
	v0 =	vmul.f32 v43, v43;
	v43 =	vld [tilespmem:s0+$0x1CE80]  }
0xfa: {  	[tilespmem:$0x1FF50] =	vst v42;
	v42 =	vld [tilespmem:s0+$0x1B300]  }
0xfb: {  	[tilespmem:$0x1FEF0] =	vst v40;
	v40 =	vld [tilespmem:s0+$0xD300]  }
0xfc: {  	[tilespmem:$0x1FF60] =	vst v24;
	v24 =	vld [tilespmem:s0+$0xE000]  }
0xfd: {  	v55 =	vmul.f32 v21, v21;
	v21 =	vmul.f32 v25, v25;
	v25 =	vld [tilespmem:s0+$0xE080]  }
0xfe: {  	[tilespmem:$0x1FED0] =	vst v38;
	v38 =	vmul.f32 v18, v18;
	v18 =	vmul.f32 v20, v20;
	v20 =	vld [tilespmem:s0+$0x19780]  }
0xff: {  	[tilespmem:$0x1FE20] =	vst v59;
	v59 =	vld [tilespmem:$0x1FF80]  }
0x100: {  	[tilespmem:$0x1FF40] =	vst v36;
	v36 =	vmul.f32 v28, v28;
	v28 =	vld [tilespmem:s0+$0x1B200]  }
0x101: {  	v30 =	vsub.f32 v57, v62;
	v62 =	vld [tilespmem:s0+$0x19680]  }
0x102: {  	v6 =	vsub.f32 v60, v6;
	[tilespmem:$0x1FE90] =	vst v5;
	v5 =	vmul.f32 v35, v35;
	v57 =	vld [tilespmem:s0+$0x18800]  }
0x103: {  	v19 =	vmul.f32 v19, v19;
	v0 =	vadd.f32 v0, v1;
	v2 =	vadd.f32 v37, v2;
	v37 =	vld [tilespmem:s0+$0x1C080]  }
0x104: {  	vm6 =	veq.s32 v9, $0x0;
	v4 =	vadd.f32 v5, v4;
	v5 =	vadd.f32 v21, v55;
	v21 =	vld [tilespmem:s0+$0xA980]  }
0x105: {  	v6 =	vmul.f32 v6, v6;
	v7 =	vmul.f32 v7, v7;
	v0 =	vadd.f32 v27, v0;
	v27 =	vld [tilespmem:s0+$0x1A580]  }
0x106: {  	v9 =	vmul.f32 v11, v11;
	v17 =	vmul.f32 v17, v17;
	v2 =	vadd.f32 v19, v2;
	v19 =	vld [tilespmem:s0+$0xC580]  }
0x107: {  	v8 =	vmul.f32 v8, v8;
	v60 =	vadd.f32 v6, v7;
	v7 =	vadd.f32 v18, v38;
	v38 =	vld [tilespmem:s0+$0x1C000]  }
0x108: {  	v11 =	vimm.f32 $1.000000000e+00;
	v14 =	vmul.f32 v14, v14;
	v16 =	vmul.f32 v16, v16;
	v6 =	vld [tilespmem:s0+$0xC500]  }
0x109: {  	v41 =	vsel vm3, $0x0, v11;
	v35 =	vmul.f32 v12, v12;
	v1 =	vadd.f32 v36, v60;
	v36 =	vld [tilespmem:$0x1FF90]  }
0x10a: {  	v13 =	vsub.f32 v13, v49;
	v5 =	vadd.f32 v8, v5;
	v8 =	vmul.f32 v34, v34;
	v34 =	vld [tilespmem:s0+$0x1B280]  }
0x10b: {  	v49 =	vsub.f32 v52, v54;
	v52 =	vld [tilespmem:$0x1FF30];
	v7 =	vadd.f32 v9, v7;
	v9 =	vsel vm5, $0x0, v11  }
0x10c: {  	v60 =	vld [tilespmem:$0x1FFB0];
	v3 =	vadd.f32 v8, v3;
	v1 =	vadd.f32 v16, v1;
	v16 =	vsel vm6, $0x0, v11  }
0x10d: {  	v54 =	vld [tilespmem:$0x1FF50];
	v5 =	vadd.f32 v14, v5;
	v14 =	vsub.f32 v53, v56;
	v0 =	vmul.f32 v0, v16  }
0x10e: {  	v56 =	vld [tilespmem:s0+$0xA900];
	v7 =	vadd.f32 v17, v7;
	v19 =	vsub.f32 v27, v19;
	v8 =	vmul.f32 v36, v36  }
0x10f: {  	v53 =	vld [tilespmem:$0x1FF40];
	v27 =	vsub.f32 v43, v58;
	v1 =	vmul.f32 v1, v9;
	v0 =	vadd.f32 v0, v32  }
0x110: {  	v55 =	vmul.f32 v10, v10;
	v17 =	vld [tilespmem:s0+$0xD200];
	v58 =	vsub.f32 v22, v21;
	v8 =	vadd.f32 v8, v15  }
0x111: {  	v12 =	vmul.f32 v59, v59;
	v21 =	vld [tilespmem:s0+$0xA880];
	v16 =	vadd.f32 v16, v60;
	v0 =	vadd.f32 v1, v0  }
0x112: {  	v18 =	vsel vm4, $0x0, v11;
	v1 =	vadd.f32 v35, v3;
	v3 =	vadd.f32 v55, v8;
	v8 =	vld [tilespmem:$0x1FF70]  }
0x113: {  	v10 =	vsel vm2, $0x0, v11;
	v2 =	vmul.f32 v2, v18;
	v4 =	vadd.f32 v12, v4;
	v36 =	vld [tilespmem:s0+$0x1A500]  }
0x114: {  	v5 =	vmul.f32 v5, v10;
	v7 =	vmul.f32 v7, v41;
	v32 =	vld [tilespmem:$0x1FEA0];
	v9 =	vadd.f32 v9, v16  }
0x115: {  	v60 =	vsel vm1, $0x0, v11;
	v16 =	vld [tilespmem:s0+$0xB780];
	v35 =	vsel vm0, $0x0, v11;
	v0 =	vadd.f32 v2, v0  }
0x116: {  	vm0 =	veq.s32 v23, $0x0;
	v23 =	vld [tilespmem:s0+$0xB700];
	v28 =	vsub.f32 v28, v17;
	v9 =	vadd.f32 v18, v9  }
0x117: {  	v17 =	vld [tilespmem:s0+$0x18880];
	v18 =	vsub.f32 v45, v31;
	v0 =	vadd.f32 v7, v0;
	v8 =	vmul.f32 v8, v8  }
0x118: {  	v55 =	vsel vm0, $0x0, v11;
	v11 =	vld [tilespmem:s0+$0x1A400];
	v31 =	vsub.f32 v46, v63;
	v2 =	vadd.f32 v41, v9  }
0x119: {  	v1 =	vmul.f32 v1, v60;
	v63 =	vld [tilespmem:s0+$0xB600];
	v0 =	vadd.f32 v5, v0;
	v4 =	vadd.f32 v8, v4  }
0x11a: {  	v2 =	vadd.f32 v10, v2;
	v5 =	vld [tilespmem:$0x1FE70]  }
0x11b: {  	v41 =	vmul.f32 v3, v35;
	v0 =	vadd.f32 v1, v0;
	v59 =	vmul.f32 v4, v55;
	v4 =	vld [tilespmem:$0x1FE60]  }
0x11c: {  	v7 =	vld [tilespmem:$0x1FE90];
	v2 =	vadd.f32 v60, v2  }
0x11d: {  	v16 =	vsub.f32 v20, v16;
	v20 =	vld [tilespmem:s0+$0xA800];
	v0 =	vadd.f32 v41, v0  }
0x11e: {  	v2 =	vadd.f32 v35, v2;
	v35 =	vld [tilespmem:$0x1FEC0]  }
0x11f: {  	v41 =	vld [tilespmem:$0x1FED0];
	v0 =	vadd.f32 v59, v0  }
0x120: {  	v60 =	vld [tilespmem:$0x1FE50];
	v1 =	vsub.f32 v4, v5  }
0x121: {  	[tilespmem:$0x1FE40] =	vst v0;
	v0 =	vld [tilespmem:s0+$0xC400]  }
0x122: {  	[tilespmem:$0x1FE80] =	vst v1;
	v1 =	vsub.f32 v7, v32;
	v32 =	vsub.f32 v47, v50;
	v47 =	vld [tilespmem:$0x1FEF0]  }
0x123: {  	v33 =	vsub.f32 v44, v33;
	v50 =	vld [tilespmem:$0x1FF10]  }
0x124: {  	[tilespmem:$0x1FEB0] =	vst v1;
	v1 =	vsub.f32 v35, v41;
	v35 =	vsub.f32 v61, v51;
	v51 =	vld [tilespmem:$0x1FF20]  }
0x125: {  	v12 =	vsub.f32 v42, v40;
	v25 =	vsub.f32 v37, v25;
	v61 =	vld [tilespmem:$0x1FF60]  }
0x126: {  	v24 =	vsub.f32 v38, v24;
	v22 =	vsub.f32 v34, v29;
	v10 =	vld [tilespmem:s0+$0xB680]  }
0x127: {  	vm2 =	veq.s32 v52, $0x0;
	vm4 =	veq.s32 v54, $0x0;
	v2 =	vadd.f32 v55, v2;
	v55 =	vld [tilespmem:s0+$0xC480]  }
0x128: {  	[tilespmem:$0x1FF00] =	vst v49;
	vm3 =	veq.s32 v53, $0x0;
	v36 =	vsub.f32 v36, v6;
	v9 =	vsub.f32 v60, v39;
	v39 =	vld [tilespmem:s0+$0x1A480]  }
0x129: {  	v26 =	vsub.f32 v26, v23;
	v60 =	vld [tilespmem:s0+$0x18900];
	[tilespmem:$0x1FE30] =	vst v2;
	v41 =	vsub.f32 v47, v48;
	vm0 =	veq.s32 v50, $0x0  }
0x12a: {  	v59 =	vld [tilespmem:s0+$0x19600];
	s0 =	simm.s32 $0x1;
	[tilespmem:$0x1FEE0] =	vst v1;
	vm1 =	veq.s32 v51, $0x0;
	vm5 =	veq.s32 v61, $0x0;
	v61 =	vsub.f32 v11, v0  }
.LBB2_4:
0x12b: {  	s21 =	sshll.u32 s0, $0x7;
	s31 =	sadd.s32 $0x10, s31;
	s23 =	sshll.u32 s0, $0x6  }
0x12c: {  	v0 =	vld [tilespmem:$0x1FE20];
	s22 =	sand.u32 $0x70, s31;
	s21 =	sand.u32 $0x3FFFFC00, s21;
	s23 =	sand.u32 $0xFFFFFE00, s23  }
0x12d: {  	v6 =	vld [tilespmem:s1+$0x1F80];
	s1 =	sor.u32 s22, s21;
	s21 =	sor.u32 s22, s23  }
0x12e: {  	v34 =	vmul.f32 v13, v13;
	v13 =	vld [tilespmem:s21+$0x1EB80]  }
0x12f: {  	v2 =	vld [tilespmem:s1+$0x1E00]  }
0x130: {  	v1 =	vmul.f32 v9, v9;
	v9 =	vld [tilespmem:s21+$0x1DD80]  }
0x131: {  	v38 =	vmul.f32 v41, v41;
	v4 =	vmul.f32 v22, v22;
	v22 =	vld [tilespmem:s21+$0x1DD00]  }
0x132: {  	v28 =	vmul.f32 v28, v28;
	v5 =	vmul.f32 v12, v12;
	v12 =	vld [tilespmem:s21+$0x1EA00]  }
0x133: {  	v33 =	vmul.f32 v33, v33;
	v27 =	vmul.f32 v27, v27;
	v41 =	vld [tilespmem:s21+$0x1EA80]  }
0x134: {  	v28 =	vadd.f32 v4, v28;
	v4 =	vld [tilespmem:$0x1FF00]  }
0x135: {  	v27 =	vadd.f32 v27, v33;
	v33 =	vld [tilespmem:s21+$0x1C180]  }
0x136: {  	v7 =	vmul.f32 v35, v35;
	v35 =	vld [tilespmem:s21+$0xFC80]  }
0x137: {  	v45 =	vmul.f32 v58, v58;
	v58 =	vld [tilespmem:s21+$0xB780]  }
0x138: {  	v49 =	vmul.f32 v61, v61;
	v61 =	vld [tilespmem:s21+$0x1A500]  }
0x139: {  	v11 =	vld [tilespmem:s21+$0xC500]  }
0x13a: {  	v15 =	vld [tilespmem:s21+$0xD200]  }
0x13b: {  	v37 =	vsub.f32 v62, v10;
	v10 =	vld [tilespmem:s1+$0x1F00]  }
0x13c: {  	v20 =	vsub.f32 v57, v20;
	v57 =	vld [tilespmem:s1+$0x1E80]  }
0x13d: {  	v54 =	vsub.f32 v60, v56;
	v60 =	vmul.f32 v14, v14;
	v14 =	vld [tilespmem:s21+$0x10B80]  }
0x13e: {  	v17 =	vsub.f32 v17, v21;
	v21 =	vmul.f32 v18, v18;
	v18 =	vld [tilespmem:s21+$0xFD80]  }
0x13f: {  	v62 =	vmul.f32 v19, v19;
	v19 =	vld [tilespmem:s21+$0x1EB00]  }
0x140: {  	v23 =	vsub.f32 v39, v55;
	v55 =	vld [tilespmem:s21+$0x1CF80]  }
0x141: {  	v8 =	vimm.f32 $1.000000000e+00;
	v56 =	vld [tilespmem:s1+$0x1C00]  }
0x142: {  	v40 =	vsel vm1, $0x0, v8;
	v39 =	vld [tilespmem:s21+$0x1A480]  }
0x143: {  	v42 =	vsel vm2, $0x0, v8;
	v43 =	vmul.f32 v24, v24;
	v29 =	vsub.f32 v59, v63;
	v59 =	vld [tilespmem:s21+$0x19600]  }
0x144: {  	v44 =	vsel vm3, $0x0, v8;
	v51 =	vsel vm0, $0x0, v8;
	vm0 =	veq.s32 v6, $0x0;
	v6 =	vld [tilespmem:s21+$0xB700]  }
0x145: {  	v46 =	vsel vm4, $0x0, v8;
	v47 =	vsel vm5, $0x0, v8;
	v24 =	vmul.f32 v20, v20;
	v20 =	vld [tilespmem:s21+$0x10B00]  }
0x146: {  	vm6 =	veq.s32 v0, $0x0;
	v28 =	vadd.f32 v5, v28;
	v50 =	vmul.f32 v23, v23;
	v23 =	vld [tilespmem:s21+$0xA980]  }
0x147: {  	v17 =	vmul.f32 v17, v17;
	v48 =	vsel vm6, $0x0, v8;
	v53 =	vsel vm0, $0x0, v8;
	v8 =	vld [tilespmem:s21+$0xC400]  }
0x148: {  	v29 =	vmul.f32 v29, v29;
	v37 =	vmul.f32 v37, v37;
	v28 =	vadd.f32 v21, v28;
	v21 =	vld [tilespmem:s1+$0x1D00]  }
0x149: {  	v24 =	vadd.f32 v17, v24;
	v17 =	vld [tilespmem:s1+$0x1D80]  }
0x14a: {  	v29 =	vadd.f32 v37, v29;
	v37 =	vld [tilespmem:$0x1FE40]  }
0x14b: {  	v63 =	vadd.f32 v50, v49;
	v49 =	vld [tilespmem:$0x1FE80]  }
0x14c: {  	[tilespmem:$0x1FE10] =	vst v2;
	v2 =	vld [tilespmem:s21+$0x1B280]  }
0x14d: {  	[tilespmem:$0x1FE20] =	vst v56;
	v56 =	vld [tilespmem:s21+$0xA900]  }
0x14e: {  	v30 =	vmul.f32 v30, v30;
	v0 =	vmul.f32 v54, v54;
	vm0 =	veq.s32 v10, $0x0;
	v10 =	vld [tilespmem:s21+$0xB680]  }
0x14f: {  	v31 =	vmul.f32 v31, v31;
	v26 =	vmul.f32 v26, v26;
	vm1 =	veq.s32 v57, $0x0;
	v57 =	vld [tilespmem:s21+$0x18800]  }
0x150: {  	v32 =	vmul.f32 v32, v32;
	v36 =	vmul.f32 v36, v36;
	v0 =	vadd.f32 v0, v24;
	v24 =	vld [tilespmem:s21+$0xEF80]  }
0x151: {  	v30 =	vadd.f32 v31, v30;
	v26 =	vadd.f32 v26, v29;
	v29 =	vmul.f32 v16, v16;
	v16 =	vld [tilespmem:s21+$0xFD00]  }
0x152: {  	v31 =	vadd.f32 v38, v32;
	v32 =	vadd.f32 v36, v63;
	v36 =	vld [tilespmem:$0x1FE30]  }
0x153: {  	v25 =	vmul.f32 v25, v25;
	v63 =	vld [tilespmem:s21+$0xB600]  }
0x154: {  	v13 =	vsub.f32 v13, v14;
	v14 =	vsub.f32 v19, v20;
	v20 =	vld [tilespmem:s21+$0xA800]  }
0x155: {  	v26 =	vadd.f32 v29, v26;
	v29 =	vadd.f32 v25, v43;
	v25 =	vld [tilespmem:s21+$0x10A00]  }
0x156: {  	v0 =	vadd.f32 v45, v0;
	v45 =	vld [tilespmem:$0x1FEE0]  }
0x157: {  	v38 =	vmul.f32 v26, v47;
	v26 =	vld [tilespmem:s21+$0x10A80];
	v29 =	vadd.f32 v7, v29;
	v7 =	vmul.f32 v4, v4  }
0x158: {  	v0 =	vmul.f32 v0, v48;
	v3 =	vadd.f32 v48, v36;
	v36 =	vld [tilespmem:s21+$0x1B380]  }
0x159: {  	v7 =	vadd.f32 v7, v27;
	v27 =	vld [tilespmem:s21+$0xE180]  }
0x15a: {  	v0 =	vadd.f32 v0, v37;
	v37 =	vld [tilespmem:s1+$0x1C80]  }
0x15b: {  	v29 =	vadd.f32 v60, v29;
	v3 =	vadd.f32 v47, v3;
	v47 =	vld [tilespmem:$0x1FEB0]  }
0x15c: {  	v5 =	vmul.f32 v45, v45;
	v45 =	vld [tilespmem:s21+$0xEE80]  }
0x15d: {  	v48 =	vmul.f32 v29, v42;
	v29 =	vld [tilespmem:s21+$0x1DC00]  }
0x15e: {  	v32 =	vadd.f32 v62, v32;
	v7 =	vadd.f32 v34, v7;
	v34 =	vld [tilespmem:s21+$0x1DC80]  }
0x15f: {  	v0 =	vadd.f32 v38, v0;
	v38 =	vld [tilespmem:s21+$0xD380]  }
0x160: {  	v43 =	vmul.f32 v32, v46;
	v3 =	vadd.f32 v46, v3;
	v46 =	vmul.f32 v28, v44;
	v28 =	vld [tilespmem:s21+$0x1CF00]  }
0x161: {  	v5 =	vadd.f32 v5, v30;
	v30 =	vld [tilespmem:s21+$0xEF00]  }
0x162: {  	v0 =	vadd.f32 v43, v0;
	v43 =	vld [tilespmem:s21+$0xEE00]  }
0x163: {  	v50 =	vmul.f32 v7, v40;
	v7 =	vld [tilespmem:s21+$0x1A400]  }
0x164: {  	v3 =	vadd.f32 v44, v3;
	v44 =	vld [tilespmem:s21+$0x1CE80]  }
0x165: {  	v5 =	vadd.f32 v1, v5;
	v1 =	vmul.f32 v49, v49;
	v49 =	vld [tilespmem:s21+$0xD300]  }
0x166: {  	v0 =	vadd.f32 v46, v0;
	v46 =	vld [tilespmem:s21+$0x1A580]  }
0x167: {  	v4 =	vmul.f32 v47, v47;
	v47 =	vld [tilespmem:s21+$0xC580]  }
0x168: {  	v3 =	vadd.f32 v42, v3;
	v42 =	vld [tilespmem:s21+$0x1CE00]  }
0x169: {  	v52 =	vmul.f32 v5, v51;
	v5 =	vld [tilespmem:s21+$0x19700]  }
0x16a: {  	v4 =	vadd.f32 v4, v31;
	v31 =	vld [tilespmem:s21+$0xFC00]  }
0x16b: {  	v0 =	vadd.f32 v48, v0;
	v48 =	vld [tilespmem:s21+$0x1B300];
	v3 =	vadd.f32 v40, v3  }
0x16c: {  	v40 =	vld [tilespmem:s21+$0x1C100]  }
0x16d: {  	v0 =	vadd.f32 v50, v0;
	v50 =	vld [tilespmem:s21+$0x1C000];
	v3 =	vadd.f32 v51, v3  }
0x16e: {  	v9 =	vsub.f32 v9, v18;
	v1 =	vadd.f32 v1, v4;
	v4 =	vld [tilespmem:s21+$0x18980]  }
0x16f: {  	[tilespmem:$0x1FE80] =	vst v13;
	v13 =	vsub.f32 v55, v24;
	v51 =	vld [tilespmem:s21+$0xE000];
	v54 =	vadd.f32 v53, v3  }
0x170: {  	[tilespmem:$0x1FEB0] =	vst v14;
	v14 =	vsub.f32 v22, v16;
	v0 =	vadd.f32 v52, v0;
	v52 =	vld [tilespmem:s21+$0x1C080]  }
0x171: {  	v32 =	vsub.f32 v12, v25;
	v41 =	vsub.f32 v41, v26;
	v1 =	vmul.f32 v1, v53;
	[tilespmem:$0x1FE30] =	vst v54;
	v54 =	vld [tilespmem:s21+$0x19780]  }
0x172: {  	[tilespmem:$0x1FEE0] =	vst v14;
	v14 =	vsub.f32 v33, v27;
	v18 =	vsub.f32 v36, v38;
	v53 =	vld [tilespmem:s21+$0xE080]  }
0x173: {  	v36 =	vsub.f32 v61, v11;
	v3 =	vld [tilespmem:s21+$0xD280];
	v0 =	vadd.f32 v1, v0  }
0x174: {  	v12 =	vsub.f32 v28, v30;
	v61 =	vsub.f32 v7, v8;
	v1 =	vld [tilespmem:s21+$0x1B200]  }
0x175: {  	v27 =	vsub.f32 v44, v45;
	v19 =	vsub.f32 v46, v47;
	[tilespmem:$0x1FE40] =	vst v0;
	v0 =	vld [tilespmem:s21+$0xE100]  }
0x176: {  	p0 =	sne.s32 s0, $0x37;
	v33 =	vsub.f32 v42, v43;
	v16 =	vsub.f32 v54, v58;
	v58 =	vld [tilespmem:$0x1FE10]  }
.Ltmp1:
0x177: {  	v62 =	vld [tilespmem:s21+$0x19680];
	v26 =	vsub.f32 v5, v6;
	v30 =	vsub.f32 v29, v31;
	(pc) =	sbr.rel @p0 .LBB2_4-.Ltmp1, $4  }
0x178: {  	vm4 =	veq.s32 v21, $0x0;
	v21 =	vld [tilespmem:s21+$0xA880];
	[tilespmem:$0x1FF00] =	vst v12;
	v31 =	vsub.f32 v34, v35;
	v12 =	vsub.f32 v48, v49  }
0x179: {  	vm3 =	veq.s32 v17, $0x0;
	v17 =	vld [tilespmem:s21+$0x18880];
	v24 =	vsub.f32 v50, v51;
	v25 =	vsub.f32 v52, v53  }
0x17a: {  	v55 =	vld [tilespmem:s21+$0xC480];
	vm5 =	veq.s32 v37, $0x0;
	v22 =	vsub.f32 v2, v3;
	v28 =	vsub.f32 v1, v15  }
0x17b: {  	s0 =	sadd.s32 $0x1, s0;
	v60 =	vld [tilespmem:s21+$0x18900];
	v35 =	vsub.f32 v40, v0;
	vm2 =	veq.s32 v58, $0x0;
	v58 =	vsub.f32 v4, v23  }
0x17c: {  	v23 =	vld [tilespmem:s1+$0x1F80];
	_ =	swait.ge [sflag:s18], $0x1C00  }
0x17d: {  	[sflag:s18] =	ssyncset.done $0x0  }
0x17e: {  	v8 =	vsub.f32 v59, v63;
	v10 =	vsub.f32 v62, v10;
	[sflag:s18] =	ssyncadd.s32 $0xFFFFE400  }
0x17f: {  	v2 =	vsub.f32 v57, v20;
	v4 =	vsub.f32 v17, v21;
	_ =	swait.ge [sflag:s19], $0x7000  }
0x180: {  	v8 =	vmul.f32 v8, v8;
	v10 =	vmul.f32 v10, v10;
	[sflag:s19] =	ssyncset.done $0x0  }
0x181: {  	v2 =	vmul.f32 v2, v2;
	v1 =	vsub.f32 v60, v56;
	v4 =	vmul.f32 v4, v4;
	[sflag:s19] =	ssyncadd.s32 $0xFFFF9000  }
0x182: {  	v15 =	vmul.f32 v30, v30;
	v17 =	vmul.f32 v31, v31;
	v63 =	vadd.f32 v10, v8;
	_ =	swait.ge [sflag:s20], $0x7000  }
0x183: {  	s1 =	simm.s32 $0x0;
	s0 =	simm.s32 $0x0;
	v8 =	vmul.f32 v26, v26;
	v1 =	vmul.f32 v1, v1;
	v2 =	vadd.f32 v4, v2;
	v34 =	vld [tilespmem:$0x1FE20]  }
0x184: {  	s21 =	sand.u32 $0x70, s1;
	s0 =	sand.u32 $0x3FFFFC00, s0;
	v15 =	vadd.f32 v17, v15;
	[sflag:s20] =	ssyncset.done $0x0;
	v17 =	vld [tilespmem:$0x1FE40]  }
0x185: {  	s23 =	simm.s32 $0x0;
	s31 =	sor.u32 s21, s0;
	[sflag:s20] =	ssyncadd.s32 $0xFFFF9000;
	v1 =	vadd.f32 v1, v2;
	v2 =	vadd.f32 v8, v63;
	v8 =	vld [tilespmem:$0x1FE30]  }
0x186: {  	s0 =	sand.u32 $0xFFFFFE00, s23;
	v0 =	vld [tilespmem:s31+$0x300]  }
0x187: {  	s0 =	sor.u32 s21, s0;
	v43 =	vld [tilespmem:s31+$0x280]  }
0x188: {  	v44 =	vld [tilespmem:s0+$0x17B80]  }
0x189: {  	v45 =	vld [tilespmem:s0+$0x9B80]  }
0x18a: {  	v46 =	vld [tilespmem:s31+$0x200]  }
0x18b: {  	v47 =	vld [tilespmem:s0+$0x16D80]  }
0x18c: {  	v3 =	vld [tilespmem:s0+$0x8D80]  }
0x18d: {  	v48 =	vld [tilespmem:s0+$0x17B00]  }
0x18e: {  	v49 =	vld [tilespmem:s0+$0x9B00]  }
0x18f: {  	v50 =	vld [tilespmem:s31+$0x180]  }
0x190: {  	v37 =	vld [tilespmem:s0+$0x15F80]  }
0x191: {  	v51 =	vld [tilespmem:s0+$0x16D00]  }
0x192: {  	v38 =	vld [tilespmem:s0+$0x8D00]  }
0x193: {  	v52 =	vld [tilespmem:s0+$0x17A00]  }
0x194: {  	v53 =	vld [tilespmem:s0+$0x17A80]  }
0x195: {  	v54 =	vld [tilespmem:s31+$0x100]  }
0x196: {  	v56 =	vld [tilespmem:s0+$0x16C00]  }
0x197: {  	v57 =	vld [tilespmem:s0+$0x8C00]  }
0x198: {  	v62 =	vld [tilespmem:s31+$0x80]  }
0x199: {  	v40 =	vld [tilespmem:s0+$0x6380]  }
0x19a: {  	v5 =	vsub.f32 v39, v55;
	v39 =	vld [tilespmem:s0+$0x15100]  }
0x19b: {  	v11 =	vld [tilespmem:s0+$0x7100]  }
0x19c: {  	v6 =	vmul.f32 v32, v32;
	v32 =	vld [tilespmem:s0+$0x15E00]  }
0x19d: {  	v7 =	vmul.f32 v41, v41;
	v26 =	vld [tilespmem:s0+$0x7E00]  }
0x19e: {  	v31 =	vld [tilespmem:s0+$0x15E80]  }
0x19f: {  	v6 =	vadd.f32 v7, v6;
	v7 =	vld [tilespmem:s0+$0x7E80]  }
0x1a0: {  	v55 =	vld [tilespmem:s0+$0x13580]  }
0x1a1: {  	v30 =	vmul.f32 v58, v58;
	v58 =	vld [tilespmem:s0+$0x14300]  }
0x1a2: {  	v59 =	vld [tilespmem:s0+$0x15000]  }
0x1a3: {  	v60 =	vld [tilespmem:s0+$0x7000]  }
0x1a4: {  	v4 =	vmul.f32 v61, v61;
	v61 =	vld [tilespmem:s0+$0x15080]  }
0x1a5: {  	v63 =	vld [tilespmem:s0+$0x12780]  }
0x1a6: {  	v41 =	vld [tilespmem:s0+$0x14200]  }
0x1a7: {  	v5 =	vmul.f32 v5, v5;
	v42 =	vld [tilespmem:s0+$0x6280]  }
0x1a8: {  	v20 =	vmul.f32 v33, v33;
	v27 =	vmul.f32 v27, v27;
	v21 =	vld [tilespmem:s0+$0x3980]  }
0x1a9: {  	v10 =	vmul.f32 v36, v36;
	v4 =	vadd.f32 v5, v4;
	v29 =	vld [tilespmem:s0+$0x12700]  }
0x1aa: {  	v5 =	vadd.f32 v27, v20;
	v20 =	vld [tilespmem:s0+$0x13400]  }
0x1ab: {  	v19 =	vmul.f32 v19, v19;
	v4 =	vadd.f32 v10, v4;
	v10 =	vld [tilespmem:s31+$0x0]  }
0x1ac: {  	v1 =	vadd.f32 v30, v1;
	v30 =	vld [tilespmem:s0+$0x13480]  }
0x1ad: {  	v4 =	vadd.f32 v19, v4;
	v19 =	vld [tilespmem:s0+$0x5580]  }
0x1ae: {  	vm6 =	veq.s32 v34, $0x0;
	v34 =	vld [tilespmem:s0+$0x5500];
	[tilespmem:$0x1FDB0] =	vst v0  }
0x1af: {  	[tilespmem:$0x1FD50] =	vst v49;
	v49 =	vld [tilespmem:s0+$0x7F80]  }
0x1b0: {  	v16 =	vmul.f32 v16, v16;
	[tilespmem:$0x1FDE0] =	vst v50;
	v50 =	vld [tilespmem:s0+$0x9A00]  }
0x1b1: {  	v24 =	vmul.f32 v24, v24;
	v25 =	vmul.f32 v25, v25;
	[tilespmem:$0x1FD40] =	vst v48;
	v48 =	vld [tilespmem:s0+$0x9A80]  }
0x1b2: {  	[tilespmem:$0x1FD90] =	vst v52;
	v52 =	vld [tilespmem:s0+$0x15180];
	v0 =	vimm.f32 $1.000000000e+00  }
0x1b3: {  	v2 =	vadd.f32 v16, v2;
	v16 =	vadd.f32 v25, v24;
	[tilespmem:$0x1FDF0] =	vst v54;
	v54 =	vld [tilespmem:s0+$0x7180];
	v24 =	vsel vm6, $0x0, v0  }
0x1b4: {  	v22 =	vmul.f32 v22, v22;
	[tilespmem:$0x1FD70] =	vst v51;
	v51 =	vld [tilespmem:s0+$0x15F00];
	v1 =	vmul.f32 v1, v24  }
0x1b5: {  	v27 =	vmul.f32 v28, v28;
	v25 =	vmul.f32 v35, v35;
	[tilespmem:$0x1FDA0] =	vst v53;
	v53 =	vld [tilespmem:s0+$0x7F00]  }
0x1b6: {  	v12 =	vmul.f32 v12, v12;
	v1 =	vadd.f32 v1, v17;
	v17 =	vld [tilespmem:$0x1FF00]  }
0x1b7: {  	v14 =	vmul.f32 v14, v14;
	v22 =	vadd.f32 v22, v27;
	v16 =	vadd.f32 v25, v16;
	[tilespmem:$0x1FD00] =	vst v47;
	v47 =	vld [tilespmem:s0+$0x16C80]  }
0x1b8: {  	v18 =	vmul.f32 v18, v18;
	[tilespmem:$0x1FDD0] =	vst v46;
	v46 =	vld [tilespmem:s0+$0x8C80]  }
0x1b9: {  	v35 =	vmul.f32 v13, v13;
	v12 =	vadd.f32 v12, v22;
	v13 =	vadd.f32 v14, v16;
	v14 =	vld [tilespmem:$0x1FEE0]  }
0x1ba: {  	[tilespmem:$0x1FD20] =	vst v45;
	v45 =	vld [tilespmem:s0+$0x14380];
	v22 =	vsel vm5, $0x0, v0;
	v24 =	vadd.f32 v24, v8  }
0x1bb: {  	[tilespmem:$0x1FE00] =	vst v62;
	v12 =	vadd.f32 v18, v12;
	v62 =	vld [tilespmem:s0+$0x7080];
	v2 =	vmul.f32 v2, v22;
	v18 =	vmul.f32 v17, v17  }
0x1bc: {  	[tilespmem:$0x1FD10] =	vst v44;
	v44 =	vld [tilespmem:s0+$0x13500];
	v22 =	vadd.f32 v22, v24;
	v24 =	vsel vm4, $0x0, v0  }
0x1bd: {  	[tilespmem:$0x1FDC0] =	vst v43;
	v43 =	vld [tilespmem:s0+$0x14280];
	v4 =	vmul.f32 v4, v24;
	v1 =	vadd.f32 v2, v1;
	v5 =	vadd.f32 v18, v5  }
0x1be: {  	v11 =	vsub.f32 v39, v11;
	v39 =	vld [tilespmem:s0+$0x12680];
	v31 =	vsub.f32 v31, v7;
	v14 =	vmul.f32 v14, v14  }
0x1bf: {  	v7 =	vld [tilespmem:s0+$0x4680];
	v1 =	vadd.f32 v4, v1;
	v4 =	vsel vm3, $0x0, v0;
	v2 =	vadd.f32 v35, v5  }
0x1c0: {  	v5 =	vmul.f32 v9, v9;
	v9 =	vmul.f32 v12, v4;
	v12 =	vadd.f32 v14, v15;
	v15 =	vld [tilespmem:$0x1FEB0]  }
0x1c1: {  	v27 =	vsub.f32 v56, v57;
	v26 =	vsub.f32 v32, v26;
	v57 =	vld [tilespmem:$0x1FDB0]  }
0x1c2: {  	v32 =	vsub.f32 v59, v60;
	v14 =	vsel vm2, $0x0, v0;
	v5 =	vadd.f32 v5, v12;
	v12 =	vld [tilespmem:$0x1FE80]  }
0x1c3: {  	v59 =	vld [tilespmem:$0x1FDC0];
	v1 =	vadd.f32 v9, v1;
	v9 =	vmul.f32 v13, v14;
	v13 =	vsel vm1, $0x0, v0  }
0x1c4: {  	v60 =	vld [tilespmem:$0x1FDD0];
	v2 =	vmul.f32 v2, v13  }
0x1c5: {  	v8 =	vld [tilespmem:s0+$0x6300];
	v1 =	vadd.f32 v9, v1;
	v9 =	vsel vm0, $0x0, v0;
	v15 =	vmul.f32 v15, v15  }
0x1c6: {  	v16 =	vadd.f32 v24, v22;
	v22 =	vsub.f32 v37, v49;
	v37 =	vld [tilespmem:$0x1FD70];
	v36 =	vmul.f32 v5, v9  }
0x1c7: {  	v17 =	vld [tilespmem:s0+$0x4780];
	v1 =	vadd.f32 v2, v1;
	v6 =	vadd.f32 v15, v6;
	v15 =	vmul.f32 v12, v12  }
0x1c8: {  	v49 =	vld [tilespmem:$0x1FD90]  }
0x1c9: {  	vm0 =	veq.s32 v23, $0x0;
	v2 =	vadd.f32 v36, v1;
	v36 =	vld [tilespmem:$0x1FD00];
	v6 =	vadd.f32 v15, v6  }
0x1ca: {  	v18 =	vsub.f32 v45, v40;
	v40 =	vld [tilespmem:s0+$0x4600];
	v5 =	vsel vm0, $0x0, v0  }
0x1cb: {  	v25 =	vsub.f32 v55, v19;
	v35 =	vld [tilespmem:s0+$0x11980];
	v6 =	vmul.f32 v6, v5  }
0x1cc: {  	v19 =	vsub.f32 v63, v17;
	v17 =	vsub.f32 v61, v62;
	v61 =	vld [tilespmem:$0x1FDE0]  }
0x1cd: {  	v62 =	vld [tilespmem:$0x1FDF0];
	v33 =	vadd.f32 v6, v2  }
0x1ce: {  	v4 =	vadd.f32 v4, v16;
	v16 =	vsub.f32 v36, v3;
	v36 =	vld [tilespmem:$0x1FD20]  }
0x1cf: {  	[tilespmem:$0x1FCF0] =	vst v33;
	v33 =	vld [tilespmem:$0x1FD10]  }
0x1d0: {  	v63 =	vld [tilespmem:$0x1FE00];
	v4 =	vadd.f32 v14, v4  }
0x1d1: {  	v23 =	vld [tilespmem:s0+$0x4700]  }
0x1d2: {  	v4 =	vadd.f32 v13, v4;
	v13 =	vsub.f32 v52, v54;
	v54 =	vld [tilespmem:$0x1FDA0]  }
0x1d3: {  	v12 =	vld [tilespmem:s0+$0x6200]  }
0x1d4: {  	v1 =	vsub.f32 v33, v36;
	v33 =	vld [tilespmem:$0x1FD40]  }
0x1d5: {  	v4 =	vadd.f32 v9, v4;
	v36 =	vld [tilespmem:$0x1FD50]  }
0x1d6: {  	v35 =	vsub.f32 v35, v21;
	v21 =	vsub.f32 v43, v42;
	v42 =	vld [tilespmem:s0+$0x3880]  }
0x1d7: {  	v9 =	vld [tilespmem:s0+$0x3800];
	v0 =	vadd.f32 v5, v4  }
0x1d8: {  	v15 =	vsub.f32 v58, v8;
	v8 =	vld [tilespmem:s0+$0x11800]  }
0x1d9: {  	v34 =	vsub.f32 v44, v34;
	v24 =	vsub.f32 v47, v46;
	[tilespmem:$0x1FCE0] =	vst v0;
	v0 =	vld [tilespmem:s0+$0x5400]  }
0x1da: {  	v12 =	vsub.f32 v41, v12;
	v41 =	vld [tilespmem:s0+$0x11880];
	[tilespmem:$0x1FD30] =	vst v1;
	v1 =	vsub.f32 v33, v36  }
0x1db: {  	vm3 =	veq.s32 v60, $0x0;
	v14 =	vsub.f32 v49, v50;
	vm1 =	veq.s32 v59, $0x0;
	v33 =	vld [tilespmem:s0+$0x5480]  }
0x1dc: {  	vm0 =	veq.s32 v57, $0x0;
	vm4 =	veq.s32 v61, $0x0;
	v36 =	vld [tilespmem:s0+$0x11900];
	[tilespmem:$0x1FD60] =	vst v1;
	v1 =	vsub.f32 v37, v38  }
0x1dd: {  	vm5 =	veq.s32 v62, $0x0;
	v28 =	vsub.f32 v54, v48;
	v23 =	vsub.f32 v29, v23;
	v38 =	vld [tilespmem:s0+$0x3900]  }
0x1de: {  	vm2 =	veq.s32 v63, $0x0;
	v6 =	vsub.f32 v51, v53;
	v20 =	vsub.f32 v20, v0;
	v37 =	vld [tilespmem:s0+$0x12600];
	s0 =	simm.s32 $0x1;
	[tilespmem:$0x1FD80] =	vst v1  }
.LBB2_6:
0x1df: {  	v1 =	vld [tilespmem:$0x1FCE0]  }
0x1e0: {  	s21 =	sshll.u32 s0, $0x7;
	s1 =	sadd.s32 $0x10, s1;
	v2 =	vld [tilespmem:$0x1FCF0]  }
0x1e1: {  	v3 =	vld [tilespmem:$0x1FD80];
	s22 =	sand.u32 $0x70, s1;
	s21 =	sand.u32 $0x3FFFFC00, s21  }
0x1e2: {  	s23 =	sshll.u32 s0, $0x6;
	vm6 =	veq.s32 v10, $0x0;
	v10 =	vld [tilespmem:s31+$0x380];
	s31 =	sor.u32 s22, s21  }
0x1e3: {  	s23 =	sand.u32 $0xFFFFFE00, s23;
	v29 =	vsub.f32 v30, v33;
	v33 =	vmul.f32 v22, v22;
	v22 =	vsub.f32 v39, v7;
	v7 =	vld [tilespmem:s31+$0x300]  }
0x1e4: {  	v56 =	vsub.f32 v8, v9;
	s21 =	sor.u32 s22, s23;
	v8 =	vld [tilespmem:s31+$0x280]  }
0x1e5: {  	v57 =	vmul.f32 v13, v13;
	v13 =	vld [tilespmem:s21+$0x17B80]  }
0x1e6: {  	v55 =	vmul.f32 v14, v14;
	v14 =	vld [tilespmem:s21+$0x9B80]  }
0x1e7: {  	v9 =	vld [tilespmem:s31+$0x200]  }
0x1e8: {  	v0 =	vsub.f32 v36, v38;
	v36 =	vmul.f32 v16, v16;
	v16 =	vld [tilespmem:s21+$0x16D80]  }
0x1e9: {  	v27 =	vmul.f32 v27, v27;
	v45 =	vmul.f32 v17, v17;
	v17 =	vld [tilespmem:s21+$0x8D80]  }
0x1ea: {  	v59 =	vmul.f32 v18, v18;
	v24 =	vmul.f32 v24, v24;
	v18 =	vld [tilespmem:s21+$0x17B00]  }
0x1eb: {  	v49 =	vmul.f32 v20, v20;
	v20 =	vld [tilespmem:s21+$0x9B00]  }
0x1ec: {  	v26 =	vmul.f32 v26, v26;
	v31 =	vmul.f32 v31, v31;
	v27 =	vadd.f32 v24, v27;
	v24 =	vld [tilespmem:s21+$0x16D00]  }
0x1ed: {  	v52 =	vmul.f32 v15, v15;
	v15 =	vld [tilespmem:s21+$0x17A00]  }
0x1ee: {  	v53 =	vmul.f32 v11, v11;
	v6 =	vmul.f32 v6, v6;
	v31 =	vadd.f32 v31, v26;
	v11 =	vld [tilespmem:s21+$0x17A80]  }
0x1ef: {  	v30 =	vsub.f32 v37, v40;
	v37 =	vld [tilespmem:s21+$0x15180]  }
0x1f0: {  	v6 =	vadd.f32 v6, v31;
	v31 =	vld [tilespmem:s21+$0x7180]  }
0x1f1: {  	v43 =	vmul.f32 v25, v25;
	v25 =	vmul.f32 v32, v32;
	v32 =	vld [tilespmem:s21+$0x15F00]  }
0x1f2: {  	v60 =	vmul.f32 v34, v34;
	v34 =	vld [tilespmem:s21+$0x16C00]  }
0x1f3: {  	v47 =	vmul.f32 v12, v12;
	v21 =	vmul.f32 v21, v21;
	v39 =	vld [tilespmem:s21+$0x16C80]  }
0x1f4: {  	v40 =	vld [tilespmem:s21+$0x8C80]  }
0x1f5: {  	v21 =	vadd.f32 v21, v47;
	v58 =	vsub.f32 v41, v42;
	v41 =	vld [tilespmem:s21+$0x14380]  }
0x1f6: {  	v47 =	vld [tilespmem:s21+$0x15E80]  }
0x1f7: {  	v21 =	vadd.f32 v52, v21;
	v52 =	vld [tilespmem:s21+$0x6300]  }
0x1f8: {  	v28 =	vmul.f32 v28, v28;
	v50 =	vmul.f32 v22, v22;
	v22 =	vld [tilespmem:s21+$0x15F80]  }
0x1f9: {  	v5 =	vmul.f32 v3, v3;
	v62 =	vmul.f32 v58, v58;
	v58 =	vld [tilespmem:$0x1FD60]  }
0x1fa: {  	v28 =	vadd.f32 v28, v55;
	v55 =	vadd.f32 v59, v21;
	v21 =	vld [tilespmem:s31+$0x100]  }
0x1fb: {  	v12 =	vmul.f32 v56, v56;
	v5 =	vadd.f32 v5, v27;
	v27 =	vld [tilespmem:s21+$0x7F00]  }
0x1fc: {  	v29 =	vmul.f32 v29, v29;
	v6 =	vadd.f32 v33, v6;
	v33 =	vld [tilespmem:s21+$0x5480]  }
0x1fd: {  	v30 =	vmul.f32 v30, v30;
	v38 =	vadd.f32 v62, v12;
	v12 =	vld [tilespmem:s31+$0x180]  }
0x1fe: {  	v29 =	vadd.f32 v29, v49;
	v49 =	vld [tilespmem:s21+$0x13580]  }
0x1ff: {  	v0 =	vmul.f32 v0, v0;
	v30 =	vadd.f32 v50, v30;
	v50 =	vmul.f32 v23, v23;
	v23 =	vld [tilespmem:s21+$0x6280]  }
0x200: {  	v5 =	vadd.f32 v36, v5;
	v36 =	vld [tilespmem:s21+$0x11900]  }
0x201: {  	v0 =	vadd.f32 v0, v38;
	v38 =	vld [tilespmem:s21+$0x7F80]  }
0x202: {  	v26 =	vadd.f32 v50, v30;
	v30 =	vmul.f32 v19, v19;
	v19 =	vld [tilespmem:s21+$0x8D00]  }
0x203: {  	v29 =	vadd.f32 v60, v29;
	v60 =	vld [tilespmem:$0x1FD30]  }
0x204: {  	v51 =	vimm.f32 $1.000000000e+00;
	v50 =	vld [tilespmem:s21+$0x5580]  }
0x205: {  	v42 =	vsel vm1, $0x0, v51;
	vm1 =	veq.s32 v8, $0x0;
	v8 =	vld [tilespmem:s21+$0x11800]  }
0x206: {  	v44 =	vsel vm3, $0x0, v51;
	vm3 =	veq.s32 v9, $0x0;
	v9 =	vld [tilespmem:s21+$0x3800]  }
0x207: {  	v35 =	vmul.f32 v35, v35;
	v4 =	vmul.f32 v58, v58;
	v58 =	vld [tilespmem:s21+$0x4780]  }
0x208: {  	v48 =	vsel vm6, $0x0, v51;
	v26 =	vadd.f32 v30, v26;
	v30 =	vadd.f32 v45, v25;
	v25 =	vld [tilespmem:s21+$0x9A00]  }
0x209: {  	v1 =	vadd.f32 v48, v1;
	v0 =	vadd.f32 v35, v0;
	v35 =	vld [tilespmem:s21+$0x8C00]  }
0x20a: {  	v63 =	vsel vm2, $0x0, v51;
	v29 =	vadd.f32 v43, v29;
	v43 =	vld [tilespmem:s31+$0x80]  }
0x20b: {  	v1 =	vadd.f32 v63, v1;
	v45 =	vld [tilespmem:s21+$0x15E00]  }
0x20c: {  	v46 =	vsel vm5, $0x0, v51;
	v54 =	vmul.f32 v26, v63;
	v26 =	vld [tilespmem:s21+$0x9A80]  }
0x20d: {  	v1 =	vadd.f32 v46, v1;
	v56 =	vmul.f32 v29, v46;
	v46 =	vld [tilespmem:s21+$0x7E00]  }
0x20e: {  	v61 =	vsel vm4, $0x0, v51;
	v0 =	vmul.f32 v0, v48;
	v48 =	vld [tilespmem:s21+$0x7E80]  }
0x20f: {  	v1 =	vadd.f32 v61, v1;
	v30 =	vadd.f32 v53, v30;
	v53 =	vld [tilespmem:s21+$0x15000]  }
0x210: {  	v29 =	vld [tilespmem:s21+$0x5400]  }
0x211: {  	v1 =	vadd.f32 v44, v1;
	v3 =	vmul.f32 v60, v60;
	v60 =	vld [tilespmem:s21+$0x5500]  }
0x212: {  	v22 =	vsub.f32 v22, v38;
	v38 =	vld [tilespmem:s21+$0x3900];
	v30 =	vadd.f32 v57, v30  }
0x213: {  	v57 =	vmul.f32 v55, v61;
	v61 =	vmul.f32 v6, v42;
	v1 =	vadd.f32 v42, v1;
	v42 =	vld [tilespmem:s21+$0x6380]  }
0x214: {  	v6 =	vsel vm0, $0x0, v51;
	vm0 =	veq.s32 v10, $0x0;
	v10 =	vld [tilespmem:s31+$0x0]  }
0x215: {  	v4 =	vadd.f32 v4, v28;
	v55 =	vld [tilespmem:s21+$0x15080]  }
0x216: {  	v0 =	vadd.f32 v0, v2;
	v2 =	vld [tilespmem:s21+$0x3980]  }
0x217: {  	v3 =	vadd.f32 v3, v4;
	v4 =	vsel vm0, $0x0, v51;
	v51 =	vld [tilespmem:s21+$0x14300]  }
0x218: {  	v62 =	vmul.f32 v5, v6;
	v5 =	vld [tilespmem:s21+$0x13400];
	v0 =	vadd.f32 v54, v0  }
0x219: {  	vm0 =	veq.s32 v7, $0x0;
	v7 =	vld [tilespmem:s21+$0x4680]  }
0x21a: {  	v59 =	vmul.f32 v30, v44;
	v44 =	vld [tilespmem:s21+$0x15100];
	v0 =	vadd.f32 v56, v0  }
0x21b: {  	v54 =	vld [tilespmem:s21+$0x7000]  }
0x21c: {  	v16 =	vsub.f32 v16, v17;
	v30 =	vld [tilespmem:s21+$0x13480];
	v0 =	vadd.f32 v57, v0  }
0x21d: {  	v1 =	vadd.f32 v6, v1;
	v6 =	vsub.f32 v13, v14;
	v63 =	vmul.f32 v3, v4;
	v3 =	vld [tilespmem:s21+$0x12700]  }
0x21e: {  	v14 =	vsub.f32 v15, v25;
	v56 =	vld [tilespmem:s21+$0x7080];
	v0 =	vadd.f32 v59, v0  }
0x21f: {  	v13 =	vsub.f32 v37, v31;
	v1 =	vadd.f32 v4, v1;
	v4 =	vld [tilespmem:s21+$0x4700]  }
0x220: {  	v25 =	vsub.f32 v49, v50;
	[tilespmem:$0x1FD30] =	vst v6;
	v57 =	vld [tilespmem:s21+$0x12780];
	v0 =	vadd.f32 v61, v0  }
0x221: {  	v28 =	vsub.f32 v11, v26;
	v6 =	vsub.f32 v18, v20;
	[tilespmem:$0x1FCE0] =	vst v1;
	v1 =	vld [tilespmem:s21+$0x11980]  }
0x222: {  	v26 =	vsub.f32 v45, v46;
	v59 =	vld [tilespmem:s21+$0x13500];
	v0 =	vadd.f32 v62, v0  }
0x223: {  	v31 =	vsub.f32 v47, v48;
	[tilespmem:$0x1FD60] =	vst v6;
	v6 =	vsub.f32 v24, v19;
	v61 =	vld [tilespmem:s21+$0x14200]  }
0x224: {  	v18 =	vsub.f32 v41, v42;
	v62 =	vld [tilespmem:s21+$0x6200];
	v0 =	vadd.f32 v63, v0  }
0x225: {  	v24 =	vsub.f32 v39, v40;
	v15 =	vsub.f32 v51, v52;
	[tilespmem:$0x1FD80] =	vst v6;
	v63 =	vld [tilespmem:s21+$0x14280]  }
0x226: {  	p0 =	sne.s32 s0, $0x37;
	v20 =	vsub.f32 v5, v29;
	v6 =	vsub.f32 v32, v27;
	[tilespmem:$0x1FCF0] =	vst v0;
	v0 =	vld [tilespmem:s21+$0x7100]  }
.Ltmp2:
0x227: {  	v37 =	vld [tilespmem:s21+$0x12600];
	v27 =	vsub.f32 v34, v35;
	v32 =	vsub.f32 v53, v54;
	(pc) =	sbr.rel @p0 .LBB2_6-.Ltmp2, $4  }
0x228: {  	v41 =	vld [tilespmem:s21+$0x11880];
	v17 =	vsub.f32 v55, v56;
	v19 =	vsub.f32 v57, v58  }
0x229: {  	vm5 =	veq.s32 v21, $0x0;
	v42 =	vld [tilespmem:s21+$0x3880];
	v35 =	vsub.f32 v1, v2;
	v34 =	vsub.f32 v59, v60  }
0x22a: {  	vm4 =	veq.s32 v12, $0x0;
	v40 =	vld [tilespmem:s21+$0x4600];
	v12 =	vsub.f32 v61, v62;
	v21 =	vsub.f32 v63, v23  }
0x22b: {  	s0 =	sadd.s32 $0x1, s0;
	vm2 =	veq.s32 v43, $0x0;
	v39 =	vld [tilespmem:s21+$0x12680];
	v23 =	vsub.f32 v3, v4;
	v11 =	vsub.f32 v44, v0  }
0x22c: {  	v2 =	vmul.f32 v22, v22  }
0x22d: {  	v3 =	vmul.f32 v16, v16;
	v5 =	vmul.f32 v14, v14  }
0x22e: {  	v51 =	vmul.f32 v28, v28;
	v13 =	vmul.f32 v13, v13  }
0x22f: {  	v52 =	vmul.f32 v27, v27;
	v53 =	vmul.f32 v18, v18  }
0x230: {  	vm6 =	veq.s32 v10, $0x0;
	v54 =	vmul.f32 v24, v24;
	v56 =	vmul.f32 v26, v26  }
0x231: {  	v0 =	vsub.f32 v36, v38;
	v57 =	vmul.f32 v31, v31;
	v25 =	vmul.f32 v25, v25  }
0x232: {  	v1 =	vsub.f32 v30, v33;
	v59 =	vmul.f32 v32, v32;
	v60 =	vmul.f32 v34, v34  }
0x233: {  	v8 =	vsub.f32 v8, v9;
	v17 =	vmul.f32 v17, v17;
	v61 =	vmul.f32 v35, v35  }
0x234: {  	v36 =	vimm.f32 $1.000000000e+00;
	v12 =	vmul.f32 v12, v12;
	v20 =	vmul.f32 v20, v20  }
0x235: {  	v6 =	vmul.f32 v6, v6;
	v58 =	vsel vm3, $0x0, v36;
	v55 =	vsub.f32 v41, v42  }
0x236: {  	v29 =	vsel vm4, $0x0, v36;
	v63 =	vsel vm2, $0x0, v36;
	v8 =	vmul.f32 v8, v8  }
0x237: {  	v4 =	vsub.f32 v37, v40;
	v7 =	vsub.f32 v39, v7;
	v18 =	vmul.f32 v55, v55  }
0x238: {  	v38 =	vmul.f32 v23, v23;
	v0 =	vmul.f32 v0, v0;
	v14 =	vadd.f32 v54, v52  }
0x239: {  	v4 =	vmul.f32 v4, v4;
	v8 =	vadd.f32 v18, v8;
	v7 =	vmul.f32 v7, v7  }
0x23a: {  	v1 =	vmul.f32 v1, v1;
	v5 =	vadd.f32 v51, v5;
	v43 =	vadd.f32 v17, v59  }
0x23b: {  	v44 =	vld [tilespmem:$0x1FCE0];
	v41 =	vmul.f32 v19, v19;
	v0 =	vadd.f32 v0, v8;
	v4 =	vadd.f32 v7, v4  }
0x23c: {  	v45 =	vld [tilespmem:$0x1FCF0];
	v42 =	vmul.f32 v15, v15;
	v40 =	vadd.f32 v57, v56;
	v1 =	vadd.f32 v1, v20  }
0x23d: {  	v39 =	vmul.f32 v21, v21;
	v0 =	vadd.f32 v61, v0;
	v4 =	vadd.f32 v38, v4  }
0x23e: {  	v37 =	vsel vm6, $0x0, v36;
	v6 =	vadd.f32 v6, v40;
	v1 =	vadd.f32 v60, v1  }
0x23f: {  	v48 =	vld [tilespmem:$0x1FD80];
	v8 =	vadd.f32 v39, v12;
	v0 =	vmul.f32 v0, v37;
	v4 =	vadd.f32 v41, v4  }
0x240: {  	v11 =	vmul.f32 v11, v11;
	v1 =	vadd.f32 v25, v1;
	v12 =	vadd.f32 v37, v44  }
0x241: {  	v8 =	vadd.f32 v42, v8;
	v0 =	vadd.f32 v0, v45;
	v4 =	vmul.f32 v4, v63  }
0x242: {  	v62 =	vsel vm5, $0x0, v36;
	v52 =	vld [tilespmem:$0x1FD60];
	v7 =	vadd.f32 v11, v43;
	v46 =	vadd.f32 v63, v12  }
0x243: {  	v56 =	vld [tilespmem:$0x1FD30];
	v1 =	vmul.f32 v1, v62;
	v8 =	vadd.f32 v53, v8;
	v0 =	vadd.f32 v4, v0  }
0x244: {  	v47 =	vadd.f32 v13, v7;
	v7 =	vmul.f32 v48, v48;
	v9 =	vadd.f32 v62, v46  }
0x245: {  	v49 =	vld [tilespmem:s31+$0x380];
	v2 =	vadd.f32 v2, v6;
	v50 =	vmul.f32 v8, v29;
	v0 =	vadd.f32 v1, v0  }
0x246: {  	v55 =	vsel vm1, $0x0, v36;
	v51 =	vadd.f32 v7, v14;
	v53 =	vadd.f32 v29, v9  }
0x247: {  	v7 =	vmul.f32 v52, v52;
	v54 =	vmul.f32 v47, v58;
	v0 =	vadd.f32 v50, v0  }
0x248: {  	v6 =	vmul.f32 v56, v56;
	v3 =	vadd.f32 v3, v51;
	v58 =	vadd.f32 v58, v53  }
0x249: {  	v57 =	vmul.f32 v2, v55;
	v5 =	vadd.f32 v7, v5;
	v0 =	vadd.f32 v54, v0  }
0x24a: {  	v59 =	vsel vm0, $0x0, v36;
	vm15 =	veq.s32 v49, $0x0;
	v2 =	vadd.f32 v55, v58  }
0x24b: {  	v5 =	vadd.f32 v6, v5;
	v60 =	vmul.f32 v3, v59;
	v0 =	vadd.f32 v57, v0  }
0x24c: {  	v61 =	vsel vm15, $0x0, v36;
	v2 =	vadd.f32 v59, v2  }
0x24d: {  	v62 =	vmul.f32 v5, v61;
	v0 =	vadd.f32 v60, v0  }
0x24e: {  	v63 =	vadd.f32 v61, v2  }
0x24f: {  	s30 =	sadd.s32 $0x1, s30;
	v0 =	vadd.f32 v62, v0  }
0x250: {  	p0 =	sne.s32 s30, s13;
	[tilespmem:$0x1F810] =	vst v63  }
.Ltmp3:
0x251: {  	[tilespmem:$0x1F800] =	vst v0;
	(pc) =	sbr.rel @p0 .LBB2_1-.Ltmp3, $4  }
0x252: {  	[hbm4b:s12+s2] =	stream.linear.scatter [tilespmem:s28], [sflag:$0x7], $0x80, $0x38;
	[tilespmem:$0x1F880] =	vst v63  }
0x253: {  	_ =	swait.ge [sflag:s29], $0x80  }
0x254: {  	[sflag:s29] =	ssyncset.done $0x0  }
0x255: {  	[sflag:s29] =	ssyncadd.s32 $0xFFFFFF80  }
0x256: {  	_ =	sfence.sel $0x180000  }
0x257: {  	[bflag:$0x0] =	sbarrier.arrive $0xFFFF  }
0x258: {  	_ =	strace $0x90000047  }
0x259: {  	s0 =	stileid.u32;
	[bflag:$0x2] =	sbarrier.arrive $0xFFFF  }
0x25a: {  	p0 =	sne.s32 s0, $0x0;
	s0 =	rddreg [dreg:$0x4]  }
0x25b: {  	s0 =	sadd.s32 @!p0 $0x100000, s0  }
0x25c: {  	[sflag:s0] =	ssyncadd.tile.s32 @!p0 $0x1;
	_ =	shalt  }
.Lfunc_end2:
_tile_overlayer_lowered:
.L_overlay_start_2:
0x25d: {  	(tag) =	ssettag $0x2  }
0x25e: {  	s0 =	rddreg [dreg:$0x0];
	s2 =	stileid.u32  }
0x25f: {  	s1 =	rddreg [dreg:$0x1];
	p0 =	sne.s32 s2, $0x0  }
0x260: {  	s3 =	rddreg [dreg:$0x2];
	[bflag:$0x3] =	sbarrier.arrive $0xFFFF;
	s2 =	simm.s32 @!p0 $0x1C07  }
0x261: {  	[timem:s3], [sflag:s2] =	dma.local @!p0 [hbm:s0], s1  }
0x262: {  	s0 =	simm.s32 @!p0 $0x7  }
0x263: {  	_ =	swait.ge @!p0 [sflag:s0], s1  }
0x264: {  	s1 =	ssub.s32 @!p0 $0x0, s1;
	[sflag:s0] =	ssyncset.done @!p0 $0x0  }
0x265: {  	[sflag:s0] =	ssyncadd.s32 @!p0 s1  }
0x266: {  	[bflag:$0x3] =	sbarrier.arrive $0xFFFF  }
0x267: {  	_ =	shalt  }

</sc_bundles>
